<compile_context>
chip_gen: v7x
topology: tpu7x:2x2x1
jax: 0.10.2.dev20260603
libtpu: 0.0.44.dev20260713+nightly
codegen_flags: <defaults>
</compile_context>

<pallas_src>
import functools

import jax
import jax.numpy as jnp
from jax import lax
from jax.experimental import pallas as pl
from jax.experimental.pallas import tpu as pltpu
from jax.experimental.pallas import tpu_sc as plsc

B = 4096
L = 50
D = 64
LANES = 16
NC = 2
NS = 16
NW = NC * NS
ROWS_PER_W = B // NW
CHUNK_ROWS = 16
IDX_RAW = CHUNK_ROWS * L
IDX_PAD = 800
CHUNKS_PER_W = ROWS_PER_W // CHUNK_ROWS
NBUF = 2


def _worker_body(idx_hbm, table_hbm, out_hbm, idx_v, rows, out_v, sems):
  wid = lax.axis_index("s") * NC + lax.axis_index("c")
  base_chunk = wid * CHUNKS_PER_W
  pltpu.sync_copy(idx_hbm.at[pl.ds(base_chunk, CHUNKS_PER_W)], idx_v)
  lane = lax.iota(jnp.int32, LANES)

  def gather(j, b):
    return pltpu.make_async_copy(table_hbm.at[idx_v.at[j]], rows[b], sems[b])

  for b in range(NBUF):
    gather(b, b).start()

  def step(p, carry):
    for b in range(NBUF):
      j = p * NBUF + b
      gather(j, b).wait()
      buf = rows[b]

      def row_body(r, carry2):
        base = r * L
        col = jnp.full((LANES,), j * CHUNK_ROWS + r, jnp.int32)
        for d in range(D // LANES):
          acc = buf[base, pl.ds(d * LANES, LANES)]
          for s in range(1, L):
            acc = jnp.maximum(acc, buf[base + s, pl.ds(d * LANES, LANES)])
          plsc.store_scatter(out_v, [lane + d * LANES, col], acc)
        return carry2

      lax.fori_loop(0, CHUNK_ROWS, row_body, None)

      nxt = j + NBUF

      @pl.when(nxt < CHUNKS_PER_W)
      def _():
        gather(nxt, b).start()
    return carry

  lax.fori_loop(0, CHUNKS_PER_W // NBUF, step, None)
  pltpu.sync_copy(out_v, out_hbm.at[:, pl.ds(wid * ROWS_PER_W, ROWS_PER_W)])


@functools.partial(
    pl.kernel,
    out_type=jax.ShapeDtypeStruct((D, B), jnp.float32),
    mesh=plsc.VectorSubcoreMesh(core_axis_name="c", subcore_axis_name="s"),
    scratch_types=[
        pltpu.VMEM((CHUNKS_PER_W, IDX_PAD), jnp.int32),
        [pltpu.VMEM((IDX_PAD, D), jnp.float32) for _ in range(NBUF)],
        pltpu.VMEM((D, ROWS_PER_W), jnp.float32),
        [pltpu.SemaphoreType.DMA for _ in range(NBUF)],
    ],
    compiler_params=pltpu.CompilerParams(
        use_tc_tiling_on_sc=False, needs_layout_passes=False),
)
def _sc_embed_maxpool(idx_hbm, table_hbm, out_hbm, idx_v, rows, out_v, sems):
  _worker_body(idx_hbm, table_hbm, out_hbm, idx_v, rows, out_v, sems)


def kernel(char_ids, table):
  idx = 2 * char_ids.astype(jnp.int32).reshape(NW * CHUNKS_PER_W, IDX_RAW)
  if IDX_PAD > IDX_RAW:
    idx = jnp.pad(idx, ((0, 0), (0, IDX_PAD - IDX_RAW)))
  vocab = table.shape[0]
  tab128 = jnp.pad(table, ((0, 0), (0, D)))
  tab_lin = tab128.reshape(2 * vocab, D)
  out_t = _sc_embed_maxpool(idx, tab_lin)
  return out_t.T

# --- scband reference (transcript-rebuilt; emitter-appended) ---
"""Pipeline reference for scband-torch-embeddings-86535001080301 (READ-ONLY COPY).

The authoritative reference and input builder live on the scoring server;
editing this copy changes nothing except your own understanding.
"""

import jax, jax.numpy as jnp
import numpy as np

VOCAB = 100000
EMBED_DIM = 64
BATCH = 4096
SEQ = 50

def setup_inputs(seed: int = 0) -> dict:
    key = jax.random.key(seed)
    k_idx, k_tab = jax.random.split(key)
    char_ids = jax.random.randint(k_idx, (BATCH, SEQ), 0, VOCAB, dtype=jnp.int64 if jax.config.jax_enable_x64 else jnp.int32)
    table = jax.random.normal(k_tab, (VOCAB, EMBED_DIM), dtype=jnp.float32)
    return {"char_ids": char_ids, "table": table}

def reference(char_ids, table):
    # Embedding lookup: [B, L] -> [B, L, D]
    char_embeddings = jnp.take(table, char_ids, axis=0)
    # Max-pool over the character/sequence dimension (dim=0 in the per-text
    # original -> the seq axis in batched form): [B, L, D] -> [B, D]
    text_embedding = jnp.max(char_embeddings, axis=1)
    return text_embedding

if __name__ == "__main__":
    import jax
    _d = setup_inputs()
    print(jax.jit(kernel)(*tuple(_d.values())))

</pallas_src>

<mosaic_0001>
#map = affine_map<(d0, d1) -> (0, 0)>
module attributes {stable_mosaic.version = 14 : i64} {
  func.func @_sc_embed_maxpool(%arg0: i32, %arg1: i32, %arg2: memref<256x800xi32, #tpu.memory_space<hbm>>, %arg3: memref<200000x64xf32, #tpu.memory_space<hbm>>, %arg4: memref<64x4096xf32, #tpu.memory_space<hbm>>, %arg5: memref<8x800xi32, #tpu.memory_space<vmem>>, %arg6: memref<800x64xf32, #tpu.memory_space<vmem>>, %arg7: memref<800x64xf32, #tpu.memory_space<vmem>>, %arg8: memref<64x128xf32, #tpu.memory_space<vmem>>, %arg9: memref<!tpu.dma_semaphore, #tpu.memory_space<semaphore_mem>>, %arg10: memref<!tpu.dma_semaphore, #tpu.memory_space<semaphore_mem>>) attributes {dimension_semantics = [#tpu.dimension_semantics<core_parallel>, #tpu.dimension_semantics<subcore_parallel>], iteration_bounds = array<i64: 2, 16>, scalar_prefetch = 0 : i64, scratch_operands = 6 : i64, tpu.core_type = #tpu.core_type<sc_vector_subcore>, window_params = [{transform_indices = #map}, {transform_indices = #map}, {transform_indices = #map}]} {
    %mul3A = arith.constant 2 : i32
    %mul3A_0 = arith.muli %arg1, %mul3A : i32
    %add3A = arith.addi %mul3A_0, %arg0 : i32
    %mul3A_1 = arith.constant 8 : i32
    %mul3A_2 = arith.muli %add3A, %mul3A_1 : i32
    "tpu.region"() ({
      %run_scoped3A = tpu.sem_alloc : memref<!tpu.dma_semaphore, #tpu.memory_space<semaphore_mem>>
      %dma_start3A_22 = arith.constant 0 : i32
      %dma_start3A_23 = tpu.memref_slice %arg2[%mul3A_2, %dma_start3A_22] : memref<256x800xi32, #tpu.memory_space<hbm>> -> memref<8x800xi32, #tpu.memory_space<hbm>>
      %dma_start3A_24 = arith.constant 0 : i32
      %dma_start3A_25 = tpu.memref_slice %arg2[%mul3A_2, %dma_start3A_24] : memref<256x800xi32, #tpu.memory_space<hbm>> -> memref<8x800xi32, #tpu.memory_space<hbm>>
      tpu.enqueue_dma source(%dma_start3A_25 : memref<8x800xi32, #tpu.memory_space<hbm>>) target(%arg5 : memref<8x800xi32, #tpu.memory_space<vmem>>) target_semaphore(%run_scoped3A : memref<!tpu.dma_semaphore, #tpu.memory_space<semaphore_mem>>)
      %dma_wait3A = arith.constant 0 : i32
      %dma_wait3A_26 = tpu.memref_slice %arg2[%mul3A_2, %dma_wait3A] : memref<256x800xi32, #tpu.memory_space<hbm>> -> memref<8x800xi32, #tpu.memory_space<hbm>>
      %dma_wait3A_27 = arith.constant 0 : i32
      %dma_wait3A_28 = tpu.memref_slice %arg2[%mul3A_2, %dma_wait3A_27] : memref<256x800xi32, #tpu.memory_space<hbm>> -> memref<8x800xi32, #tpu.memory_space<hbm>>
      tpu.wait_dma2 semaphore(%run_scoped3A : memref<!tpu.dma_semaphore, #tpu.memory_space<semaphore_mem>>) src(%dma_wait3A_28 : memref<8x800xi32, #tpu.memory_space<hbm>>) dst(%arg5 : memref<8x800xi32, #tpu.memory_space<vmem>>)
      tpu.yield
    }) : () -> ()
    %iota3A = tpu.iota {dimensions = array<i32: 0>} : vector<16xi32>
    %dma_start3A = arith.constant 0 : i32
    %dma_start3A_3 = arith.constant 0 : i32
    %dma_start3A_4 = tpu.memref_slice %arg5[%dma_start3A, %dma_start3A_3] : memref<8x800xi32, #tpu.memory_space<vmem>> -> memref<1x800xi32, #tpu.memory_space<vmem>>
    %dma_start3A_5 = tpu.memref_squeeze %dma_start3A_4 : memref<1x800xi32, #tpu.memory_space<vmem>> -> memref<800xi32, #tpu.memory_space<vmem>>
    %dma_start3A_6 = arith.constant 0 : i32
    %dma_start3A_7 = arith.constant 0 : i32
    %dma_start3A_8 = tpu.memref_slice %arg3[%dma_start3A_6, %dma_start3A_7] : memref<200000x64xf32, #tpu.memory_space<hbm>> -> memref<200000x64xf32, #tpu.memory_space<hbm>>
    tpu.enqueue_indirect_dma source(%dma_start3A_8 : memref<200000x64xf32, #tpu.memory_space<hbm>>) target(%arg6 : memref<800x64xf32, #tpu.memory_space<vmem>>) offsets(%dma_start3A_5 : memref<800xi32, #tpu.memory_space<vmem>>) semaphore(%arg9 : memref<!tpu.dma_semaphore, #tpu.memory_space<semaphore_mem>>)
    %dma_start3A_9 = arith.constant 1 : i32
    %dma_start3A_10 = arith.constant 0 : i32
    %dma_start3A_11 = tpu.memref_slice %arg5[%dma_start3A_9, %dma_start3A_10] : memref<8x800xi32, #tpu.memory_space<vmem>> -> memref<1x800xi32, #tpu.memory_space<vmem>>
    %dma_start3A_12 = tpu.memref_squeeze %dma_start3A_11 : memref<1x800xi32, #tpu.memory_space<vmem>> -> memref<800xi32, #tpu.memory_space<vmem>>
    %dma_start3A_13 = arith.constant 0 : i32
    %dma_start3A_14 = arith.constant 0 : i32
    %dma_start3A_15 = tpu.memref_slice %arg3[%dma_start3A_13, %dma_start3A_14] : memref<200000x64xf32, #tpu.memory_space<hbm>> -> memref<200000x64xf32, #tpu.memory_space<hbm>>
    tpu.enqueue_indirect_dma source(%dma_start3A_15 : memref<200000x64xf32, #tpu.memory_space<hbm>>) target(%arg7 : memref<800x64xf32, #tpu.memory_space<vmem>>) offsets(%dma_start3A_12 : memref<800xi32, #tpu.memory_space<vmem>>) semaphore(%arg10 : memref<!tpu.dma_semaphore, #tpu.memory_space<semaphore_mem>>)
    %scan3A = arith.constant 0 : i32
    %scan3A_16 = arith.constant 4 : i32
    %scan3A_17 = arith.addi %scan3A, %scan3A_16 : i32
    %scan3A_18 = arith.constant 1 : i32
    scf.for %scan3A_22 = %scan3A to %scan3A_17 step %scan3A_18  : i32 {
      %mul3A_23 = arith.constant 2 : i32
      %mul3A_24 = arith.muli %scan3A_22, %mul3A_23 : i32
      %add3A_25 = arith.constant 0 : i32
      %add3A_26 = arith.addi %mul3A_24, %add3A_25 : i32
      %dma_wait3A = arith.constant 0 : i32
      %dma_wait3A_27 = tpu.memref_slice %arg5[%add3A_26, %dma_wait3A] : memref<8x800xi32, #tpu.memory_space<vmem>> -> memref<1x800xi32, #tpu.memory_space<vmem>>
      %dma_wait3A_28 = tpu.memref_squeeze %dma_wait3A_27 : memref<1x800xi32, #tpu.memory_space<vmem>> -> memref<800xi32, #tpu.memory_space<vmem>>
      %dma_wait3A_29 = arith.constant 0 : i32
      %dma_wait3A_30 = arith.constant 0 : i32
      %dma_wait3A_31 = tpu.memref_slice %arg3[%dma_wait3A_29, %dma_wait3A_30] : memref<200000x64xf32, #tpu.memory_space<hbm>> -> memref<200000x64xf32, #tpu.memory_space<hbm>>
      tpu.wait_indirect_dma semaphore(%arg9 : memref<!tpu.dma_semaphore, #tpu.memory_space<semaphore_mem>>) src(%dma_wait3A_31 : memref<200000x64xf32, #tpu.memory_space<hbm>>) dst(%arg6 : memref<800x64xf32, #tpu.memory_space<vmem>>)
      %scan3A_32 = arith.constant 0 : i32
      %scan3A_33 = arith.constant 16 : i32
      %scan3A_34 = arith.addi %scan3A_32, %scan3A_33 : i32
      %scan3A_35 = arith.constant 1 : i32
      scf.for %scan3A_63 = %scan3A_32 to %scan3A_34 step %scan3A_35  : i32 {
        %mul3A_64 = arith.constant 50 : i32
        %mul3A_65 = arith.muli %scan3A_63, %mul3A_64 : i32
        %mul3A_66 = arith.constant 16 : i32
        %mul3A_67 = arith.muli %add3A_26, %mul3A_66 : i32
        %add3A_68 = arith.addi %mul3A_67, %scan3A_63 : i32
        %broadcast_in_dim3A = vector.broadcast %add3A_68 : i32 to vector<16xi32>
        %get3A = arith.index_cast %mul3A_65 : i32 to index
        %get3A_69 = arith.constant 0 : index
        %get3A_70 = tpu.vector_load %arg6[%get3A, %get3A_69] {strides = array<i32>} : memref<800x64xf32, #tpu.memory_space<vmem>>, vector<16xf32>,
        %add3A_71 = arith.constant 1 : i32
        %add3A_72 = arith.addi %mul3A_65, %add3A_71 : i32
        %get3A_73 = arith.index_cast %add3A_72 : i32 to index
        %get3A_74 = arith.constant 0 : index
        %get3A_75 = tpu.vector_load %arg6[%get3A_73, %get3A_74] {strides = array<i32>} : memref<800x64xf32, #tpu.memory_space<vmem>>, vector<16xf32>,
        %max3A = arith.maximumf %get3A_70, %get3A_75 : vector<16xf32>
        %add3A_76 = arith.constant 2 : i32
        %add3A_77 = arith.addi %mul3A_65, %add3A_76 : i32
        %get3A_78 = arith.index_cast %add3A_77 : i32 to index
        %get3A_79 = arith.constant 0 : index
        %get3A_80 = tpu.vector_load %arg6[%get3A_78, %get3A_79] {strides = array<i32>} : memref<800x64xf32, #tpu.memory_space<vmem>>, vector<16xf32>,
        %max3A_81 = arith.maximumf %max3A, %get3A_80 : vector<16xf32>
        %add3A_82 = arith.constant 3 : i32
        %add3A_83 = arith.addi %mul3A_65, %add3A_82 : i32
        %get3A_84 = arith.index_cast %add3A_83 : i32 to index
        %get3A_85 = arith.constant 0 : index
        %get3A_86 = tpu.vector_load %arg6[%get3A_84, %get3A_85] {strides = array<i32>} : memref<800x64xf32, #tpu.memory_space<vmem>>, vector<16xf32>,
        %max3A_87 = arith.maximumf %max3A_81, %get3A_86 : vector<16xf32>
        %add3A_88 = arith.constant 4 : i32
        %add3A_89 = arith.addi %mul3A_65, %add3A_88 : i32
        %get3A_90 = arith.index_cast %add3A_89 : i32 to index
        %get3A_91 = arith.constant 0 : index
        %get3A_92 = tpu.vector_load %arg6[%get3A_90, %get3A_91] {strides = array<i32>} : memref<800x64xf32, #tpu.memory_space<vmem>>, vector<16xf32>,
        %max3A_93 = arith.maximumf %max3A_87, %get3A_92 : vector<16xf32>
        %add3A_94 = arith.constant 5 : i32
        %add3A_95 = arith.addi %mul3A_65, %add3A_94 : i32
        %get3A_96 = arith.index_cast %add3A_95 : i32 to index
        %get3A_97 = arith.constant 0 : index
        %get3A_98 = tpu.vector_load %arg6[%get3A_96, %get3A_97] {strides = array<i32>} : memref<800x64xf32, #tpu.memory_space<vmem>>, vector<16xf32>,
        %max3A_99 = arith.maximumf %max3A_93, %get3A_98 : vector<16xf32>
        %add3A_100 = arith.constant 6 : i32
        %add3A_101 = arith.addi %mul3A_65, %add3A_100 : i32
        %get3A_102 = arith.index_cast %add3A_101 : i32 to index
        %get3A_103 = arith.constant 0 : index
        %get3A_104 = tpu.vector_load %arg6[%get3A_102, %get3A_103] {strides = array<i32>} : memref<800x64xf32, #tpu.memory_space<vmem>>, vector<16xf32>,
        %max3A_105 = arith.maximumf %max3A_99, %get3A_104 : vector<16xf32>
        %add3A_106 = arith.constant 7 : i32
        %add3A_107 = arith.addi %mul3A_65, %add3A_106 : i32
        %get3A_108 = arith.index_cast %add3A_107 : i32 to index
        %get3A_109 = arith.constant 0 : index
        %get3A_110 = tpu.vector_load %arg6[%get3A_108, %get3A_109] {strides = array<i32>} : memref<800x64xf32, #tpu.memory_space<vmem>>, vector<16xf32>,
        %max3A_111 = arith.maximumf %max3A_105, %get3A_110 : vector<16xf32>
        %add3A_112 = arith.constant 8 : i32
        %add3A_113 = arith.addi %mul3A_65, %add3A_112 : i32
        %get3A_114 = arith.index_cast %add3A_113 : i32 to index
        %get3A_115 = arith.constant 0 : index
        %get3A_116 = tpu.vector_load %arg6[%get3A_114, %get3A_115] {strides = array<i32>} : memref<800x64xf32, #tpu.memory_space<vmem>>, vector<16xf32>,
        %max3A_117 = arith.maximumf %max3A_111, %get3A_116 : vector<16xf32>
        %add3A_118 = arith.constant 9 : i32
        %add3A_119 = arith.addi %mul3A_65, %add3A_118 : i32
        %get3A_120 = arith.index_cast %add3A_119 : i32 to index
        %get3A_121 = arith.constant 0 : index
        %get3A_122 = tpu.vector_load %arg6[%get3A_120, %get3A_121] {strides = array<i32>} : memref<800x64xf32, #tpu.memory_space<vmem>>, vector<16xf32>,
        %max3A_123 = arith.maximumf %max3A_117, %get3A_122 : vector<16xf32>
        %add3A_124 = arith.constant 10 : i32
        %add3A_125 = arith.addi %mul3A_65, %add3A_124 : i32
        %get3A_126 = arith.index_cast %add3A_125 : i32 to index
        %get3A_127 = arith.constant 0 : index
        %get3A_128 = tpu.vector_load %arg6[%get3A_126, %get3A_127] {strides = array<i32>} : memref<800x64xf32, #tpu.memory_space<vmem>>, vector<16xf32>,
        %max3A_129 = arith.maximumf %max3A_123, %get3A_128 : vector<16xf32>
        %add3A_130 = arith.constant 11 : i32
        %add3A_131 = arith.addi %mul3A_65, %add3A_130 : i32
        %get3A_132 = arith.index_cast %add3A_131 : i32 to index
        %get3A_133 = arith.constant 0 : index
        %get3A_134 = tpu.vector_load %arg6[%get3A_132, %get3A_133] {strides = array<i32>} : memref<800x64xf32, #tpu.memory_space<vmem>>, vector<16xf32>,
        %max3A_135 = arith.maximumf %max3A_129, %get3A_134 : vector<16xf32>
        %add3A_136 = arith.constant 12 : i32
        %add3A_137 = arith.addi %mul3A_65, %add3A_136 : i32
        %get3A_138 = arith.index_cast %add3A_137 : i32 to index
        %get3A_139 = arith.constant 0 : index
        %get3A_140 = tpu.vector_load %arg6[%get3A_138, %get3A_139] {strides = array<i32>} : memref<800x64xf32, #tpu.memory_space<vmem>>, vector<16xf32>,
        %max3A_141 = arith.maximumf %max3A_135, %get3A_140 : vector<16xf32>
        %add3A_142 = arith.constant 13 : i32
        %add3A_143 = arith.addi %mul3A_65, %add3A_142 : i32
        %get3A_144 = arith.index_cast %add3A_143 : i32 to index
        %get3A_145 = arith.constant 0 : index
        %get3A_146 = tpu.vector_load %arg6[%get3A_144, %get3A_145] {strides = array<i32>} : memref<800x64xf32, #tpu.memory_space<vmem>>, vector<16xf32>,
        %max3A_147 = arith.maximumf %max3A_141, %get3A_146 : vector<16xf32>
        %add3A_148 = arith.constant 14 : i32
        %add3A_149 = arith.addi %mul3A_65, %add3A_148 : i32
        %get3A_150 = arith.index_cast %add3A_149 : i32 to index
        %get3A_151 = arith.constant 0 : index
        %get3A_152 = tpu.vector_load %arg6[%get3A_150, %get3A_151] {strides = array<i32>} : memref<800x64xf32, #tpu.memory_space<vmem>>, vector<16xf32>,
        %max3A_153 = arith.maximumf %max3A_147, %get3A_152 : vector<16xf32>
        %add3A_154 = arith.constant 15 : i32
        %add3A_155 = arith.addi %mul3A_65, %add3A_154 : i32
        %get3A_156 = arith.index_cast %add3A_155 : i32 to index
        %get3A_157 = arith.constant 0 : index
        %get3A_158 = tpu.vector_load %arg6[%get3A_156, %get3A_157] {strides = array<i32>} : memref<800x64xf32, #tpu.memory_space<vmem>>, vector<16xf32>,
        %max3A_159 = arith.maximumf %max3A_153, %get3A_158 : vector<16xf32>
        %add3A_160 = arith.constant 16 : i32
        %add3A_161 = arith.addi %mul3A_65, %add3A_160 : i32
        %get3A_162 = arith.index_cast %add3A_161 : i32 to index
        %get3A_163 = arith.constant 0 : index
        %get3A_164 = tpu.vector_load %arg6[%get3A_162, %get3A_163] {strides = array<i32>} : memref<800x64xf32, #tpu.memory_space<vmem>>, vector<16xf32>,
        %max3A_165 = arith.maximumf %max3A_159, %get3A_164 : vector<16xf32>
        %add3A_166 = arith.constant 17 : i32
        %add3A_167 = arith.addi %mul3A_65, %add3A_166 : i32
        %get3A_168 = arith.index_cast %add3A_167 : i32 to index
        %get3A_169 = arith.constant 0 : index
        %get3A_170 = tpu.vector_load %arg6[%get3A_168, %get3A_169] {strides = array<i32>} : memref<800x64xf32, #tpu.memory_space<vmem>>, vector<16xf32>,
        %max3A_171 = arith.maximumf %max3A_165, %get3A_170 : vector<16xf32>
        %add3A_172 = arith.constant 18 : i32
        %add3A_173 = arith.addi %mul3A_65, %add3A_172 : i32
        %get3A_174 = arith.index_cast %add3A_173 : i32 to index
        %get3A_175 = arith.constant 0 : index
        %get3A_176 = tpu.vector_load %arg6[%get3A_174, %get3A_175] {strides = array<i32>} : memref<800x64xf32, #tpu.memory_space<vmem>>, vector<16xf32>,
        %max3A_177 = arith.maximumf %max3A_171, %get3A_176 : vector<16xf32>
        %add3A_178 = arith.constant 19 : i32
        %add3A_179 = arith.addi %mul3A_65, %add3A_178 : i32
        %get3A_180 = arith.index_cast %add3A_179 : i32 to index
        %get3A_181 = arith.constant 0 : index
        %get3A_182 = tpu.vector_load %arg6[%get3A_180, %get3A_181] {strides = array<i32>} : memref<800x64xf32, #tpu.memory_space<vmem>>, vector<16xf32>,
        %max3A_183 = arith.maximumf %max3A_177, %get3A_182 : vector<16xf32>
        %add3A_184 = arith.constant 20 : i32
        %add3A_185 = arith.addi %mul3A_65, %add3A_184 : i32
        %get3A_186 = arith.index_cast %add3A_185 : i32 to index
        %get3A_187 = arith.constant 0 : index
        %get3A_188 = tpu.vector_load %arg6[%get3A_186, %get3A_187] {strides = array<i32>} : memref<800x64xf32, #tpu.memory_space<vmem>>, vector<16xf32>,
        %max3A_189 = arith.maximumf %max3A_183, %get3A_188 : vector<16xf32>
        %add3A_190 = arith.constant 21 : i32
        %add3A_191 = arith.addi %mul3A_65, %add3A_190 : i32
        %get3A_192 = arith.index_cast %add3A_191 : i32 to index
        %get3A_193 = arith.constant 0 : index
        %get3A_194 = tpu.vector_load %arg6[%get3A_192, %get3A_193] {strides = array<i32>} : memref<800x64xf32, #tpu.memory_space<vmem>>, vector<16xf32>,
        %max3A_195 = arith.maximumf %max3A_189, %get3A_194 : vector<16xf32>
        %add3A_196 = arith.constant 22 : i32
        %add3A_197 = arith.addi %mul3A_65, %add3A_196 : i32
        %get3A_198 = arith.index_cast %add3A_197 : i32 to index
        %get3A_199 = arith.constant 0 : index
        %get3A_200 = tpu.vector_load %arg6[%get3A_198, %get3A_199] {strides = array<i32>} : memref<800x64xf32, #tpu.memory_space<vmem>>, vector<16xf32>,
        %max3A_201 = arith.maximumf %max3A_195, %get3A_200 : vector<16xf32>
        %add3A_202 = arith.constant 23 : i32
        %add3A_203 = arith.addi %mul3A_65, %add3A_202 : i32
        %get3A_204 = arith.index_cast %add3A_203 : i32 to index
        %get3A_205 = arith.constant 0 : index
        %get3A_206 = tpu.vector_load %arg6[%get3A_204, %get3A_205] {strides = array<i32>} : memref<800x64xf32, #tpu.memory_space<vmem>>, vector<16xf32>,
        %max3A_207 = arith.maximumf %max3A_201, %get3A_206 : vector<16xf32>
        %add3A_208 = arith.constant 24 : i32
        %add3A_209 = arith.addi %mul3A_65, %add3A_208 : i32
        %get3A_210 = arith.index_cast %add3A_209 : i32 to index
        %get3A_211 = arith.constant 0 : index
        %get3A_212 = tpu.vector_load %arg6[%get3A_210, %get3A_211] {strides = array<i32>} : memref<800x64xf32, #tpu.memory_space<vmem>>, vector<16xf32>,
        %max3A_213 = arith.maximumf %max3A_207, %get3A_212 : vector<16xf32>
        %add3A_214 = arith.constant 25 : i32
        %add3A_215 = arith.addi %mul3A_65, %add3A_214 : i32
        %get3A_216 = arith.index_cast %add3A_215 : i32 to index
        %get3A_217 = arith.constant 0 : index
        %get3A_218 = tpu.vector_load %arg6[%get3A_216, %get3A_217] {strides = array<i32>} : memref<800x64xf32, #tpu.memory_space<vmem>>, vector<16xf32>,
        %max3A_219 = arith.maximumf %max3A_213, %get3A_218 : vector<16xf32>
        %add3A_220 = arith.constant 26 : i32
        %add3A_221 = arith.addi %mul3A_65, %add3A_220 : i32
        %get3A_222 = arith.index_cast %add3A_221 : i32 to index
        %get3A_223 = arith.constant 0 : index
        %get3A_224 = tpu.vector_load %arg6[%get3A_222, %get3A_223] {strides = array<i32>} : memref<800x64xf32, #tpu.memory_space<vmem>>, vector<16xf32>,
        %max3A_225 = arith.maximumf %max3A_219, %get3A_224 : vector<16xf32>
        %add3A_226 = arith.constant 27 : i32
        %add3A_227 = arith.addi %mul3A_65, %add3A_226 : i32
        %get3A_228 = arith.index_cast %add3A_227 : i32 to index
        %get3A_229 = arith.constant 0 : index
        %get3A_230 = tpu.vector_load %arg6[%get3A_228, %get3A_229] {strides = array<i32>} : memref<800x64xf32, #tpu.memory_space<vmem>>, vector<16xf32>,
        %max3A_231 = arith.maximumf %max3A_225, %get3A_230 : vector<16xf32>
        %add3A_232 = arith.constant 28 : i32
        %add3A_233 = arith.addi %mul3A_65, %add3A_232 : i32
        %get3A_234 = arith.index_cast %add3A_233 : i32 to index
        %get3A_235 = arith.constant 0 : index
        %get3A_236 = tpu.vector_load %arg6[%get3A_234, %get3A_235] {strides = array<i32>} : memref<800x64xf32, #tpu.memory_space<vmem>>, vector<16xf32>,
        %max3A_237 = arith.maximumf %max3A_231, %get3A_236 : vector<16xf32>
        %add3A_238 = arith.constant 29 : i32
        %add3A_239 = arith.addi %mul3A_65, %add3A_238 : i32
        %get3A_240 = arith.index_cast %add3A_239 : i32 to index
        %get3A_241 = arith.constant 0 : index
        %get3A_242 = tpu.vector_load %arg6[%get3A_240, %get3A_241] {strides = array<i32>} : memref<800x64xf32, #tpu.memory_space<vmem>>, vector<16xf32>,
        %max3A_243 = arith.maximumf %max3A_237, %get3A_242 : vector<16xf32>
        %add3A_244 = arith.constant 30 : i32
        %add3A_245 = arith.addi %mul3A_65, %add3A_244 : i32
        %get3A_246 = arith.index_cast %add3A_245 : i32 to index
        %get3A_247 = arith.constant 0 : index
        %get3A_248 = tpu.vector_load %arg6[%get3A_246, %get3A_247] {strides = array<i32>} : memref<800x64xf32, #tpu.memory_space<vmem>>, vector<16xf32>,
        %max3A_249 = arith.maximumf %max3A_243, %get3A_248 : vector<16xf32>
        %add3A_250 = arith.constant 31 : i32
        %add3A_251 = arith.addi %mul3A_65, %add3A_250 : i32
        %get3A_252 = arith.index_cast %add3A_251 : i32 to index
        %get3A_253 = arith.constant 0 : index
        %get3A_254 = tpu.vector_load %arg6[%get3A_252, %get3A_253] {strides = array<i32>} : memref<800x64xf32, #tpu.memory_space<vmem>>, vector<16xf32>,
        %max3A_255 = arith.maximumf %max3A_249, %get3A_254 : vector<16xf32>
        %add3A_256 = arith.constant 32 : i32
        %add3A_257 = arith.addi %mul3A_65, %add3A_256 : i32
        %get3A_258 = arith.index_cast %add3A_257 : i32 to index
        %get3A_259 = arith.constant 0 : index
        %get3A_260 = tpu.vector_load %arg6[%get3A_258, %get3A_259] {strides = array<i32>} : memref<800x64xf32, #tpu.memory_space<vmem>>, vector<16xf32>,
        %max3A_261 = arith.maximumf %max3A_255, %get3A_260 : vector<16xf32>
        %add3A_262 = arith.constant 33 : i32
        %add3A_263 = arith.addi %mul3A_65, %add3A_262 : i32
        %get3A_264 = arith.index_cast %add3A_263 : i32 to index
        %get3A_265 = arith.constant 0 : index
        %get3A_266 = tpu.vector_load %arg6[%get3A_264, %get3A_265] {strides = array<i32>} : memref<800x64xf32, #tpu.memory_space<vmem>>, vector<16xf32>,
        %max3A_267 = arith.maximumf %max3A_261, %get3A_266 : vector<16xf32>
        %add3A_268 = arith.constant 34 : i32
        %add3A_269 = arith.addi %mul3A_65, %add3A_268 : i32
        %get3A_270 = arith.index_cast %add3A_269 : i32 to index
        %get3A_271 = arith.constant 0 : index
        %get3A_272 = tpu.vector_load %arg6[%get3A_270, %get3A_271] {strides = array<i32>} : memref<800x64xf32, #tpu.memory_space<vmem>>, vector<16xf32>,
        %max3A_273 = arith.maximumf %max3A_267, %get3A_272 : vector<16xf32>
        %add3A_274 = arith.constant 35 : i32
        %add3A_275 = arith.addi %mul3A_65, %add3A_274 : i32
        %get3A_276 = arith.index_cast %add3A_275 : i32 to index
        %get3A_277 = arith.constant 0 : index
        %get3A_278 = tpu.vector_load %arg6[%get3A_276, %get3A_277] {strides = array<i32>} : memref<800x64xf32, #tpu.memory_space<vmem>>, vector<16xf32>,
        %max3A_279 = arith.maximumf %max3A_273, %get3A_278 : vector<16xf32>
        %add3A_280 = arith.constant 36 : i32
        %add3A_281 = arith.addi %mul3A_65, %add3A_280 : i32
        %get3A_282 = arith.index_cast %add3A_281 : i32 to index
        %get3A_283 = arith.constant 0 : index
        %get3A_284 = tpu.vector_load %arg6[%get3A_282, %get3A_283] {strides = array<i32>} : memref<800x64xf32, #tpu.memory_space<vmem>>, vector<16xf32>,
        %max3A_285 = arith.maximumf %max3A_279, %get3A_284 : vector<16xf32>
        %add3A_286 = arith.constant 37 : i32
        %add3A_287 = arith.addi %mul3A_65, %add3A_286 : i32
        %get3A_288 = arith.index_cast %add3A_287 : i32 to index
        %get3A_289 = arith.constant 0 : index
        %get3A_290 = tpu.vector_load %arg6[%get3A_288, %get3A_289] {strides = array<i32>} : memref<800x64xf32, #tpu.memory_space<vmem>>, vector<16xf32>,
        %max3A_291 = arith.maximumf %max3A_285, %get3A_290 : vector<16xf32>
        %add3A_292 = arith.constant 38 : i32
        %add3A_293 = arith.addi %mul3A_65, %add3A_292 : i32
        %get3A_294 = arith.index_cast %add3A_293 : i32 to index
        %get3A_295 = arith.constant 0 : index
        %get3A_296 = tpu.vector_load %arg6[%get3A_294, %get3A_295] {strides = array<i32>} : memref<800x64xf32, #tpu.memory_space<vmem>>, vector<16xf32>,
        %max3A_297 = arith.maximumf %max3A_291, %get3A_296 : vector<16xf32>
        %add3A_298 = arith.constant 39 : i32
        %add3A_299 = arith.addi %mul3A_65, %add3A_298 : i32
        %get3A_300 = arith.index_cast %add3A_299 : i32 to index
        %get3A_301 = arith.constant 0 : index
        %get3A_302 = tpu.vector_load %arg6[%get3A_300, %get3A_301] {strides = array<i32>} : memref<800x64xf32, #tpu.memory_space<vmem>>, vector<16xf32>,
        %max3A_303 = arith.maximumf %max3A_297, %get3A_302 : vector<16xf32>
        %add3A_304 = arith.constant 40 : i32
        %add3A_305 = arith.addi %mul3A_65, %add3A_304 : i32
        %get3A_306 = arith.index_cast %add3A_305 : i32 to index
        %get3A_307 = arith.constant 0 : index
        %get3A_308 = tpu.vector_load %arg6[%get3A_306, %get3A_307] {strides = array<i32>} : memref<800x64xf32, #tpu.memory_space<vmem>>, vector<16xf32>,
        %max3A_309 = arith.maximumf %max3A_303, %get3A_308 : vector<16xf32>
        %add3A_310 = arith.constant 41 : i32
        %add3A_311 = arith.addi %mul3A_65, %add3A_310 : i32
        %get3A_312 = arith.index_cast %add3A_311 : i32 to index
        %get3A_313 = arith.constant 0 : index
        %get3A_314 = tpu.vector_load %arg6[%get3A_312, %get3A_313] {strides = array<i32>} : memref<800x64xf32, #tpu.memory_space<vmem>>, vector<16xf32>,
        %max3A_315 = arith.maximumf %max3A_309, %get3A_314 : vector<16xf32>
        %add3A_316 = arith.constant 42 : i32
        %add3A_317 = arith.addi %mul3A_65, %add3A_316 : i32
        %get3A_318 = arith.index_cast %add3A_317 : i32 to index
        %get3A_319 = arith.constant 0 : index
        %get3A_320 = tpu.vector_load %arg6[%get3A_318, %get3A_319] {strides = array<i32>} : memref<800x64xf32, #tpu.memory_space<vmem>>, vector<16xf32>,
        %max3A_321 = arith.maximumf %max3A_315, %get3A_320 : vector<16xf32>
        %add3A_322 = arith.constant 43 : i32
        %add3A_323 = arith.addi %mul3A_65, %add3A_322 : i32
        %get3A_324 = arith.index_cast %add3A_323 : i32 to index
        %get3A_325 = arith.constant 0 : index
        %get3A_326 = tpu.vector_load %arg6[%get3A_324, %get3A_325] {strides = array<i32>} : memref<800x64xf32, #tpu.memory_space<vmem>>, vector<16xf32>,
        %max3A_327 = arith.maximumf %max3A_321, %get3A_326 : vector<16xf32>
        %add3A_328 = arith.constant 44 : i32
        %add3A_329 = arith.addi %mul3A_65, %add3A_328 : i32
        %get3A_330 = arith.index_cast %add3A_329 : i32 to index
        %get3A_331 = arith.constant 0 : index
        %get3A_332 = tpu.vector_load %arg6[%get3A_330, %get3A_331] {strides = array<i32>} : memref<800x64xf32, #tpu.memory_space<vmem>>, vector<16xf32>,
        %max3A_333 = arith.maximumf %max3A_327, %get3A_332 : vector<16xf32>
        %add3A_334 = arith.constant 45 : i32
        %add3A_335 = arith.addi %mul3A_65, %add3A_334 : i32
        %get3A_336 = arith.index_cast %add3A_335 : i32 to index
        %get3A_337 = arith.constant 0 : index
        %get3A_338 = tpu.vector_load %arg6[%get3A_336, %get3A_337] {strides = array<i32>} : memref<800x64xf32, #tpu.memory_space<vmem>>, vector<16xf32>,
        %max3A_339 = arith.maximumf %max3A_333, %get3A_338 : vector<16xf32>
        %add3A_340 = arith.constant 46 : i32
        %add3A_341 = arith.addi %mul3A_65, %add3A_340 : i32
        %get3A_342 = arith.index_cast %add3A_341 : i32 to index
        %get3A_343 = arith.constant 0 : index
        %get3A_344 = tpu.vector_load %arg6[%get3A_342, %get3A_343] {strides = array<i32>} : memref<800x64xf32, #tpu.memory_space<vmem>>, vector<16xf32>,
        %max3A_345 = arith.maximumf %max3A_339, %get3A_344 : vector<16xf32>
        %add3A_346 = arith.constant 47 : i32
        %add3A_347 = arith.addi %mul3A_65, %add3A_346 : i32
        %get3A_348 = arith.index_cast %add3A_347 : i32 to index
        %get3A_349 = arith.constant 0 : index
        %get3A_350 = tpu.vector_load %arg6[%get3A_348, %get3A_349] {strides = array<i32>} : memref<800x64xf32, #tpu.memory_space<vmem>>, vector<16xf32>,
        %max3A_351 = arith.maximumf %max3A_345, %get3A_350 : vector<16xf32>
        %add3A_352 = arith.constant 48 : i32
        %add3A_353 = arith.addi %mul3A_65, %add3A_352 : i32
        %get3A_354 = arith.index_cast %add3A_353 : i32 to index
        %get3A_355 = arith.constant 0 : index
        %get3A_356 = tpu.vector_load %arg6[%get3A_354, %get3A_355] {strides = array<i32>} : memref<800x64xf32, #tpu.memory_space<vmem>>, vector<16xf32>,
        %max3A_357 = arith.maximumf %max3A_351, %get3A_356 : vector<16xf32>
        %add3A_358 = arith.constant 49 : i32
        %add3A_359 = arith.addi %mul3A_65, %add3A_358 : i32
        %get3A_360 = arith.index_cast %add3A_359 : i32 to index
        %get3A_361 = arith.constant 0 : index
        %get3A_362 = tpu.vector_load %arg6[%get3A_360, %get3A_361] {strides = array<i32>} : memref<800x64xf32, #tpu.memory_space<vmem>>, vector<16xf32>,
        %max3A_363 = arith.maximumf %max3A_357, %get3A_362 : vector<16xf32>
        %add3A_364 = arith.constant 0 : i32
        %add3A_365 = vector.broadcast %add3A_364 : i32 to vector<16xi32>
        %add3A_366 = arith.addi %iota3A, %add3A_365 : vector<16xi32>
        tpu.vector_store_idx %arg8[%add3A_366, %broadcast_in_dim3A], %max3A_363 : memref<64x128xf32, #tpu.memory_space<vmem>>[vector<16xi32>, vector<16xi32>], vector<16xf32>,
        %get3A_367 = arith.index_cast %mul3A_65 : i32 to index
        %get3A_368 = arith.constant 16 : index
        %get3A_369 = tpu.vector_load %arg6[%get3A_367, %get3A_368] {strides = array<i32>} : memref<800x64xf32, #tpu.memory_space<vmem>>, vector<16xf32>,
        %add3A_370 = arith.constant 1 : i32
        %add3A_371 = arith.addi %mul3A_65, %add3A_370 : i32
        %get3A_372 = arith.index_cast %add3A_371 : i32 to index
        %get3A_373 = arith.constant 16 : index
        %get3A_374 = tpu.vector_load %arg6[%get3A_372, %get3A_373] {strides = array<i32>} : memref<800x64xf32, #tpu.memory_space<vmem>>, vector<16xf32>,
        %max3A_375 = arith.maximumf %get3A_369, %get3A_374 : vector<16xf32>
        %add3A_376 = arith.constant 2 : i32
        %add3A_377 = arith.addi %mul3A_65, %add3A_376 : i32
        %get3A_378 = arith.index_cast %add3A_377 : i32 to index
        %get3A_379 = arith.constant 16 : index
        %get3A_380 = tpu.vector_load %arg6[%get3A_378, %get3A_379] {strides = array<i32>} : memref<800x64xf32, #tpu.memory_space<vmem>>, vector<16xf32>,
        %max3A_381 = arith.maximumf %max3A_375, %get3A_380 : vector<16xf32>
        %add3A_382 = arith.constant 3 : i32
        %add3A_383 = arith.addi %mul3A_65, %add3A_382 : i32
        %get3A_384 = arith.index_cast %add3A_383 : i32 to index
        %get3A_385 = arith.constant 16 : index
        %get3A_386 = tpu.vector_load %arg6[%get3A_384, %get3A_385] {strides = array<i32>} : memref<800x64xf32, #tpu.memory_space<vmem>>, vector<16xf32>,
        %max3A_387 = arith.maximumf %max3A_381, %get3A_386 : vector<16xf32>
        %add3A_388 = arith.constant 4 : i32
        %add3A_389 = arith.addi %mul3A_65, %add3A_388 : i32
        %get3A_390 = arith.index_cast %add3A_389 : i32 to index
        %get3A_391 = arith.constant 16 : index
        %get3A_392 = tpu.vector_load %arg6[%get3A_390, %get3A_391] {strides = array<i32>} : memref<800x64xf32, #tpu.memory_space<vmem>>, vector<16xf32>,
        %max3A_393 = arith.maximumf %max3A_387, %get3A_392 : vector<16xf32>
        %add3A_394 = arith.constant 5 : i32
        %add3A_395 = arith.addi %mul3A_65, %add3A_394 : i32
        %get3A_396 = arith.index_cast %add3A_395 : i32 to index
        %get3A_397 = arith.constant 16 : index
        %get3A_398 = tpu.vector_load %arg6[%get3A_396, %get3A_397] {strides = array<i32>} : memref<800x64xf32, #tpu.memory_space<vmem>>, vector<16xf32>,
        %max3A_399 = arith.maximumf %max3A_393, %get3A_398 : vector<16xf32>
        %add3A_400 = arith.constant 6 : i32
        %add3A_401 = arith.addi %mul3A_65, %add3A_400 : i32
        %get3A_402 = arith.index_cast %add3A_401 : i32 to index
        %get3A_403 = arith.constant 16 : index
        %get3A_404 = tpu.vector_load %arg6[%get3A_402, %get3A_403] {strides = array<i32>} : memref<800x64xf32, #tpu.memory_space<vmem>>, vector<16xf32>,
        %max3A_405 = arith.maximumf %max3A_399, %get3A_404 : vector<16xf32>
        %add3A_406 = arith.constant 7 : i32
        %add3A_407 = arith.addi %mul3A_65, %add3A_406 : i32
        %get3A_408 = arith.index_cast %add3A_407 : i32 to index
        %get3A_409 = arith.constant 16 : index
        %get3A_410 = tpu.vector_load %arg6[%get3A_408, %get3A_409] {strides = array<i32>} : memref<800x64xf32, #tpu.memory_space<vmem>>, vector<16xf32>,
        %max3A_411 = arith.maximumf %max3A_405, %get3A_410 : vector<16xf32>
        %add3A_412 = arith.constant 8 : i32
        %add3A_413 = arith.addi %mul3A_65, %add3A_412 : i32
        %get3A_414 = arith.index_cast %add3A_413 : i32 to index
        %get3A_415 = arith.constant 16 : index
        %get3A_416 = tpu.vector_load %arg6[%get3A_414, %get3A_415] {strides = array<i32>} : memref<800x64xf32, #tpu.memory_space<vmem>>, vector<16xf32>,
        %max3A_417 = arith.maximumf %max3A_411, %get3A_416 : vector<16xf32>
        %add3A_418 = arith.constant 9 : i32
        %add3A_419 = arith.addi %mul3A_65, %add3A_418 : i32
        %get3A_420 = arith.index_cast %add3A_419 : i32 to index
        %get3A_421 = arith.constant 16 : index
        %get3A_422 = tpu.vector_load %arg6[%get3A_420, %get3A_421] {strides = array<i32>} : memref<800x64xf32, #tpu.memory_space<vmem>>, vector<16xf32>,
        %max3A_423 = arith.maximumf %max3A_417, %get3A_422 : vector<16xf32>
        %add3A_424 = arith.constant 10 : i32
        %add3A_425 = arith.addi %mul3A_65, %add3A_424 : i32
        %get3A_426 = arith.index_cast %add3A_425 : i32 to index
        %get3A_427 = arith.constant 16 : index
        %get3A_428 = tpu.vector_load %arg6[%get3A_426, %get3A_427] {strides = array<i32>} : memref<800x64xf32, #tpu.memory_space<vmem>>, vector<16xf32>,
        %max3A_429 = arith.maximumf %max3A_423, %get3A_428 : vector<16xf32>
        %add3A_430 = arith.constant 11 : i32
        %add3A_431 = arith.addi %mul3A_65, %add3A_430 : i32
        %get3A_432 = arith.index_cast %add3A_431 : i32 to index
        %get3A_433 = arith.constant 16 : index
        %get3A_434 = tpu.vector_load %arg6[%get3A_432, %get3A_433] {strides = array<i32>} : memref<800x64xf32, #tpu.memory_space<vmem>>, vector<16xf32>,
        %max3A_435 = arith.maximumf %max3A_429, %get3A_434 : vector<16xf32>
        %add3A_436 = arith.constant 12 : i32
        %add3A_437 = arith.addi %mul3A_65, %add3A_436 : i32
        %get3A_438 = arith.index_cast %add3A_437 : i32 to index
        %get3A_439 = arith.constant 16 : index
        %get3A_440 = tpu.vector_load %arg6[%get3A_438, %get3A_439] {strides = array<i32>} : memref<800x64xf32, #tpu.memory_space<vmem>>, vector<16xf32>,
        %max3A_441 = arith.maximumf %max3A_435, %get3A_440 : vector<16xf32>
        %add3A_442 = arith.constant 13 : i32
        %add3A_443 = arith.addi %mul3A_65, %add3A_442 : i32
        %get3A_444 = arith.index_cast %add3A_443 : i32 to index
        %get3A_445 = arith.constant 16 : index
        %get3A_446 = tpu.vector_load %arg6[%get3A_444, %get3A_445] {strides = array<i32>} : memref<800x64xf32, #tpu.memory_space<vmem>>, vector<16xf32>,
        %max3A_447 = arith.maximumf %max3A_441, %get3A_446 : vector<16xf32>
        %add3A_448 = arith.constant 14 : i32
        %add3A_449 = arith.addi %mul3A_65, %add3A_448 : i32
        %get3A_450 = arith.index_cast %add3A_449 : i32 to index
        %get3A_451 = arith.constant 16 : index
        %get3A_452 = tpu.vector_load %arg6[%get3A_450, %get3A_451] {strides = array<i32>} : memref<800x64xf32, #tpu.memory_space<vmem>>, vector<16xf32>,
        %max3A_453 = arith.maximumf %max3A_447, %get3A_452 : vector<16xf32>
        %add3A_454 = arith.constant 15 : i32
        %add3A_455 = arith.addi %mul3A_65, %add3A_454 : i32
        %get3A_456 = arith.index_cast %add3A_455 : i32 to index
        %get3A_457 = arith.constant 16 : index
        %get3A_458 = tpu.vector_load %arg6[%get3A_456, %get3A_457] {strides = array<i32>} : memref<800x64xf32, #tpu.memory_space<vmem>>, vector<16xf32>,
        %max3A_459 = arith.maximumf %max3A_453, %get3A_458 : vector<16xf32>
        %add3A_460 = arith.constant 16 : i32
        %add3A_461 = arith.addi %mul3A_65, %add3A_460 : i32
        %get3A_462 = arith.index_cast %add3A_461 : i32 to index
        %get3A_463 = arith.constant 16 : index
        %get3A_464 = tpu.vector_load %arg6[%get3A_462, %get3A_463] {strides = array<i32>} : memref<800x64xf32, #tpu.memory_space<vmem>>, vector<16xf32>,
        %max3A_465 = arith.maximumf %max3A_459, %get3A_464 : vector<16xf32>
        %add3A_466 = arith.constant 17 : i32
        %add3A_467 = arith.addi %mul3A_65, %add3A_466 : i32
        %get3A_468 = arith.index_cast %add3A_467 : i32 to index
        %get3A_469 = arith.constant 16 : index
        %get3A_470 = tpu.vector_load %arg6[%get3A_468, %get3A_469] {strides = array<i32>} : memref<800x64xf32, #tpu.memory_space<vmem>>, vector<16xf32>,
        %max3A_471 = arith.maximumf %max3A_465, %get3A_470 : vector<16xf32>
        %add3A_472 = arith.constant 18 : i32
        %add3A_473 = arith.addi %mul3A_65, %add3A_472 : i32
        %get3A_474 = arith.index_cast %add3A_473 : i32 to index
        %get3A_475 = arith.constant 16 : index
        %get3A_476 = tpu.vector_load %arg6[%get3A_474, %get3A_475] {strides = array<i32>} : memref<800x64xf32, #tpu.memory_space<vmem>>, vector<16xf32>,
        %max3A_477 = arith.maximumf %max3A_471, %get3A_476 : vector<16xf32>
        %add3A_478 = arith.constant 19 : i32
        %add3A_479 = arith.addi %mul3A_65, %add3A_478 : i32
        %get3A_480 = arith.index_cast %add3A_479 : i32 to index
        %get3A_481 = arith.constant 16 : index
        %get3A_482 = tpu.vector_load %arg6[%get3A_480, %get3A_481] {strides = array<i32>} : memref<800x64xf32, #tpu.memory_space<vmem>>, vector<16xf32>,
        %max3A_483 = arith.maximumf %max3A_477, %get3A_482 : vector<16xf32>
        %add3A_484 = arith.constant 20 : i32
        %add3A_485 = arith.addi %mul3A_65, %add3A_484 : i32
        %get3A_486 = arith.index_cast %add3A_485 : i32 to index
        %get3A_487 = arith.constant 16 : index
        %get3A_488 = tpu.vector_load %arg6[%get3A_486, %get3A_487] {strides = array<i32>} : memref<800x64xf32, #tpu.memory_space<vmem>>, vector<16xf32>,
        %max3A_489 = arith.maximumf %max3A_483, %get3A_488 : vector<16xf32>
        %add3A_490 = arith.constant 21 : i32
        %add3A_491 = arith.addi %mul3A_65, %add3A_490 : i32
        %get3A_492 = arith.index_cast %add3A_491 : i32 to index
        %get3A_493 = arith.constant 16 : index
        %get3A_494 = tpu.vector_load %arg6[%get3A_492, %get3A_493] {strides = array<i32>} : memref<800x64xf32, #tpu.memory_space<vmem>>, vector<16xf32>,
        %max3A_495 = arith.maximumf %max3A_489, %get3A_494 : vector<16xf32>
        %add3A_496 = arith.constant 22 : i32
        %add3A_497 = arith.addi %mul3A_65, %add3A_496 : i32
        %get3A_498 = arith.index_cast %add3A_497 : i32 to index
        %get3A_499 = arith.constant 16 : index
        %get3A_500 = tpu.vector_load %arg6[%get3A_498, %get3A_499] {strides = array<i32>} : memref<800x64xf32, #tpu.memory_space<vmem>>, vector<16xf32>,
        %max3A_501 = arith.maximumf %max3A_495, %get3A_500 : vector<16xf32>
        %add3A_502 = arith.constant 23 : i32
        %add3A_503 = arith.addi %mul3A_65, %add3A_502 : i32
        %get3A_504 = arith.index_cast %add3A_503 : i32 to index
        %get3A_505 = arith.constant 16 : index
        %get3A_506 = tpu.vector_load %arg6[%get3A_504, %get3A_505] {strides = array<i32>} : memref<800x64xf32, #tpu.memory_space<vmem>>, vector<16xf32>,
        %max3A_507 = arith.maximumf %max3A_501, %get3A_506 : vector<16xf32>
        %add3A_508 = arith.constant 24 : i32
        %add3A_509 = arith.addi %mul3A_65, %add3A_508 : i32
        %get3A_510 = arith.index_cast %add3A_509 : i32 to index
        %get3A_511 = arith.constant 16 : index
        %get3A_512 = tpu.vector_load %arg6[%get3A_510, %get3A_511] {strides = array<i32>} : memref<800x64xf32, #tpu.memory_space<vmem>>, vector<16xf32>,
        %max3A_513 = arith.maximumf %max3A_507, %get3A_512 : vector<16xf32>
        %add3A_514 = arith.constant 25 : i32
        %add3A_515 = arith.addi %mul3A_65, %add3A_514 : i32
        %get3A_516 = arith.index_cast %add3A_515 : i32 to index
        %get3A_517 = arith.constant 16 : index
        %get3A_518 = tpu.vector_load %arg6[%get3A_516, %get3A_517] {strides = array<i32>} : memref<800x64xf32, #tpu.memory_space<vmem>>, vector<16xf32>,
        %max3A_519 = arith.maximumf %max3A_513, %get3A_518 : vector<16xf32>
        %add3A_520 = arith.constant 26 : i32
        %add3A_521 = arith.addi %mul3A_65, %add3A_520 : i32
        %get3A_522 = arith.index_cast %add3A_521 : i32 to index
        %get3A_523 = arith.constant 16 : index
        %get3A_524 = tpu.vector_load %arg6[%get3A_522, %get3A_523] {strides = array<i32>} : memref<800x64xf32, #tpu.memory_space<vmem>>, vector<16xf32>,
        %max3A_525 = arith.maximumf %max3A_519, %get3A_524 : vector<16xf32>
        %add3A_526 = arith.constant 27 : i32
        %add3A_527 = arith.addi %mul3A_65, %add3A_526 : i32
        %get3A_528 = arith.index_cast %add3A_527 : i32 to index
        %get3A_529 = arith.constant 16 : index
        %get3A_530 = tpu.vector_load %arg6[%get3A_528, %get3A_529] {strides = array<i32>} : memref<800x64xf32, #tpu.memory_space<vmem>>, vector<16xf32>,
        %max3A_531 = arith.maximumf %max3A_525, %get3A_530 : vector<16xf32>
        %add3A_532 = arith.constant 28 : i32
        %add3A_533 = arith.addi %mul3A_65, %add3A_532 : i32
        %get3A_534 = arith.index_cast %add3A_533 : i32 to index
        %get3A_535 = arith.constant 16 : index
        %get3A_536 = tpu.vector_load %arg6[%get3A_534, %get3A_535] {strides = array<i32>} : memref<800x64xf32, #tpu.memory_space<vmem>>, vector<16xf32>,
        %max3A_537 = arith.maximumf %max3A_531, %get3A_536 : vector<16xf32>
        %add3A_538 = arith.constant 29 : i32
        %add3A_539 = arith.addi %mul3A_65, %add3A_538 : i32
        %get3A_540 = arith.index_cast %add3A_539 : i32 to index
        %get3A_541 = arith.constant 16 : index
        %get3A_542 = tpu.vector_load %arg6[%get3A_540, %get3A_541] {strides = array<i32>} : memref<800x64xf32, #tpu.memory_space<vmem>>, vector<16xf32>,
        %max3A_543 = arith.maximumf %max3A_537, %get3A_542 : vector<16xf32>
        %add3A_544 = arith.constant 30 : i32
        %add3A_545 = arith.addi %mul3A_65, %add3A_544 : i32
        %get3A_546 = arith.index_cast %add3A_545 : i32 to index
        %get3A_547 = arith.constant 16 : index
        %get3A_548 = tpu.vector_load %arg6[%get3A_546, %get3A_547] {strides = array<i32>} : memref<800x64xf32, #tpu.memory_space<vmem>>, vector<16xf32>,
        %max3A_549 = arith.maximumf %max3A_543, %get3A_548 : vector<16xf32>
        %add3A_550 = arith.constant 31 : i32
        %add3A_551 = arith.addi %mul3A_65, %add3A_550 : i32
        %get3A_552 = arith.index_cast %add3A_551 : i32 to index
        %get3A_553 = arith.constant 16 : index
        %get3A_554 = tpu.vector_load %arg6[%get3A_552, %get3A_553] {strides = array<i32>} : memref<800x64xf32, #tpu.memory_space<vmem>>, vector<16xf32>,
        %max3A_555 = arith.maximumf %max3A_549, %get3A_554 : vector<16xf32>
        %add3A_556 = arith.constant 32 : i32
        %add3A_557 = arith.addi %mul3A_65, %add3A_556 : i32
        %get3A_558 = arith.index_cast %add3A_557 : i32 to index
        %get3A_559 = arith.constant 16 : index
        %get3A_560 = tpu.vector_load %arg6[%get3A_558, %get3A_559] {strides = array<i32>} : memref<800x64xf32, #tpu.memory_space<vmem>>, vector<16xf32>,
        %max3A_561 = arith.maximumf %max3A_555, %get3A_560 : vector<16xf32>
        %add3A_562 = arith.constant 33 : i32
        %add3A_563 = arith.addi %mul3A_65, %add3A_562 : i32
        %get3A_564 = arith.index_cast %add3A_563 : i32 to index
        %get3A_565 = arith.constant 16 : index
        %get3A_566 = tpu.vector_load %arg6[%get3A_564, %get3A_565] {strides = array<i32>} : memref<800x64xf32, #tpu.memory_space<vmem>>, vector<16xf32>,
        %max3A_567 = arith.maximumf %max3A_561, %get3A_566 : vector<16xf32>
        %add3A_568 = arith.constant 34 : i32
        %add3A_569 = arith.addi %mul3A_65, %add3A_568 : i32
        %get3A_570 = arith.index_cast %add3A_569 : i32 to index
        %get3A_571 = arith.constant 16 : index
        %get3A_572 = tpu.vector_load %arg6[%get3A_570, %get3A_571] {strides = array<i32>} : memref<800x64xf32, #tpu.memory_space<vmem>>, vector<16xf32>,
        %max3A_573 = arith.maximumf %max3A_567, %get3A_572 : vector<16xf32>
        %add3A_574 = arith.constant 35 : i32
        %add3A_575 = arith.addi %mul3A_65, %add3A_574 : i32
        %get3A_576 = arith.index_cast %add3A_575 : i32 to index
        %get3A_577 = arith.constant 16 : index
        %get3A_578 = tpu.vector_load %arg6[%get3A_576, %get3A_577] {strides = array<i32>} : memref<800x64xf32, #tpu.memory_space<vmem>>, vector<16xf32>,
        %max3A_579 = arith.maximumf %max3A_573, %get3A_578 : vector<16xf32>
        %add3A_580 = arith.constant 36 : i32
        %add3A_581 = arith.addi %mul3A_65, %add3A_580 : i32
        %get3A_582 = arith.index_cast %add3A_581 : i32 to index
        %get3A_583 = arith.constant 16 : index
        %get3A_584 = tpu.vector_load %arg6[%get3A_582, %get3A_583] {strides = array<i32>} : memref<800x64xf32, #tpu.memory_space<vmem>>, vector<16xf32>,
        %max3A_585 = arith.maximumf %max3A_579, %get3A_584 : vector<16xf32>
        %add3A_586 = arith.constant 37 : i32
        %add3A_587 = arith.addi %mul3A_65, %add3A_586 : i32
        %get3A_588 = arith.index_cast %add3A_587 : i32 to index
        %get3A_589 = arith.constant 16 : index
        %get3A_590 = tpu.vector_load %arg6[%get3A_588, %get3A_589] {strides = array<i32>} : memref<800x64xf32, #tpu.memory_space<vmem>>, vector<16xf32>,
        %max3A_591 = arith.maximumf %max3A_585, %get3A_590 : vector<16xf32>
        %add3A_592 = arith.constant 38 : i32
        %add3A_593 = arith.addi %mul3A_65, %add3A_592 : i32
        %get3A_594 = arith.index_cast %add3A_593 : i32 to index
        %get3A_595 = arith.constant 16 : index
        %get3A_596 = tpu.vector_load %arg6[%get3A_594, %get3A_595] {strides = array<i32>} : memref<800x64xf32, #tpu.memory_space<vmem>>, vector<16xf32>,
        %max3A_597 = arith.maximumf %max3A_591, %get3A_596 : vector<16xf32>
        %add3A_598 = arith.constant 39 : i32
        %add3A_599 = arith.addi %mul3A_65, %add3A_598 : i32
        %get3A_600 = arith.index_cast %add3A_599 : i32 to index
        %get3A_601 = arith.constant 16 : index
        %get3A_602 = tpu.vector_load %arg6[%get3A_600, %get3A_601] {strides = array<i32>} : memref<800x64xf32, #tpu.memory_space<vmem>>, vector<16xf32>,
        %max3A_603 = arith.maximumf %max3A_597, %get3A_602 : vector<16xf32>
        %add3A_604 = arith.constant 40 : i32
        %add3A_605 = arith.addi %mul3A_65, %add3A_604 : i32
        %get3A_606 = arith.index_cast %add3A_605 : i32 to index
        %get3A_607 = arith.constant 16 : index
        %get3A_608 = tpu.vector_load %arg6[%get3A_606, %get3A_607] {strides = array<i32>} : memref<800x64xf32, #tpu.memory_space<vmem>>, vector<16xf32>,
        %max3A_609 = arith.maximumf %max3A_603, %get3A_608 : vector<16xf32>
        %add3A_610 = arith.constant 41 : i32
        %add3A_611 = arith.addi %mul3A_65, %add3A_610 : i32
        %get3A_612 = arith.index_cast %add3A_611 : i32 to index
        %get3A_613 = arith.constant 16 : index
        %get3A_614 = tpu.vector_load %arg6[%get3A_612, %get3A_613] {strides = array<i32>} : memref<800x64xf32, #tpu.memory_space<vmem>>, vector<16xf32>,
        %max3A_615 = arith.maximumf %max3A_609, %get3A_614 : vector<16xf32>
        %add3A_616 = arith.constant 42 : i32
        %add3A_617 = arith.addi %mul3A_65, %add3A_616 : i32
        %get3A_618 = arith.index_cast %add3A_617 : i32 to index
        %get3A_619 = arith.constant 16 : index
        %get3A_620 = tpu.vector_load %arg6[%get3A_618, %get3A_619] {strides = array<i32>} : memref<800x64xf32, #tpu.memory_space<vmem>>, vector<16xf32>,
        %max3A_621 = arith.maximumf %max3A_615, %get3A_620 : vector<16xf32>
        %add3A_622 = arith.constant 43 : i32
        %add3A_623 = arith.addi %mul3A_65, %add3A_622 : i32
        %get3A_624 = arith.index_cast %add3A_623 : i32 to index
        %get3A_625 = arith.constant 16 : index
        %get3A_626 = tpu.vector_load %arg6[%get3A_624, %get3A_625] {strides = array<i32>} : memref<800x64xf32, #tpu.memory_space<vmem>>, vector<16xf32>,
        %max3A_627 = arith.maximumf %max3A_621, %get3A_626 : vector<16xf32>
        %add3A_628 = arith.constant 44 : i32
        %add3A_629 = arith.addi %mul3A_65, %add3A_628 : i32
        %get3A_630 = arith.index_cast %add3A_629 : i32 to index
        %get3A_631 = arith.constant 16 : index
        %get3A_632 = tpu.vector_load %arg6[%get3A_630, %get3A_631] {strides = array<i32>} : memref<800x64xf32, #tpu.memory_space<vmem>>, vector<16xf32>,
        %max3A_633 = arith.maximumf %max3A_627, %get3A_632 : vector<16xf32>
        %add3A_634 = arith.constant 45 : i32
        %add3A_635 = arith.addi %mul3A_65, %add3A_634 : i32
        %get3A_636 = arith.index_cast %add3A_635 : i32 to index
        %get3A_637 = arith.constant 16 : index
        %get3A_638 = tpu.vector_load %arg6[%get3A_636, %get3A_637] {strides = array<i32>} : memref<800x64xf32, #tpu.memory_space<vmem>>, vector<16xf32>,
        %max3A_639 = arith.maximumf %max3A_633, %get3A_638 : vector<16xf32>
        %add3A_640 = arith.constant 46 : i32
        %add3A_641 = arith.addi %mul3A_65, %add3A_640 : i32
        %get3A_642 = arith.index_cast %add3A_641 : i32 to index
        %get3A_643 = arith.constant 16 : index
        %get3A_644 = tpu.vector_load %arg6[%get3A_642, %get3A_643] {strides = array<i32>} : memref<800x64xf32, #tpu.memory_space<vmem>>, vector<16xf32>,
        %max3A_645 = arith.maximumf %max3A_639, %get3A_644 : vector<16xf32>
        %add3A_646 = arith.constant 47 : i32
        %add3A_647 = arith.addi %mul3A_65, %add3A_646 : i32
        %get3A_648 = arith.index_cast %add3A_647 : i32 to index
        %get3A_649 = arith.constant 16 : index
        %get3A_650 = tpu.vector_load %arg6[%get3A_648, %get3A_649] {strides = array<i32>} : memref<800x64xf32, #tpu.memory_space<vmem>>, vector<16xf32>,
        %max3A_651 = arith.maximumf %max3A_645, %get3A_650 : vector<16xf32>
        %add3A_652 = arith.constant 48 : i32
        %add3A_653 = arith.addi %mul3A_65, %add3A_652 : i32
        %get3A_654 = arith.index_cast %add3A_653 : i32 to index
        %get3A_655 = arith.constant 16 : index
        %get3A_656 = tpu.vector_load %arg6[%get3A_654, %get3A_655] {strides = array<i32>} : memref<800x64xf32, #tpu.memory_space<vmem>>, vector<16xf32>,
        %max3A_657 = arith.maximumf %max3A_651, %get3A_656 : vector<16xf32>
        %add3A_658 = arith.constant 49 : i32
        %add3A_659 = arith.addi %mul3A_65, %add3A_658 : i32
        %get3A_660 = arith.index_cast %add3A_659 : i32 to index
        %get3A_661 = arith.constant 16 : index
        %get3A_662 = tpu.vector_load %arg6[%get3A_660, %get3A_661] {strides = array<i32>} : memref<800x64xf32, #tpu.memory_space<vmem>>, vector<16xf32>,
        %max3A_663 = arith.maximumf %max3A_657, %get3A_662 : vector<16xf32>
        %add3A_664 = arith.constant 16 : i32
        %add3A_665 = vector.broadcast %add3A_664 : i32 to vector<16xi32>
        %add3A_666 = arith.addi %iota3A, %add3A_665 : vector<16xi32>
        tpu.vector_store_idx %arg8[%add3A_666, %broadcast_in_dim3A], %max3A_663 : memref<64x128xf32, #tpu.memory_space<vmem>>[vector<16xi32>, vector<16xi32>], vector<16xf32>,
        %get3A_667 = arith.index_cast %mul3A_65 : i32 to index
        %get3A_668 = arith.constant 32 : index
        %get3A_669 = tpu.vector_load %arg6[%get3A_667, %get3A_668] {strides = array<i32>} : memref<800x64xf32, #tpu.memory_space<vmem>>, vector<16xf32>,
        %add3A_670 = arith.constant 1 : i32
        %add3A_671 = arith.addi %mul3A_65, %add3A_670 : i32
        %get3A_672 = arith.index_cast %add3A_671 : i32 to index
        %get3A_673 = arith.constant 32 : index
        %get3A_674 = tpu.vector_load %arg6[%get3A_672, %get3A_673] {strides = array<i32>} : memref<800x64xf32, #tpu.memory_space<vmem>>, vector<16xf32>,
        %max3A_675 = arith.maximumf %get3A_669, %get3A_674 : vector<16xf32>
        %add3A_676 = arith.constant 2 : i32
        %add3A_677 = arith.addi %mul3A_65, %add3A_676 : i32
        %get3A_678 = arith.index_cast %add3A_677 : i32 to index
        %get3A_679 = arith.constant 32 : index
        %get3A_680 = tpu.vector_load %arg6[%get3A_678, %get3A_679] {strides = array<i32>} : memref<800x64xf32, #tpu.memory_space<vmem>>, vector<16xf32>,
        %max3A_681 = arith.maximumf %max3A_675, %get3A_680 : vector<16xf32>
        %add3A_682 = arith.constant 3 : i32
        %add3A_683 = arith.addi %mul3A_65, %add3A_682 : i32
        %get3A_684 = arith.index_cast %add3A_683 : i32 to index
        %get3A_685 = arith.constant 32 : index
        %get3A_686 = tpu.vector_load %arg6[%get3A_684, %get3A_685] {strides = array<i32>} : memref<800x64xf32, #tpu.memory_space<vmem>>, vector<16xf32>,
        %max3A_687 = arith.maximumf %max3A_681, %get3A_686 : vector<16xf32>
        %add3A_688 = arith.constant 4 : i32
        %add3A_689 = arith.addi %mul3A_65, %add3A_688 : i32
        %get3A_690 = arith.index_cast %add3A_689 : i32 to index
        %get3A_691 = arith.constant 32 : index
        %get3A_692 = tpu.vector_load %arg6[%get3A_690, %get3A_691] {strides = array<i32>} : memref<800x64xf32, #tpu.memory_space<vmem>>, vector<16xf32>,
        %max3A_693 = arith.maximumf %max3A_687, %get3A_692 : vector<16xf32>
        %add3A_694 = arith.constant 5 : i32
        %add3A_695 = arith.addi %mul3A_65, %add3A_694 : i32
        %get3A_696 = arith.index_cast %add3A_695 : i32 to index
        %get3A_697 = arith.constant 32 : index
        %get3A_698 = tpu.vector_load %arg6[%get3A_696, %get3A_697] {strides = array<i32>} : memref<800x64xf32, #tpu.memory_space<vmem>>, vector<16xf32>,
        %max3A_699 = arith.maximumf %max3A_693, %get3A_698 : vector<16xf32>
        %add3A_700 = arith.constant 6 : i32
        %add3A_701 = arith.addi %mul3A_65, %add3A_700 : i32
        %get3A_702 = arith.index_cast %add3A_701 : i32 to index
        %get3A_703 = arith.constant 32 : index
        %get3A_704 = tpu.vector_load %arg6[%get3A_702, %get3A_703] {strides = array<i32>} : memref<800x64xf32, #tpu.memory_space<vmem>>, vector<16xf32>,
        %max3A_705 = arith.maximumf %max3A_699, %get3A_704 : vector<16xf32>
        %add3A_706 = arith.constant 7 : i32
        %add3A_707 = arith.addi %mul3A_65, %add3A_706 : i32
        %get3A_708 = arith.index_cast %add3A_707 : i32 to index
        %get3A_709 = arith.constant 32 : index
        %get3A_710 = tpu.vector_load %arg6[%get3A_708, %get3A_709] {strides = array<i32>} : memref<800x64xf32, #tpu.memory_space<vmem>>, vector<16xf32>,
        %max3A_711 = arith.maximumf %max3A_705, %get3A_710 : vector<16xf32>
        %add3A_712 = arith.constant 8 : i32
        %add3A_713 = arith.addi %mul3A_65, %add3A_712 : i32
        %get3A_714 = arith.index_cast %add3A_713 : i32 to index
        %get3A_715 = arith.constant 32 : index
        %get3A_716 = tpu.vector_load %arg6[%get3A_714, %get3A_715] {strides = array<i32>} : memref<800x64xf32, #tpu.memory_space<vmem>>, vector<16xf32>,
        %max3A_717 = arith.maximumf %max3A_711, %get3A_716 : vector<16xf32>
        %add3A_718 = arith.constant 9 : i32
        %add3A_719 = arith.addi %mul3A_65, %add3A_718 : i32
        %get3A_720 = arith.index_cast %add3A_719 : i32 to index
        %get3A_721 = arith.constant 32 : index
        %get3A_722 = tpu.vector_load %arg6[%get3A_720, %get3A_721] {strides = array<i32>} : memref<800x64xf32, #tpu.memory_space<vmem>>, vector<16xf32>,
        %max3A_723 = arith.maximumf %max3A_717, %get3A_722 : vector<16xf32>
        %add3A_724 = arith.constant 10 : i32
        %add3A_725 = arith.addi %mul3A_65, %add3A_724 : i32
        %get3A_726 = arith.index_cast %add3A_725 : i32 to index
        %get3A_727 = arith.constant 32 : index
        %get3A_728 = tpu.vector_load %arg6[%get3A_726, %get3A_727] {strides = array<i32>} : memref<800x64xf32, #tpu.memory_space<vmem>>, vector<16xf32>,
        %max3A_729 = arith.maximumf %max3A_723, %get3A_728 : vector<16xf32>
        %add3A_730 = arith.constant 11 : i32
        %add3A_731 = arith.addi %mul3A_65, %add3A_730 : i32
        %get3A_732 = arith.index_cast %add3A_731 : i32 to index
        %get3A_733 = arith.constant 32 : index
        %get3A_734 = tpu.vector_load %arg6[%get3A_732, %get3A_733] {strides = array<i32>} : memref<800x64xf32, #tpu.memory_space<vmem>>, vector<16xf32>,
        %max3A_735 = arith.maximumf %max3A_729, %get3A_734 : vector<16xf32>
        %add3A_736 = arith.constant 12 : i32
        %add3A_737 = arith.addi %mul3A_65, %add3A_736 : i32
        %get3A_738 = arith.index_cast %add3A_737 : i32 to index
        %get3A_739 = arith.constant 32 : index
        %get3A_740 = tpu.vector_load %arg6[%get3A_738, %get3A_739] {strides = array<i32>} : memref<800x64xf32, #tpu.memory_space<vmem>>, vector<16xf32>,
        %max3A_741 = arith.maximumf %max3A_735, %get3A_740 : vector<16xf32>
        %add3A_742 = arith.constant 13 : i32
        %add3A_743 = arith.addi %mul3A_65, %add3A_742 : i32
        %get3A_744 = arith.index_cast %add3A_743 : i32 to index
        %get3A_745 = arith.constant 32 : index
        %get3A_746 = tpu.vector_load %arg6[%get3A_744, %get3A_745] {strides = array<i32>} : memref<800x64xf32, #tpu.memory_space<vmem>>, vector<16xf32>,
        %max3A_747 = arith.maximumf %max3A_741, %get3A_746 : vector<16xf32>
        %add3A_748 = arith.constant 14 : i32
        %add3A_749 = arith.addi %mul3A_65, %add3A_748 : i32
        %get3A_750 = arith.index_cast %add3A_749 : i32 to index
        %get3A_751 = arith.constant 32 : index
        %get3A_752 = tpu.vector_load %arg6[%get3A_750, %get3A_751] {strides = array<i32>} : memref<800x64xf32, #tpu.memory_space<vmem>>, vector<16xf32>,
        %max3A_753 = arith.maximumf %max3A_747, %get3A_752 : vector<16xf32>
        %add3A_754 = arith.constant 15 : i32
        %add3A_755 = arith.addi %mul3A_65, %add3A_754 : i32
        %get3A_756 = arith.index_cast %add3A_755 : i32 to index
        %get3A_757 = arith.constant 32 : index
        %get3A_758 = tpu.vector_load %arg6[%get3A_756, %get3A_757] {strides = array<i32>} : memref<800x64xf32, #tpu.memory_space<vmem>>, vector<16xf32>,
        %max3A_759 = arith.maximumf %max3A_753, %get3A_758 : vector<16xf32>
        %add3A_760 = arith.constant 16 : i32
        %add3A_761 = arith.addi %mul3A_65, %add3A_760 : i32
        %get3A_762 = arith.index_cast %add3A_761 : i32 to index
        %get3A_763 = arith.constant 32 : index
        %get3A_764 = tpu.vector_load %arg6[%get3A_762, %get3A_763] {strides = array<i32>} : memref<800x64xf32, #tpu.memory_space<vmem>>, vector<16xf32>,
        %max3A_765 = arith.maximumf %max3A_759, %get3A_764 : vector<16xf32>
        %add3A_766 = arith.constant 17 : i32
        %add3A_767 = arith.addi %mul3A_65, %add3A_766 : i32
        %get3A_768 = arith.index_cast %add3A_767 : i32 to index
        %get3A_769 = arith.constant 32 : index
        %get3A_770 = tpu.vector_load %arg6[%get3A_768, %get3A_769] {strides = array<i32>} : memref<800x64xf32, #tpu.memory_space<vmem>>, vector<16xf32>,
        %max3A_771 = arith.maximumf %max3A_765, %get3A_770 : vector<16xf32>
        %add3A_772 = arith.constant 18 : i32
        %add3A_773 = arith.addi %mul3A_65, %add3A_772 : i32
        %get3A_774 = arith.index_cast %add3A_773 : i32 to index
        %get3A_775 = arith.constant 32 : index
        %get3A_776 = tpu.vector_load %arg6[%get3A_774, %get3A_775] {strides = array<i32>} : memref<800x64xf32, #tpu.memory_space<vmem>>, vector<16xf32>,
        %max3A_777 = arith.maximumf %max3A_771, %get3A_776 : vector<16xf32>
        %add3A_778 = arith.constant 19 : i32
        %add3A_779 = arith.addi %mul3A_65, %add3A_778 : i32
        %get3A_780 = arith.index_cast %add3A_779 : i32 to index
        %get3A_781 = arith.constant 32 : index
        %get3A_782 = tpu.vector_load %arg6[%get3A_780, %get3A_781] {strides = array<i32>} : memref<800x64xf32, #tpu.memory_space<vmem>>, vector<16xf32>,
        %max3A_783 = arith.maximumf %max3A_777, %get3A_782 : vector<16xf32>
        %add3A_784 = arith.constant 20 : i32
        %add3A_785 = arith.addi %mul3A_65, %add3A_784 : i32
        %get3A_786 = arith.index_cast %add3A_785 : i32 to index
        %get3A_787 = arith.constant 32 : index
        %get3A_788 = tpu.vector_load %arg6[%get3A_786, %get3A_787] {strides = array<i32>} : memref<800x64xf32, #tpu.memory_space<vmem>>, vector<16xf32>,
        %max3A_789 = arith.maximumf %max3A_783, %get3A_788 : vector<16xf32>
        %add3A_790 = arith.constant 21 : i32
        %add3A_791 = arith.addi %mul3A_65, %add3A_790 : i32
        %get3A_792 = arith.index_cast %add3A_791 : i32 to index
        %get3A_793 = arith.constant 32 : index
        %get3A_794 = tpu.vector_load %arg6[%get3A_792, %get3A_793] {strides = array<i32>} : memref<800x64xf32, #tpu.memory_space<vmem>>, vector<16xf32>,
        %max3A_795 = arith.maximumf %max3A_789, %get3A_794 : vector<16xf32>
        %add3A_796 = arith.constant 22 : i32
        %add3A_797 = arith.addi %mul3A_65, %add3A_796 : i32
        %get3A_798 = arith.index_cast %add3A_797 : i32 to index
        %get3A_799 = arith.constant 32 : index
        %get3A_800 = tpu.vector_load %arg6[%get3A_798, %get3A_799] {strides = array<i32>} : memref<800x64xf32, #tpu.memory_space<vmem>>, vector<16xf32>,
        %max3A_801 = arith.maximumf %max3A_795, %get3A_800 : vector<16xf32>
        %add3A_802 = arith.constant 23 : i32
        %add3A_803 = arith.addi %mul3A_65, %add3A_802 : i32
        %get3A_804 = arith.index_cast %add3A_803 : i32 to index
        %get3A_805 = arith.constant 32 : index
        %get3A_806 = tpu.vector_load %arg6[%get3A_804, %get3A_805] {strides = array<i32>} : memref<800x64xf32, #tpu.memory_space<vmem>>, vector<16xf32>,
        %max3A_807 = arith.maximumf %max3A_801, %get3A_806 : vector<16xf32>
        %add3A_808 = arith.constant 24 : i32
        %add3A_809 = arith.addi %mul3A_65, %add3A_808 : i32
        %get3A_810 = arith.index_cast %add3A_809 : i32 to index
        %get3A_811 = arith.constant 32 : index
        %get3A_812 = tpu.vector_load %arg6[%get3A_810, %get3A_811] {strides = array<i32>} : memref<800x64xf32, #tpu.memory_space<vmem>>, vector<16xf32>,
        %max3A_813 = arith.maximumf %max3A_807, %get3A_812 : vector<16xf32>
        %add3A_814 = arith.constant 25 : i32
        %add3A_815 = arith.addi %mul3A_65, %add3A_814 : i32
        %get3A_816 = arith.index_cast %add3A_815 : i32 to index
        %get3A_817 = arith.constant 32 : index
        %get3A_818 = tpu.vector_load %arg6[%get3A_816, %get3A_817] {strides = array<i32>} : memref<800x64xf32, #tpu.memory_space<vmem>>, vector<16xf32>,
        %max3A_819 = arith.maximumf %max3A_813, %get3A_818 : vector<16xf32>
        %add3A_820 = arith.constant 26 : i32
        %add3A_821 = arith.addi %mul3A_65, %add3A_820 : i32
        %get3A_822 = arith.index_cast %add3A_821 : i32 to index
        %get3A_823 = arith.constant 32 : index
        %get3A_824 = tpu.vector_load %arg6[%get3A_822, %get3A_823] {strides = array<i32>} : memref<800x64xf32, #tpu.memory_space<vmem>>, vector<16xf32>,
        %max3A_825 = arith.maximumf %max3A_819, %get3A_824 : vector<16xf32>
        %add3A_826 = arith.constant 27 : i32
        %add3A_827 = arith.addi %mul3A_65, %add3A_826 : i32
        %get3A_828 = arith.index_cast %add3A_827 : i32 to index
        %get3A_829 = arith.constant 32 : index
        %get3A_830 = tpu.vector_load %arg6[%get3A_828, %get3A_829] {strides = array<i32>} : memref<800x64xf32, #tpu.memory_space<vmem>>, vector<16xf32>,
        %max3A_831 = arith.maximumf %max3A_825, %get3A_830 : vector<16xf32>
        %add3A_832 = arith.constant 28 : i32
        %add3A_833 = arith.addi %mul3A_65, %add3A_832 : i32
        %get3A_834 = arith.index_cast %add3A_833 : i32 to index
        %get3A_835 = arith.constant 32 : index
        %get3A_836 = tpu.vector_load %arg6[%get3A_834, %get3A_835] {strides = array<i32>} : memref<800x64xf32, #tpu.memory_space<vmem>>, vector<16xf32>,
        %max3A_837 = arith.maximumf %max3A_831, %get3A_836 : vector<16xf32>
        %add3A_838 = arith.constant 29 : i32
        %add3A_839 = arith.addi %mul3A_65, %add3A_838 : i32
        %get3A_840 = arith.index_cast %add3A_839 : i32 to index
        %get3A_841 = arith.constant 32 : index
        %get3A_842 = tpu.vector_load %arg6[%get3A_840, %get3A_841] {strides = array<i32>} : memref<800x64xf32, #tpu.memory_space<vmem>>, vector<16xf32>,
        %max3A_843 = arith.maximumf %max3A_837, %get3A_842 : vector<16xf32>
        %add3A_844 = arith.constant 30 : i32
        %add3A_845 = arith.addi %mul3A_65, %add3A_844 : i32
        %get3A_846 = arith.index_cast %add3A_845 : i32 to index
        %get3A_847 = arith.constant 32 : index
        %get3A_848 = tpu.vector_load %arg6[%get3A_846, %get3A_847] {strides = array<i32>} : memref<800x64xf32, #tpu.memory_space<vmem>>, vector<16xf32>,
        %max3A_849 = arith.maximumf %max3A_843, %get3A_848 : vector<16xf32>
        %add3A_850 = arith.constant 31 : i32
        %add3A_851 = arith.addi %mul3A_65, %add3A_850 : i32
        %get3A_852 = arith.index_cast %add3A_851 : i32 to index
        %get3A_853 = arith.constant 32 : index
        %get3A_854 = tpu.vector_load %arg6[%get3A_852, %get3A_853] {strides = array<i32>} : memref<800x64xf32, #tpu.memory_space<vmem>>, vector<16xf32>,
        %max3A_855 = arith.maximumf %max3A_849, %get3A_854 : vector<16xf32>
        %add3A_856 = arith.constant 32 : i32
        %add3A_857 = arith.addi %mul3A_65, %add3A_856 : i32
        %get3A_858 = arith.index_cast %add3A_857 : i32 to index
        %get3A_859 = arith.constant 32 : index
        %get3A_860 = tpu.vector_load %arg6[%get3A_858, %get3A_859] {strides = array<i32>} : memref<800x64xf32, #tpu.memory_space<vmem>>, vector<16xf32>,
        %max3A_861 = arith.maximumf %max3A_855, %get3A_860 : vector<16xf32>
        %add3A_862 = arith.constant 33 : i32
        %add3A_863 = arith.addi %mul3A_65, %add3A_862 : i32
        %get3A_864 = arith.index_cast %add3A_863 : i32 to index
        %get3A_865 = arith.constant 32 : index
        %get3A_866 = tpu.vector_load %arg6[%get3A_864, %get3A_865] {strides = array<i32>} : memref<800x64xf32, #tpu.memory_space<vmem>>, vector<16xf32>,
        %max3A_867 = arith.maximumf %max3A_861, %get3A_866 : vector<16xf32>
        %add3A_868 = arith.constant 34 : i32
        %add3A_869 = arith.addi %mul3A_65, %add3A_868 : i32
        %get3A_870 = arith.index_cast %add3A_869 : i32 to index
        %get3A_871 = arith.constant 32 : index
        %get3A_872 = tpu.vector_load %arg6[%get3A_870, %get3A_871] {strides = array<i32>} : memref<800x64xf32, #tpu.memory_space<vmem>>, vector<16xf32>,
        %max3A_873 = arith.maximumf %max3A_867, %get3A_872 : vector<16xf32>
        %add3A_874 = arith.constant 35 : i32
        %add3A_875 = arith.addi %mul3A_65, %add3A_874 : i32
        %get3A_876 = arith.index_cast %add3A_875 : i32 to index
        %get3A_877 = arith.constant 32 : index
        %get3A_878 = tpu.vector_load %arg6[%get3A_876, %get3A_877] {strides = array<i32>} : memref<800x64xf32, #tpu.memory_space<vmem>>, vector<16xf32>,
        %max3A_879 = arith.maximumf %max3A_873, %get3A_878 : vector<16xf32>
        %add3A_880 = arith.constant 36 : i32
        %add3A_881 = arith.addi %mul3A_65, %add3A_880 : i32
        %get3A_882 = arith.index_cast %add3A_881 : i32 to index
        %get3A_883 = arith.constant 32 : index
        %get3A_884 = tpu.vector_load %arg6[%get3A_882, %get3A_883] {strides = array<i32>} : memref<800x64xf32, #tpu.memory_space<vmem>>, vector<16xf32>,
        %max3A_885 = arith.maximumf %max3A_879, %get3A_884 : vector<16xf32>
        %add3A_886 = arith.constant 37 : i32
        %add3A_887 = arith.addi %mul3A_65, %add3A_886 : i32
        %get3A_888 = arith.index_cast %add3A_887 : i32 to index
        %get3A_889 = arith.constant 32 : index
        %get3A_890 = tpu.vector_load %arg6[%get3A_888, %get3A_889] {strides = array<i32>} : memref<800x64xf32, #tpu.memory_space<vmem>>, vector<16xf32>,
        %max3A_891 = arith.maximumf %max3A_885, %get3A_890 : vector<16xf32>
        %add3A_892 = arith.constant 38 : i32
        %add3A_893 = arith.addi %mul3A_65, %add3A_892 : i32
        %get3A_894 = arith.index_cast %add3A_893 : i32 to index
        %get3A_895 = arith.constant 32 : index
        %get3A_896 = tpu.vector_load %arg6[%get3A_894, %get3A_895] {strides = array<i32>} : memref<800x64xf32, #tpu.memory_space<vmem>>, vector<16xf32>,
        %max3A_897 = arith.maximumf %max3A_891, %get3A_896 : vector<16xf32>
        %add3A_898 = arith.constant 39 : i32
        %add3A_899 = arith.addi %mul3A_65, %add3A_898 : i32
        %get3A_900 = arith.index_cast %add3A_899 : i32 to index
        %get3A_901 = arith.constant 32 : index
        %get3A_902 = tpu.vector_load %arg6[%get3A_900, %get3A_901] {strides = array<i32>} : memref<800x64xf32, #tpu.memory_space<vmem>>, vector<16xf32>,
        %max3A_903 = arith.maximumf %max3A_897, %get3A_902 : vector<16xf32>
        %add3A_904 = arith.constant 40 : i32
        %add3A_905 = arith.addi %mul3A_65, %add3A_904 : i32
        %get3A_906 = arith.index_cast %add3A_905 : i32 to index
        %get3A_907 = arith.constant 32 : index
        %get3A_908 = tpu.vector_load %arg6[%get3A_906, %get3A_907] {strides = array<i32>} : memref<800x64xf32, #tpu.memory_space<vmem>>, vector<16xf32>,
        %max3A_909 = arith.maximumf %max3A_903, %get3A_908 : vector<16xf32>
        %add3A_910 = arith.constant 41 : i32
        %add3A_911 = arith.addi %mul3A_65, %add3A_910 : i32
        %get3A_912 = arith.index_cast %add3A_911 : i32 to index
        %get3A_913 = arith.constant 32 : index
        %get3A_914 = tpu.vector_load %arg6[%get3A_912, %get3A_913] {strides = array<i32>} : memref<800x64xf32, #tpu.memory_space<vmem>>, vector<16xf32>,
        %max3A_915 = arith.maximumf %max3A_909, %get3A_914 : vector<16xf32>
        %add3A_916 = arith.constant 42 : i32
        %add3A_917 = arith.addi %mul3A_65, %add3A_916 : i32
        %get3A_918 = arith.index_cast %add3A_917 : i32 to index
        %get3A_919 = arith.constant 32 : index
        %get3A_920 = tpu.vector_load %arg6[%get3A_918, %get3A_919] {strides = array<i32>} : memref<800x64xf32, #tpu.memory_space<vmem>>, vector<16xf32>,
        %max3A_921 = arith.maximumf %max3A_915, %get3A_920 : vector<16xf32>
        %add3A_922 = arith.constant 43 : i32
        %add3A_923 = arith.addi %mul3A_65, %add3A_922 : i32
        %get3A_924 = arith.index_cast %add3A_923 : i32 to index
        %get3A_925 = arith.constant 32 : index
        %get3A_926 = tpu.vector_load %arg6[%get3A_924, %get3A_925] {strides = array<i32>} : memref<800x64xf32, #tpu.memory_space<vmem>>, vector<16xf32>,
        %max3A_927 = arith.maximumf %max3A_921, %get3A_926 : vector<16xf32>
        %add3A_928 = arith.constant 44 : i32
        %add3A_929 = arith.addi %mul3A_65, %add3A_928 : i32
        %get3A_930 = arith.index_cast %add3A_929 : i32 to index
        %get3A_931 = arith.constant 32 : index
        %get3A_932 = tpu.vector_load %arg6[%get3A_930, %get3A_931] {strides = array<i32>} : memref<800x64xf32, #tpu.memory_space<vmem>>, vector<16xf32>,
        %max3A_933 = arith.maximumf %max3A_927, %get3A_932 : vector<16xf32>
        %add3A_934 = arith.constant 45 : i32
        %add3A_935 = arith.addi %mul3A_65, %add3A_934 : i32
        %get3A_936 = arith.index_cast %add3A_935 : i32 to index
        %get3A_937 = arith.constant 32 : index
        %get3A_938 = tpu.vector_load %arg6[%get3A_936, %get3A_937] {strides = array<i32>} : memref<800x64xf32, #tpu.memory_space<vmem>>, vector<16xf32>,
        %max3A_939 = arith.maximumf %max3A_933, %get3A_938 : vector<16xf32>
        %add3A_940 = arith.constant 46 : i32
        %add3A_941 = arith.addi %mul3A_65, %add3A_940 : i32
        %get3A_942 = arith.index_cast %add3A_941 : i32 to index
        %get3A_943 = arith.constant 32 : index
        %get3A_944 = tpu.vector_load %arg6[%get3A_942, %get3A_943] {strides = array<i32>} : memref<800x64xf32, #tpu.memory_space<vmem>>, vector<16xf32>,
        %max3A_945 = arith.maximumf %max3A_939, %get3A_944 : vector<16xf32>
        %add3A_946 = arith.constant 47 : i32
        %add3A_947 = arith.addi %mul3A_65, %add3A_946 : i32
        %get3A_948 = arith.index_cast %add3A_947 : i32 to index
        %get3A_949 = arith.constant 32 : index
        %get3A_950 = tpu.vector_load %arg6[%get3A_948, %get3A_949] {strides = array<i32>} : memref<800x64xf32, #tpu.memory_space<vmem>>, vector<16xf32>,
        %max3A_951 = arith.maximumf %max3A_945, %get3A_950 : vector<16xf32>
        %add3A_952 = arith.constant 48 : i32
        %add3A_953 = arith.addi %mul3A_65, %add3A_952 : i32
        %get3A_954 = arith.index_cast %add3A_953 : i32 to index
        %get3A_955 = arith.constant 32 : index
        %get3A_956 = tpu.vector_load %arg6[%get3A_954, %get3A_955] {strides = array<i32>} : memref<800x64xf32, #tpu.memory_space<vmem>>, vector<16xf32>,
        %max3A_957 = arith.maximumf %max3A_951, %get3A_956 : vector<16xf32>
        %add3A_958 = arith.constant 49 : i32
        %add3A_959 = arith.addi %mul3A_65, %add3A_958 : i32
        %get3A_960 = arith.index_cast %add3A_959 : i32 to index
        %get3A_961 = arith.constant 32 : index
        %get3A_962 = tpu.vector_load %arg6[%get3A_960, %get3A_961] {strides = array<i32>} : memref<800x64xf32, #tpu.memory_space<vmem>>, vector<16xf32>,
        %max3A_963 = arith.maximumf %max3A_957, %get3A_962 : vector<16xf32>
        %add3A_964 = arith.constant 32 : i32
        %add3A_965 = vector.broadcast %add3A_964 : i32 to vector<16xi32>
        %add3A_966 = arith.addi %iota3A, %add3A_965 : vector<16xi32>
        tpu.vector_store_idx %arg8[%add3A_966, %broadcast_in_dim3A], %max3A_963 : memref<64x128xf32, #tpu.memory_space<vmem>>[vector<16xi32>, vector<16xi32>], vector<16xf32>,
        %get3A_967 = arith.index_cast %mul3A_65 : i32 to index
        %get3A_968 = arith.constant 48 : index
        %get3A_969 = tpu.vector_load %arg6[%get3A_967, %get3A_968] {strides = array<i32>} : memref<800x64xf32, #tpu.memory_space<vmem>>, vector<16xf32>,
        %add3A_970 = arith.constant 1 : i32
        %add3A_971 = arith.addi %mul3A_65, %add3A_970 : i32
        %get3A_972 = arith.index_cast %add3A_971 : i32 to index
        %get3A_973 = arith.constant 48 : index
        %get3A_974 = tpu.vector_load %arg6[%get3A_972, %get3A_973] {strides = array<i32>} : memref<800x64xf32, #tpu.memory_space<vmem>>, vector<16xf32>,
        %max3A_975 = arith.maximumf %get3A_969, %get3A_974 : vector<16xf32>
        %add3A_976 = arith.constant 2 : i32
        %add3A_977 = arith.addi %mul3A_65, %add3A_976 : i32
        %get3A_978 = arith.index_cast %add3A_977 : i32 to index
        %get3A_979 = arith.constant 48 : index
        %get3A_980 = tpu.vector_load %arg6[%get3A_978, %get3A_979] {strides = array<i32>} : memref<800x64xf32, #tpu.memory_space<vmem>>, vector<16xf32>,
        %max3A_981 = arith.maximumf %max3A_975, %get3A_980 : vector<16xf32>
        %add3A_982 = arith.constant 3 : i32
        %add3A_983 = arith.addi %mul3A_65, %add3A_982 : i32
        %get3A_984 = arith.index_cast %add3A_983 : i32 to index
        %get3A_985 = arith.constant 48 : index
        %get3A_986 = tpu.vector_load %arg6[%get3A_984, %get3A_985] {strides = array<i32>} : memref<800x64xf32, #tpu.memory_space<vmem>>, vector<16xf32>,
        %max3A_987 = arith.maximumf %max3A_981, %get3A_986 : vector<16xf32>
        %add3A_988 = arith.constant 4 : i32
        %add3A_989 = arith.addi %mul3A_65, %add3A_988 : i32
        %get3A_990 = arith.index_cast %add3A_989 : i32 to index
        %get3A_991 = arith.constant 48 : index
        %get3A_992 = tpu.vector_load %arg6[%get3A_990, %get3A_991] {strides = array<i32>} : memref<800x64xf32, #tpu.memory_space<vmem>>, vector<16xf32>,
        %max3A_993 = arith.maximumf %max3A_987, %get3A_992 : vector<16xf32>
        %add3A_994 = arith.constant 5 : i32
        %add3A_995 = arith.addi %mul3A_65, %add3A_994 : i32
        %get3A_996 = arith.index_cast %add3A_995 : i32 to index
        %get3A_997 = arith.constant 48 : index
        %get3A_998 = tpu.vector_load %arg6[%get3A_996, %get3A_997] {strides = array<i32>} : memref<800x64xf32, #tpu.memory_space<vmem>>, vector<16xf32>,
        %max3A_999 = arith.maximumf %max3A_993, %get3A_998 : vector<16xf32>
        %add3A_1000 = arith.constant 6 : i32
        %add3A_1001 = arith.addi %mul3A_65, %add3A_1000 : i32
        %get3A_1002 = arith.index_cast %add3A_1001 : i32 to index
        %get3A_1003 = arith.constant 48 : index
        %get3A_1004 = tpu.vector_load %arg6[%get3A_1002, %get3A_1003] {strides = array<i32>} : memref<800x64xf32, #tpu.memory_space<vmem>>, vector<16xf32>,
        %max3A_1005 = arith.maximumf %max3A_999, %get3A_1004 : vector<16xf32>
        %add3A_1006 = arith.constant 7 : i32
        %add3A_1007 = arith.addi %mul3A_65, %add3A_1006 : i32
        %get3A_1008 = arith.index_cast %add3A_1007 : i32 to index
        %get3A_1009 = arith.constant 48 : index
        %get3A_1010 = tpu.vector_load %arg6[%get3A_1008, %get3A_1009] {strides = array<i32>} : memref<800x64xf32, #tpu.memory_space<vmem>>, vector<16xf32>,
        %max3A_1011 = arith.maximumf %max3A_1005, %get3A_1010 : vector<16xf32>
        %add3A_1012 = arith.constant 8 : i32
        %add3A_1013 = arith.addi %mul3A_65, %add3A_1012 : i32
        %get3A_1014 = arith.index_cast %add3A_1013 : i32 to index
        %get3A_1015 = arith.constant 48 : index
        %get3A_1016 = tpu.vector_load %arg6[%get3A_1014, %get3A_1015] {strides = array<i32>} : memref<800x64xf32, #tpu.memory_space<vmem>>, vector<16xf32>,
        %max3A_1017 = arith.maximumf %max3A_1011, %get3A_1016 : vector<16xf32>
        %add3A_1018 = arith.constant 9 : i32
        %add3A_1019 = arith.addi %mul3A_65, %add3A_1018 : i32
        %get3A_1020 = arith.index_cast %add3A_1019 : i32 to index
        %get3A_1021 = arith.constant 48 : index
        %get3A_1022 = tpu.vector_load %arg6[%get3A_1020, %get3A_1021] {strides = array<i32>} : memref<800x64xf32, #tpu.memory_space<vmem>>, vector<16xf32>,
        %max3A_1023 = arith.maximumf %max3A_1017, %get3A_1022 : vector<16xf32>
        %add3A_1024 = arith.constant 10 : i32
        %add3A_1025 = arith.addi %mul3A_65, %add3A_1024 : i32
        %get3A_1026 = arith.index_cast %add3A_1025 : i32 to index
        %get3A_1027 = arith.constant 48 : index
        %get3A_1028 = tpu.vector_load %arg6[%get3A_1026, %get3A_1027] {strides = array<i32>} : memref<800x64xf32, #tpu.memory_space<vmem>>, vector<16xf32>,
        %max3A_1029 = arith.maximumf %max3A_1023, %get3A_1028 : vector<16xf32>
        %add3A_1030 = arith.constant 11 : i32
        %add3A_1031 = arith.addi %mul3A_65, %add3A_1030 : i32
        %get3A_1032 = arith.index_cast %add3A_1031 : i32 to index
        %get3A_1033 = arith.constant 48 : index
        %get3A_1034 = tpu.vector_load %arg6[%get3A_1032, %get3A_1033] {strides = array<i32>} : memref<800x64xf32, #tpu.memory_space<vmem>>, vector<16xf32>,
        %max3A_1035 = arith.maximumf %max3A_1029, %get3A_1034 : vector<16xf32>
        %add3A_1036 = arith.constant 12 : i32
        %add3A_1037 = arith.addi %mul3A_65, %add3A_1036 : i32
        %get3A_1038 = arith.index_cast %add3A_1037 : i32 to index
        %get3A_1039 = arith.constant 48 : index
        %get3A_1040 = tpu.vector_load %arg6[%get3A_1038, %get3A_1039] {strides = array<i32>} : memref<800x64xf32, #tpu.memory_space<vmem>>, vector<16xf32>,
        %max3A_1041 = arith.maximumf %max3A_1035, %get3A_1040 : vector<16xf32>
        %add3A_1042 = arith.constant 13 : i32
        %add3A_1043 = arith.addi %mul3A_65, %add3A_1042 : i32
        %get3A_1044 = arith.index_cast %add3A_1043 : i32 to index
        %get3A_1045 = arith.constant 48 : index
        %get3A_1046 = tpu.vector_load %arg6[%get3A_1044, %get3A_1045] {strides = array<i32>} : memref<800x64xf32, #tpu.memory_space<vmem>>, vector<16xf32>,
        %max3A_1047 = arith.maximumf %max3A_1041, %get3A_1046 : vector<16xf32>
        %add3A_1048 = arith.constant 14 : i32
        %add3A_1049 = arith.addi %mul3A_65, %add3A_1048 : i32
        %get3A_1050 = arith.index_cast %add3A_1049 : i32 to index
        %get3A_1051 = arith.constant 48 : index
        %get3A_1052 = tpu.vector_load %arg6[%get3A_1050, %get3A_1051] {strides = array<i32>} : memref<800x64xf32, #tpu.memory_space<vmem>>, vector<16xf32>,
        %max3A_1053 = arith.maximumf %max3A_1047, %get3A_1052 : vector<16xf32>
        %add3A_1054 = arith.constant 15 : i32
        %add3A_1055 = arith.addi %mul3A_65, %add3A_1054 : i32
        %get3A_1056 = arith.index_cast %add3A_1055 : i32 to index
        %get3A_1057 = arith.constant 48 : index
        %get3A_1058 = tpu.vector_load %arg6[%get3A_1056, %get3A_1057] {strides = array<i32>} : memref<800x64xf32, #tpu.memory_space<vmem>>, vector<16xf32>,
        %max3A_1059 = arith.maximumf %max3A_1053, %get3A_1058 : vector<16xf32>
        %add3A_1060 = arith.constant 16 : i32
        %add3A_1061 = arith.addi %mul3A_65, %add3A_1060 : i32
        %get3A_1062 = arith.index_cast %add3A_1061 : i32 to index
        %get3A_1063 = arith.constant 48 : index
        %get3A_1064 = tpu.vector_load %arg6[%get3A_1062, %get3A_1063] {strides = array<i32>} : memref<800x64xf32, #tpu.memory_space<vmem>>, vector<16xf32>,
        %max3A_1065 = arith.maximumf %max3A_1059, %get3A_1064 : vector<16xf32>
        %add3A_1066 = arith.constant 17 : i32
        %add3A_1067 = arith.addi %mul3A_65, %add3A_1066 : i32
        %get3A_1068 = arith.index_cast %add3A_1067 : i32 to index
        %get3A_1069 = arith.constant 48 : index
        %get3A_1070 = tpu.vector_load %arg6[%get3A_1068, %get3A_1069] {strides = array<i32>} : memref<800x64xf32, #tpu.memory_space<vmem>>, vector<16xf32>,
        %max3A_1071 = arith.maximumf %max3A_1065, %get3A_1070 : vector<16xf32>
        %add3A_1072 = arith.constant 18 : i32
        %add3A_1073 = arith.addi %mul3A_65, %add3A_1072 : i32
        %get3A_1074 = arith.index_cast %add3A_1073 : i32 to index
        %get3A_1075 = arith.constant 48 : index
        %get3A_1076 = tpu.vector_load %arg6[%get3A_1074, %get3A_1075] {strides = array<i32>} : memref<800x64xf32, #tpu.memory_space<vmem>>, vector<16xf32>,
        %max3A_1077 = arith.maximumf %max3A_1071, %get3A_1076 : vector<16xf32>
        %add3A_1078 = arith.constant 19 : i32
        %add3A_1079 = arith.addi %mul3A_65, %add3A_1078 : i32
        %get3A_1080 = arith.index_cast %add3A_1079 : i32 to index
        %get3A_1081 = arith.constant 48 : index
        %get3A_1082 = tpu.vector_load %arg6[%get3A_1080, %get3A_1081] {strides = array<i32>} : memref<800x64xf32, #tpu.memory_space<vmem>>, vector<16xf32>,
        %max3A_1083 = arith.maximumf %max3A_1077, %get3A_1082 : vector<16xf32>
        %add3A_1084 = arith.constant 20 : i32
        %add3A_1085 = arith.addi %mul3A_65, %add3A_1084 : i32
        %get3A_1086 = arith.index_cast %add3A_1085 : i32 to index
        %get3A_1087 = arith.constant 48 : index
        %get3A_1088 = tpu.vector_load %arg6[%get3A_1086, %get3A_1087] {strides = array<i32>} : memref<800x64xf32, #tpu.memory_space<vmem>>, vector<16xf32>,
        %max3A_1089 = arith.maximumf %max3A_1083, %get3A_1088 : vector<16xf32>
        %add3A_1090 = arith.constant 21 : i32
        %add3A_1091 = arith.addi %mul3A_65, %add3A_1090 : i32
        %get3A_1092 = arith.index_cast %add3A_1091 : i32 to index
        %get3A_1093 = arith.constant 48 : index
        %get3A_1094 = tpu.vector_load %arg6[%get3A_1092, %get3A_1093] {strides = array<i32>} : memref<800x64xf32, #tpu.memory_space<vmem>>, vector<16xf32>,
        %max3A_1095 = arith.maximumf %max3A_1089, %get3A_1094 : vector<16xf32>
        %add3A_1096 = arith.constant 22 : i32
        %add3A_1097 = arith.addi %mul3A_65, %add3A_1096 : i32
        %get3A_1098 = arith.index_cast %add3A_1097 : i32 to index
        %get3A_1099 = arith.constant 48 : index
        %get3A_1100 = tpu.vector_load %arg6[%get3A_1098, %get3A_1099] {strides = array<i32>} : memref<800x64xf32, #tpu.memory_space<vmem>>, vector<16xf32>,
        %max3A_1101 = arith.maximumf %max3A_1095, %get3A_1100 : vector<16xf32>
        %add3A_1102 = arith.constant 23 : i32
        %add3A_1103 = arith.addi %mul3A_65, %add3A_1102 : i32
        %get3A_1104 = arith.index_cast %add3A_1103 : i32 to index
        %get3A_1105 = arith.constant 48 : index
        %get3A_1106 = tpu.vector_load %arg6[%get3A_1104, %get3A_1105] {strides = array<i32>} : memref<800x64xf32, #tpu.memory_space<vmem>>, vector<16xf32>,
        %max3A_1107 = arith.maximumf %max3A_1101, %get3A_1106 : vector<16xf32>
        %add3A_1108 = arith.constant 24 : i32
        %add3A_1109 = arith.addi %mul3A_65, %add3A_1108 : i32
        %get3A_1110 = arith.index_cast %add3A_1109 : i32 to index
        %get3A_1111 = arith.constant 48 : index
        %get3A_1112 = tpu.vector_load %arg6[%get3A_1110, %get3A_1111] {strides = array<i32>} : memref<800x64xf32, #tpu.memory_space<vmem>>, vector<16xf32>,
        %max3A_1113 = arith.maximumf %max3A_1107, %get3A_1112 : vector<16xf32>
        %add3A_1114 = arith.constant 25 : i32
        %add3A_1115 = arith.addi %mul3A_65, %add3A_1114 : i32
        %get3A_1116 = arith.index_cast %add3A_1115 : i32 to index
        %get3A_1117 = arith.constant 48 : index
        %get3A_1118 = tpu.vector_load %arg6[%get3A_1116, %get3A_1117] {strides = array<i32>} : memref<800x64xf32, #tpu.memory_space<vmem>>, vector<16xf32>,
        %max3A_1119 = arith.maximumf %max3A_1113, %get3A_1118 : vector<16xf32>
        %add3A_1120 = arith.constant 26 : i32
        %add3A_1121 = arith.addi %mul3A_65, %add3A_1120 : i32
        %get3A_1122 = arith.index_cast %add3A_1121 : i32 to index
        %get3A_1123 = arith.constant 48 : index
        %get3A_1124 = tpu.vector_load %arg6[%get3A_1122, %get3A_1123] {strides = array<i32>} : memref<800x64xf32, #tpu.memory_space<vmem>>, vector<16xf32>,
        %max3A_1125 = arith.maximumf %max3A_1119, %get3A_1124 : vector<16xf32>
        %add3A_1126 = arith.constant 27 : i32
        %add3A_1127 = arith.addi %mul3A_65, %add3A_1126 : i32
        %get3A_1128 = arith.index_cast %add3A_1127 : i32 to index
        %get3A_1129 = arith.constant 48 : index
        %get3A_1130 = tpu.vector_load %arg6[%get3A_1128, %get3A_1129] {strides = array<i32>} : memref<800x64xf32, #tpu.memory_space<vmem>>, vector<16xf32>,
        %max3A_1131 = arith.maximumf %max3A_1125, %get3A_1130 : vector<16xf32>
        %add3A_1132 = arith.constant 28 : i32
        %add3A_1133 = arith.addi %mul3A_65, %add3A_1132 : i32
        %get3A_1134 = arith.index_cast %add3A_1133 : i32 to index
        %get3A_1135 = arith.constant 48 : index
        %get3A_1136 = tpu.vector_load %arg6[%get3A_1134, %get3A_1135] {strides = array<i32>} : memref<800x64xf32, #tpu.memory_space<vmem>>, vector<16xf32>,
        %max3A_1137 = arith.maximumf %max3A_1131, %get3A_1136 : vector<16xf32>
        %add3A_1138 = arith.constant 29 : i32
        %add3A_1139 = arith.addi %mul3A_65, %add3A_1138 : i32
        %get3A_1140 = arith.index_cast %add3A_1139 : i32 to index
        %get3A_1141 = arith.constant 48 : index
        %get3A_1142 = tpu.vector_load %arg6[%get3A_1140, %get3A_1141] {strides = array<i32>} : memref<800x64xf32, #tpu.memory_space<vmem>>, vector<16xf32>,
        %max3A_1143 = arith.maximumf %max3A_1137, %get3A_1142 : vector<16xf32>
        %add3A_1144 = arith.constant 30 : i32
        %add3A_1145 = arith.addi %mul3A_65, %add3A_1144 : i32
        %get3A_1146 = arith.index_cast %add3A_1145 : i32 to index
        %get3A_1147 = arith.constant 48 : index
        %get3A_1148 = tpu.vector_load %arg6[%get3A_1146, %get3A_1147] {strides = array<i32>} : memref<800x64xf32, #tpu.memory_space<vmem>>, vector<16xf32>,
        %max3A_1149 = arith.maximumf %max3A_1143, %get3A_1148 : vector<16xf32>
        %add3A_1150 = arith.constant 31 : i32
        %add3A_1151 = arith.addi %mul3A_65, %add3A_1150 : i32
        %get3A_1152 = arith.index_cast %add3A_1151 : i32 to index
        %get3A_1153 = arith.constant 48 : index
        %get3A_1154 = tpu.vector_load %arg6[%get3A_1152, %get3A_1153] {strides = array<i32>} : memref<800x64xf32, #tpu.memory_space<vmem>>, vector<16xf32>,
        %max3A_1155 = arith.maximumf %max3A_1149, %get3A_1154 : vector<16xf32>
        %add3A_1156 = arith.constant 32 : i32
        %add3A_1157 = arith.addi %mul3A_65, %add3A_1156 : i32
        %get3A_1158 = arith.index_cast %add3A_1157 : i32 to index
        %get3A_1159 = arith.constant 48 : index
        %get3A_1160 = tpu.vector_load %arg6[%get3A_1158, %get3A_1159] {strides = array<i32>} : memref<800x64xf32, #tpu.memory_space<vmem>>, vector<16xf32>,
        %max3A_1161 = arith.maximumf %max3A_1155, %get3A_1160 : vector<16xf32>
        %add3A_1162 = arith.constant 33 : i32
        %add3A_1163 = arith.addi %mul3A_65, %add3A_1162 : i32
        %get3A_1164 = arith.index_cast %add3A_1163 : i32 to index
        %get3A_1165 = arith.constant 48 : index
        %get3A_1166 = tpu.vector_load %arg6[%get3A_1164, %get3A_1165] {strides = array<i32>} : memref<800x64xf32, #tpu.memory_space<vmem>>, vector<16xf32>,
        %max3A_1167 = arith.maximumf %max3A_1161, %get3A_1166 : vector<16xf32>
        %add3A_1168 = arith.constant 34 : i32
        %add3A_1169 = arith.addi %mul3A_65, %add3A_1168 : i32
        %get3A_1170 = arith.index_cast %add3A_1169 : i32 to index
        %get3A_1171 = arith.constant 48 : index
        %get3A_1172 = tpu.vector_load %arg6[%get3A_1170, %get3A_1171] {strides = array<i32>} : memref<800x64xf32, #tpu.memory_space<vmem>>, vector<16xf32>,
        %max3A_1173 = arith.maximumf %max3A_1167, %get3A_1172 : vector<16xf32>
        %add3A_1174 = arith.constant 35 : i32
        %add3A_1175 = arith.addi %mul3A_65, %add3A_1174 : i32
        %get3A_1176 = arith.index_cast %add3A_1175 : i32 to index
        %get3A_1177 = arith.constant 48 : index
        %get3A_1178 = tpu.vector_load %arg6[%get3A_1176, %get3A_1177] {strides = array<i32>} : memref<800x64xf32, #tpu.memory_space<vmem>>, vector<16xf32>,
        %max3A_1179 = arith.maximumf %max3A_1173, %get3A_1178 : vector<16xf32>
        %add3A_1180 = arith.constant 36 : i32
        %add3A_1181 = arith.addi %mul3A_65, %add3A_1180 : i32
        %get3A_1182 = arith.index_cast %add3A_1181 : i32 to index
        %get3A_1183 = arith.constant 48 : index
        %get3A_1184 = tpu.vector_load %arg6[%get3A_1182, %get3A_1183] {strides = array<i32>} : memref<800x64xf32, #tpu.memory_space<vmem>>, vector<16xf32>,
        %max3A_1185 = arith.maximumf %max3A_1179, %get3A_1184 : vector<16xf32>
        %add3A_1186 = arith.constant 37 : i32
        %add3A_1187 = arith.addi %mul3A_65, %add3A_1186 : i32
        %get3A_1188 = arith.index_cast %add3A_1187 : i32 to index
        %get3A_1189 = arith.constant 48 : index
        %get3A_1190 = tpu.vector_load %arg6[%get3A_1188, %get3A_1189] {strides = array<i32>} : memref<800x64xf32, #tpu.memory_space<vmem>>, vector<16xf32>,
        %max3A_1191 = arith.maximumf %max3A_1185, %get3A_1190 : vector<16xf32>
        %add3A_1192 = arith.constant 38 : i32
        %add3A_1193 = arith.addi %mul3A_65, %add3A_1192 : i32
        %get3A_1194 = arith.index_cast %add3A_1193 : i32 to index
        %get3A_1195 = arith.constant 48 : index
        %get3A_1196 = tpu.vector_load %arg6[%get3A_1194, %get3A_1195] {strides = array<i32>} : memref<800x64xf32, #tpu.memory_space<vmem>>, vector<16xf32>,
        %max3A_1197 = arith.maximumf %max3A_1191, %get3A_1196 : vector<16xf32>
        %add3A_1198 = arith.constant 39 : i32
        %add3A_1199 = arith.addi %mul3A_65, %add3A_1198 : i32
        %get3A_1200 = arith.index_cast %add3A_1199 : i32 to index
        %get3A_1201 = arith.constant 48 : index
        %get3A_1202 = tpu.vector_load %arg6[%get3A_1200, %get3A_1201] {strides = array<i32>} : memref<800x64xf32, #tpu.memory_space<vmem>>, vector<16xf32>,
        %max3A_1203 = arith.maximumf %max3A_1197, %get3A_1202 : vector<16xf32>
        %add3A_1204 = arith.constant 40 : i32
        %add3A_1205 = arith.addi %mul3A_65, %add3A_1204 : i32
        %get3A_1206 = arith.index_cast %add3A_1205 : i32 to index
        %get3A_1207 = arith.constant 48 : index
        %get3A_1208 = tpu.vector_load %arg6[%get3A_1206, %get3A_1207] {strides = array<i32>} : memref<800x64xf32, #tpu.memory_space<vmem>>, vector<16xf32>,
        %max3A_1209 = arith.maximumf %max3A_1203, %get3A_1208 : vector<16xf32>
        %add3A_1210 = arith.constant 41 : i32
        %add3A_1211 = arith.addi %mul3A_65, %add3A_1210 : i32
        %get3A_1212 = arith.index_cast %add3A_1211 : i32 to index
        %get3A_1213 = arith.constant 48 : index
        %get3A_1214 = tpu.vector_load %arg6[%get3A_1212, %get3A_1213] {strides = array<i32>} : memref<800x64xf32, #tpu.memory_space<vmem>>, vector<16xf32>,
        %max3A_1215 = arith.maximumf %max3A_1209, %get3A_1214 : vector<16xf32>
        %add3A_1216 = arith.constant 42 : i32
        %add3A_1217 = arith.addi %mul3A_65, %add3A_1216 : i32
        %get3A_1218 = arith.index_cast %add3A_1217 : i32 to index
        %get3A_1219 = arith.constant 48 : index
        %get3A_1220 = tpu.vector_load %arg6[%get3A_1218, %get3A_1219] {strides = array<i32>} : memref<800x64xf32, #tpu.memory_space<vmem>>, vector<16xf32>,
        %max3A_1221 = arith.maximumf %max3A_1215, %get3A_1220 : vector<16xf32>
        %add3A_1222 = arith.constant 43 : i32
        %add3A_1223 = arith.addi %mul3A_65, %add3A_1222 : i32
        %get3A_1224 = arith.index_cast %add3A_1223 : i32 to index
        %get3A_1225 = arith.constant 48 : index
        %get3A_1226 = tpu.vector_load %arg6[%get3A_1224, %get3A_1225] {strides = array<i32>} : memref<800x64xf32, #tpu.memory_space<vmem>>, vector<16xf32>,
        %max3A_1227 = arith.maximumf %max3A_1221, %get3A_1226 : vector<16xf32>
        %add3A_1228 = arith.constant 44 : i32
        %add3A_1229 = arith.addi %mul3A_65, %add3A_1228 : i32
        %get3A_1230 = arith.index_cast %add3A_1229 : i32 to index
        %get3A_1231 = arith.constant 48 : index
        %get3A_1232 = tpu.vector_load %arg6[%get3A_1230, %get3A_1231] {strides = array<i32>} : memref<800x64xf32, #tpu.memory_space<vmem>>, vector<16xf32>,
        %max3A_1233 = arith.maximumf %max3A_1227, %get3A_1232 : vector<16xf32>
        %add3A_1234 = arith.constant 45 : i32
        %add3A_1235 = arith.addi %mul3A_65, %add3A_1234 : i32
        %get3A_1236 = arith.index_cast %add3A_1235 : i32 to index
        %get3A_1237 = arith.constant 48 : index
        %get3A_1238 = tpu.vector_load %arg6[%get3A_1236, %get3A_1237] {strides = array<i32>} : memref<800x64xf32, #tpu.memory_space<vmem>>, vector<16xf32>,
        %max3A_1239 = arith.maximumf %max3A_1233, %get3A_1238 : vector<16xf32>
        %add3A_1240 = arith.constant 46 : i32
        %add3A_1241 = arith.addi %mul3A_65, %add3A_1240 : i32
        %get3A_1242 = arith.index_cast %add3A_1241 : i32 to index
        %get3A_1243 = arith.constant 48 : index
        %get3A_1244 = tpu.vector_load %arg6[%get3A_1242, %get3A_1243] {strides = array<i32>} : memref<800x64xf32, #tpu.memory_space<vmem>>, vector<16xf32>,
        %max3A_1245 = arith.maximumf %max3A_1239, %get3A_1244 : vector<16xf32>
        %add3A_1246 = arith.constant 47 : i32
        %add3A_1247 = arith.addi %mul3A_65, %add3A_1246 : i32
        %get3A_1248 = arith.index_cast %add3A_1247 : i32 to index
        %get3A_1249 = arith.constant 48 : index
        %get3A_1250 = tpu.vector_load %arg6[%get3A_1248, %get3A_1249] {strides = array<i32>} : memref<800x64xf32, #tpu.memory_space<vmem>>, vector<16xf32>,
        %max3A_1251 = arith.maximumf %max3A_1245, %get3A_1250 : vector<16xf32>
        %add3A_1252 = arith.constant 48 : i32
        %add3A_1253 = arith.addi %mul3A_65, %add3A_1252 : i32
        %get3A_1254 = arith.index_cast %add3A_1253 : i32 to index
        %get3A_1255 = arith.constant 48 : index
        %get3A_1256 = tpu.vector_load %arg6[%get3A_1254, %get3A_1255] {strides = array<i32>} : memref<800x64xf32, #tpu.memory_space<vmem>>, vector<16xf32>,
        %max3A_1257 = arith.maximumf %max3A_1251, %get3A_1256 : vector<16xf32>
        %add3A_1258 = arith.constant 49 : i32
        %add3A_1259 = arith.addi %mul3A_65, %add3A_1258 : i32
        %get3A_1260 = arith.index_cast %add3A_1259 : i32 to index
        %get3A_1261 = arith.constant 48 : index
        %get3A_1262 = tpu.vector_load %arg6[%get3A_1260, %get3A_1261] {strides = array<i32>} : memref<800x64xf32, #tpu.memory_space<vmem>>, vector<16xf32>,
        %max3A_1263 = arith.maximumf %max3A_1257, %get3A_1262 : vector<16xf32>
        %add3A_1264 = arith.constant 48 : i32
        %add3A_1265 = vector.broadcast %add3A_1264 : i32 to vector<16xi32>
        %add3A_1266 = arith.addi %iota3A, %add3A_1265 : vector<16xi32>
        tpu.vector_store_idx %arg8[%add3A_1266, %broadcast_in_dim3A], %max3A_1263 : memref<64x128xf32, #tpu.memory_space<vmem>>[vector<16xi32>, vector<16xi32>], vector<16xf32>,
      }
      %scan3A_36 = arith.constant 16 : i32
      %add3A_37 = arith.constant 2 : i32
      %add3A_38 = arith.addi %add3A_26, %add3A_37 : i32
      %lt3A = arith.constant 8 : i32
      %lt3A_39 = arith.cmpi slt, %add3A_38, %lt3A : i32
      %convert_element_type3A = arith.extui %lt3A_39 : i1 to i32
      %cond3A = arith.constant 0 : i32
      %cond3A_40 = arith.cmpi ne, %convert_element_type3A, %cond3A : i32
      scf.if %cond3A_40 {
        %dma_start3A_63 = arith.constant 0 : i32
        %dma_start3A_64 = tpu.memref_slice %arg5[%add3A_38, %dma_start3A_63] : memref<8x800xi32, #tpu.memory_space<vmem>> -> memref<1x800xi32, #tpu.memory_space<vmem>>
        %dma_start3A_65 = tpu.memref_squeeze %dma_start3A_64 : memref<1x800xi32, #tpu.memory_space<vmem>> -> memref<800xi32, #tpu.memory_space<vmem>>
        %dma_start3A_66 = arith.constant 0 : i32
        %dma_start3A_67 = arith.constant 0 : i32
        %dma_start3A_68 = tpu.memref_slice %arg3[%dma_start3A_66, %dma_start3A_67] : memref<200000x64xf32, #tpu.memory_space<hbm>> -> memref<200000x64xf32, #tpu.memory_space<hbm>>
        tpu.enqueue_indirect_dma source(%dma_start3A_68 : memref<200000x64xf32, #tpu.memory_space<hbm>>) target(%arg6 : memref<800x64xf32, #tpu.memory_space<vmem>>) offsets(%dma_start3A_65 : memref<800xi32, #tpu.memory_space<vmem>>) semaphore(%arg9 : memref<!tpu.dma_semaphore, #tpu.memory_space<semaphore_mem>>)
      } else {
      }
      %mul3A_41 = arith.constant 2 : i32
      %mul3A_42 = arith.muli %scan3A_22, %mul3A_41 : i32
      %add3A_43 = arith.constant 1 : i32
      %add3A_44 = arith.addi %mul3A_42, %add3A_43 : i32
      %dma_wait3A_45 = arith.constant 0 : i32
      %dma_wait3A_46 = tpu.memref_slice %arg5[%add3A_44, %dma_wait3A_45] : memref<8x800xi32, #tpu.memory_space<vmem>> -> memref<1x800xi32, #tpu.memory_space<vmem>>
      %dma_wait3A_47 = tpu.memref_squeeze %dma_wait3A_46 : memref<1x800xi32, #tpu.memory_space<vmem>> -> memref<800xi32, #tpu.memory_space<vmem>>
      %dma_wait3A_48 = arith.constant 0 : i32
      %dma_wait3A_49 = arith.constant 0 : i32
      %dma_wait3A_50 = tpu.memref_slice %arg3[%dma_wait3A_48, %dma_wait3A_49] : memref<200000x64xf32, #tpu.memory_space<hbm>> -> memref<200000x64xf32, #tpu.memory_space<hbm>>
      tpu.wait_indirect_dma semaphore(%arg10 : memref<!tpu.dma_semaphore, #tpu.memory_space<semaphore_mem>>) src(%dma_wait3A_50 : memref<200000x64xf32, #tpu.memory_space<hbm>>) dst(%arg7 : memref<800x64xf32, #tpu.memory_space<vmem>>)
      %scan3A_51 = arith.constant 0 : i32
      %scan3A_52 = arith.constant 16 : i32
      %scan3A_53 = arith.addi %scan3A_51, %scan3A_52 : i32
      %scan3A_54 = arith.constant 1 : i32
      scf.for %scan3A_63 = %scan3A_51 to %scan3A_53 step %scan3A_54  : i32 {
        %mul3A_64 = arith.constant 50 : i32
        %mul3A_65 = arith.muli %scan3A_63, %mul3A_64 : i32
        %mul3A_66 = arith.constant 16 : i32
        %mul3A_67 = arith.muli %add3A_44, %mul3A_66 : i32
        %add3A_68 = arith.addi %mul3A_67, %scan3A_63 : i32
        %broadcast_in_dim3A = vector.broadcast %add3A_68 : i32 to vector<16xi32>
        %get3A = arith.index_cast %mul3A_65 : i32 to index
        %get3A_69 = arith.constant 0 : index
        %get3A_70 = tpu.vector_load %arg7[%get3A, %get3A_69] {strides = array<i32>} : memref<800x64xf32, #tpu.memory_space<vmem>>, vector<16xf32>,
        %add3A_71 = arith.constant 1 : i32
        %add3A_72 = arith.addi %mul3A_65, %add3A_71 : i32
        %get3A_73 = arith.index_cast %add3A_72 : i32 to index
        %get3A_74 = arith.constant 0 : index
        %get3A_75 = tpu.vector_load %arg7[%get3A_73, %get3A_74] {strides = array<i32>} : memref<800x64xf32, #tpu.memory_space<vmem>>, vector<16xf32>,
        %max3A = arith.maximumf %get3A_70, %get3A_75 : vector<16xf32>
        %add3A_76 = arith.constant 2 : i32
        %add3A_77 = arith.addi %mul3A_65, %add3A_76 : i32
        %get3A_78 = arith.index_cast %add3A_77 : i32 to index
        %get3A_79 = arith.constant 0 : index
        %get3A_80 = tpu.vector_load %arg7[%get3A_78, %get3A_79] {strides = array<i32>} : memref<800x64xf32, #tpu.memory_space<vmem>>, vector<16xf32>,
        %max3A_81 = arith.maximumf %max3A, %get3A_80 : vector<16xf32>
        %add3A_82 = arith.constant 3 : i32
        %add3A_83 = arith.addi %mul3A_65, %add3A_82 : i32
        %get3A_84 = arith.index_cast %add3A_83 : i32 to index
        %get3A_85 = arith.constant 0 : index
        %get3A_86 = tpu.vector_load %arg7[%get3A_84, %get3A_85] {strides = array<i32>} : memref<800x64xf32, #tpu.memory_space<vmem>>, vector<16xf32>,
        %max3A_87 = arith.maximumf %max3A_81, %get3A_86 : vector<16xf32>
        %add3A_88 = arith.constant 4 : i32
        %add3A_89 = arith.addi %mul3A_65, %add3A_88 : i32
        %get3A_90 = arith.index_cast %add3A_89 : i32 to index
        %get3A_91 = arith.constant 0 : index
        %get3A_92 = tpu.vector_load %arg7[%get3A_90, %get3A_91] {strides = array<i32>} : memref<800x64xf32, #tpu.memory_space<vmem>>, vector<16xf32>,
        %max3A_93 = arith.maximumf %max3A_87, %get3A_92 : vector<16xf32>
        %add3A_94 = arith.constant 5 : i32
        %add3A_95 = arith.addi %mul3A_65, %add3A_94 : i32
        %get3A_96 = arith.index_cast %add3A_95 : i32 to index
        %get3A_97 = arith.constant 0 : index
        %get3A_98 = tpu.vector_load %arg7[%get3A_96, %get3A_97] {strides = array<i32>} : memref<800x64xf32, #tpu.memory_space<vmem>>, vector<16xf32>,
        %max3A_99 = arith.maximumf %max3A_93, %get3A_98 : vector<16xf32>
        %add3A_100 = arith.constant 6 : i32
        %add3A_101 = arith.addi %mul3A_65, %add3A_100 : i32
        %get3A_102 = arith.index_cast %add3A_101 : i32 to index
        %get3A_103 = arith.constant 0 : index
        %get3A_104 = tpu.vector_load %arg7[%get3A_102, %get3A_103] {strides = array<i32>} : memref<800x64xf32, #tpu.memory_space<vmem>>, vector<16xf32>,
        %max3A_105 = arith.maximumf %max3A_99, %get3A_104 : vector<16xf32>
        %add3A_106 = arith.constant 7 : i32
        %add3A_107 = arith.addi %mul3A_65, %add3A_106 : i32
        %get3A_108 = arith.index_cast %add3A_107 : i32 to index
        %get3A_109 = arith.constant 0 : index
        %get3A_110 = tpu.vector_load %arg7[%get3A_108, %get3A_109] {strides = array<i32>} : memref<800x64xf32, #tpu.memory_space<vmem>>, vector<16xf32>,
        %max3A_111 = arith.maximumf %max3A_105, %get3A_110 : vector<16xf32>
        %add3A_112 = arith.constant 8 : i32
        %add3A_113 = arith.addi %mul3A_65, %add3A_112 : i32
        %get3A_114 = arith.index_cast %add3A_113 : i32 to index
        %get3A_115 = arith.constant 0 : index
        %get3A_116 = tpu.vector_load %arg7[%get3A_114, %get3A_115] {strides = array<i32>} : memref<800x64xf32, #tpu.memory_space<vmem>>, vector<16xf32>,
        %max3A_117 = arith.maximumf %max3A_111, %get3A_116 : vector<16xf32>
        %add3A_118 = arith.constant 9 : i32
        %add3A_119 = arith.addi %mul3A_65, %add3A_118 : i32
        %get3A_120 = arith.index_cast %add3A_119 : i32 to index
        %get3A_121 = arith.constant 0 : index
        %get3A_122 = tpu.vector_load %arg7[%get3A_120, %get3A_121] {strides = array<i32>} : memref<800x64xf32, #tpu.memory_space<vmem>>, vector<16xf32>,
        %max3A_123 = arith.maximumf %max3A_117, %get3A_122 : vector<16xf32>
        %add3A_124 = arith.constant 10 : i32
        %add3A_125 = arith.addi %mul3A_65, %add3A_124 : i32
        %get3A_126 = arith.index_cast %add3A_125 : i32 to index
        %get3A_127 = arith.constant 0 : index
        %get3A_128 = tpu.vector_load %arg7[%get3A_126, %get3A_127] {strides = array<i32>} : memref<800x64xf32, #tpu.memory_space<vmem>>, vector<16xf32>,
        %max3A_129 = arith.maximumf %max3A_123, %get3A_128 : vector<16xf32>
        %add3A_130 = arith.constant 11 : i32
        %add3A_131 = arith.addi %mul3A_65, %add3A_130 : i32
        %get3A_132 = arith.index_cast %add3A_131 : i32 to index
        %get3A_133 = arith.constant 0 : index
        %get3A_134 = tpu.vector_load %arg7[%get3A_132, %get3A_133] {strides = array<i32>} : memref<800x64xf32, #tpu.memory_space<vmem>>, vector<16xf32>,
        %max3A_135 = arith.maximumf %max3A_129, %get3A_134 : vector<16xf32>
        %add3A_136 = arith.constant 12 : i32
        %add3A_137 = arith.addi %mul3A_65, %add3A_136 : i32
        %get3A_138 = arith.index_cast %add3A_137 : i32 to index
        %get3A_139 = arith.constant 0 : index
        %get3A_140 = tpu.vector_load %arg7[%get3A_138, %get3A_139] {strides = array<i32>} : memref<800x64xf32, #tpu.memory_space<vmem>>, vector<16xf32>,
        %max3A_141 = arith.maximumf %max3A_135, %get3A_140 : vector<16xf32>
        %add3A_142 = arith.constant 13 : i32
        %add3A_143 = arith.addi %mul3A_65, %add3A_142 : i32
        %get3A_144 = arith.index_cast %add3A_143 : i32 to index
        %get3A_145 = arith.constant 0 : index
        %get3A_146 = tpu.vector_load %arg7[%get3A_144, %get3A_145] {strides = array<i32>} : memref<800x64xf32, #tpu.memory_space<vmem>>, vector<16xf32>,
        %max3A_147 = arith.maximumf %max3A_141, %get3A_146 : vector<16xf32>
        %add3A_148 = arith.constant 14 : i32
        %add3A_149 = arith.addi %mul3A_65, %add3A_148 : i32
        %get3A_150 = arith.index_cast %add3A_149 : i32 to index
        %get3A_151 = arith.constant 0 : index
        %get3A_152 = tpu.vector_load %arg7[%get3A_150, %get3A_151] {strides = array<i32>} : memref<800x64xf32, #tpu.memory_space<vmem>>, vector<16xf32>,
        %max3A_153 = arith.maximumf %max3A_147, %get3A_152 : vector<16xf32>
        %add3A_154 = arith.constant 15 : i32
        %add3A_155 = arith.addi %mul3A_65, %add3A_154 : i32
        %get3A_156 = arith.index_cast %add3A_155 : i32 to index
        %get3A_157 = arith.constant 0 : index
        %get3A_158 = tpu.vector_load %arg7[%get3A_156, %get3A_157] {strides = array<i32>} : memref<800x64xf32, #tpu.memory_space<vmem>>, vector<16xf32>,
        %max3A_159 = arith.maximumf %max3A_153, %get3A_158 : vector<16xf32>
        %add3A_160 = arith.constant 16 : i32
        %add3A_161 = arith.addi %mul3A_65, %add3A_160 : i32
        %get3A_162 = arith.index_cast %add3A_161 : i32 to index
        %get3A_163 = arith.constant 0 : index
        %get3A_164 = tpu.vector_load %arg7[%get3A_162, %get3A_163] {strides = array<i32>} : memref<800x64xf32, #tpu.memory_space<vmem>>, vector<16xf32>,
        %max3A_165 = arith.maximumf %max3A_159, %get3A_164 : vector<16xf32>
        %add3A_166 = arith.constant 17 : i32
        %add3A_167 = arith.addi %mul3A_65, %add3A_166 : i32
        %get3A_168 = arith.index_cast %add3A_167 : i32 to index
        %get3A_169 = arith.constant 0 : index
        %get3A_170 = tpu.vector_load %arg7[%get3A_168, %get3A_169] {strides = array<i32>} : memref<800x64xf32, #tpu.memory_space<vmem>>, vector<16xf32>,
        %max3A_171 = arith.maximumf %max3A_165, %get3A_170 : vector<16xf32>
        %add3A_172 = arith.constant 18 : i32
        %add3A_173 = arith.addi %mul3A_65, %add3A_172 : i32
        %get3A_174 = arith.index_cast %add3A_173 : i32 to index
        %get3A_175 = arith.constant 0 : index
        %get3A_176 = tpu.vector_load %arg7[%get3A_174, %get3A_175] {strides = array<i32>} : memref<800x64xf32, #tpu.memory_space<vmem>>, vector<16xf32>,
        %max3A_177 = arith.maximumf %max3A_171, %get3A_176 : vector<16xf32>
        %add3A_178 = arith.constant 19 : i32
        %add3A_179 = arith.addi %mul3A_65, %add3A_178 : i32
        %get3A_180 = arith.index_cast %add3A_179 : i32 to index
        %get3A_181 = arith.constant 0 : index
        %get3A_182 = tpu.vector_load %arg7[%get3A_180, %get3A_181] {strides = array<i32>} : memref<800x64xf32, #tpu.memory_space<vmem>>, vector<16xf32>,
        %max3A_183 = arith.maximumf %max3A_177, %get3A_182 : vector<16xf32>
        %add3A_184 = arith.constant 20 : i32
        %add3A_185 = arith.addi %mul3A_65, %add3A_184 : i32
        %get3A_186 = arith.index_cast %add3A_185 : i32 to index
        %get3A_187 = arith.constant 0 : index
        %get3A_188 = tpu.vector_load %arg7[%get3A_186, %get3A_187] {strides = array<i32>} : memref<800x64xf32, #tpu.memory_space<vmem>>, vector<16xf32>,
        %max3A_189 = arith.maximumf %max3A_183, %get3A_188 : vector<16xf32>
        %add3A_190 = arith.constant 21 : i32
        %add3A_191 = arith.addi %mul3A_65, %add3A_190 : i32
        %get3A_192 = arith.index_cast %add3A_191 : i32 to index
        %get3A_193 = arith.constant 0 : index
        %get3A_194 = tpu.vector_load %arg7[%get3A_192, %get3A_193] {strides = array<i32>} : memref<800x64xf32, #tpu.memory_space<vmem>>, vector<16xf32>,
        %max3A_195 = arith.maximumf %max3A_189, %get3A_194 : vector<16xf32>
        %add3A_196 = arith.constant 22 : i32
        %add3A_197 = arith.addi %mul3A_65, %add3A_196 : i32
        %get3A_198 = arith.index_cast %add3A_197 : i32 to index
        %get3A_199 = arith.constant 0 : index
        %get3A_200 = tpu.vector_load %arg7[%get3A_198, %get3A_199] {strides = array<i32>} : memref<800x64xf32, #tpu.memory_space<vmem>>, vector<16xf32>,
        %max3A_201 = arith.maximumf %max3A_195, %get3A_200 : vector<16xf32>
        %add3A_202 = arith.constant 23 : i32
        %add3A_203 = arith.addi %mul3A_65, %add3A_202 : i32
        %get3A_204 = arith.index_cast %add3A_203 : i32 to index
        %get3A_205 = arith.constant 0 : index
        %get3A_206 = tpu.vector_load %arg7[%get3A_204, %get3A_205] {strides = array<i32>} : memref<800x64xf32, #tpu.memory_space<vmem>>, vector<16xf32>,
        %max3A_207 = arith.maximumf %max3A_201, %get3A_206 : vector<16xf32>
        %add3A_208 = arith.constant 24 : i32
        %add3A_209 = arith.addi %mul3A_65, %add3A_208 : i32
        %get3A_210 = arith.index_cast %add3A_209 : i32 to index
        %get3A_211 = arith.constant 0 : index
        %get3A_212 = tpu.vector_load %arg7[%get3A_210, %get3A_211] {strides = array<i32>} : memref<800x64xf32, #tpu.memory_space<vmem>>, vector<16xf32>,
        %max3A_213 = arith.maximumf %max3A_207, %get3A_212 : vector<16xf32>
        %add3A_214 = arith.constant 25 : i32
        %add3A_215 = arith.addi %mul3A_65, %add3A_214 : i32
        %get3A_216 = arith.index_cast %add3A_215 : i32 to index
        %get3A_217 = arith.constant 0 : index
        %get3A_218 = tpu.vector_load %arg7[%get3A_216, %get3A_217] {strides = array<i32>} : memref<800x64xf32, #tpu.memory_space<vmem>>, vector<16xf32>,
        %max3A_219 = arith.maximumf %max3A_213, %get3A_218 : vector<16xf32>
        %add3A_220 = arith.constant 26 : i32
        %add3A_221 = arith.addi %mul3A_65, %add3A_220 : i32
        %get3A_222 = arith.index_cast %add3A_221 : i32 to index
        %get3A_223 = arith.constant 0 : index
        %get3A_224 = tpu.vector_load %arg7[%get3A_222, %get3A_223] {strides = array<i32>} : memref<800x64xf32, #tpu.memory_space<vmem>>, vector<16xf32>,
        %max3A_225 = arith.maximumf %max3A_219, %get3A_224 : vector<16xf32>
        %add3A_226 = arith.constant 27 : i32
        %add3A_227 = arith.addi %mul3A_65, %add3A_226 : i32
        %get3A_228 = arith.index_cast %add3A_227 : i32 to index
        %get3A_229 = arith.constant 0 : index
        %get3A_230 = tpu.vector_load %arg7[%get3A_228, %get3A_229] {strides = array<i32>} : memref<800x64xf32, #tpu.memory_space<vmem>>, vector<16xf32>,
        %max3A_231 = arith.maximumf %max3A_225, %get3A_230 : vector<16xf32>
        %add3A_232 = arith.constant 28 : i32
        %add3A_233 = arith.addi %mul3A_65, %add3A_232 : i32
        %get3A_234 = arith.index_cast %add3A_233 : i32 to index
        %get3A_235 = arith.constant 0 : index
        %get3A_236 = tpu.vector_load %arg7[%get3A_234, %get3A_235] {strides = array<i32>} : memref<800x64xf32, #tpu.memory_space<vmem>>, vector<16xf32>,
        %max3A_237 = arith.maximumf %max3A_231, %get3A_236 : vector<16xf32>
        %add3A_238 = arith.constant 29 : i32
        %add3A_239 = arith.addi %mul3A_65, %add3A_238 : i32
        %get3A_240 = arith.index_cast %add3A_239 : i32 to index
        %get3A_241 = arith.constant 0 : index
        %get3A_242 = tpu.vector_load %arg7[%get3A_240, %get3A_241] {strides = array<i32>} : memref<800x64xf32, #tpu.memory_space<vmem>>, vector<16xf32>,
        %max3A_243 = arith.maximumf %max3A_237, %get3A_242 : vector<16xf32>
        %add3A_244 = arith.constant 30 : i32
        %add3A_245 = arith.addi %mul3A_65, %add3A_244 : i32
        %get3A_246 = arith.index_cast %add3A_245 : i32 to index
        %get3A_247 = arith.constant 0 : index
        %get3A_248 = tpu.vector_load %arg7[%get3A_246, %get3A_247] {strides = array<i32>} : memref<800x64xf32, #tpu.memory_space<vmem>>, vector<16xf32>,
        %max3A_249 = arith.maximumf %max3A_243, %get3A_248 : vector<16xf32>
        %add3A_250 = arith.constant 31 : i32
        %add3A_251 = arith.addi %mul3A_65, %add3A_250 : i32
        %get3A_252 = arith.index_cast %add3A_251 : i32 to index
        %get3A_253 = arith.constant 0 : index
        %get3A_254 = tpu.vector_load %arg7[%get3A_252, %get3A_253] {strides = array<i32>} : memref<800x64xf32, #tpu.memory_space<vmem>>, vector<16xf32>,
        %max3A_255 = arith.maximumf %max3A_249, %get3A_254 : vector<16xf32>
        %add3A_256 = arith.constant 32 : i32
        %add3A_257 = arith.addi %mul3A_65, %add3A_256 : i32
        %get3A_258 = arith.index_cast %add3A_257 : i32 to index
        %get3A_259 = arith.constant 0 : index
        %get3A_260 = tpu.vector_load %arg7[%get3A_258, %get3A_259] {strides = array<i32>} : memref<800x64xf32, #tpu.memory_space<vmem>>, vector<16xf32>,
        %max3A_261 = arith.maximumf %max3A_255, %get3A_260 : vector<16xf32>
        %add3A_262 = arith.constant 33 : i32
        %add3A_263 = arith.addi %mul3A_65, %add3A_262 : i32
        %get3A_264 = arith.index_cast %add3A_263 : i32 to index
        %get3A_265 = arith.constant 0 : index
        %get3A_266 = tpu.vector_load %arg7[%get3A_264, %get3A_265] {strides = array<i32>} : memref<800x64xf32, #tpu.memory_space<vmem>>, vector<16xf32>,
        %max3A_267 = arith.maximumf %max3A_261, %get3A_266 : vector<16xf32>
        %add3A_268 = arith.constant 34 : i32
        %add3A_269 = arith.addi %mul3A_65, %add3A_268 : i32
        %get3A_270 = arith.index_cast %add3A_269 : i32 to index
        %get3A_271 = arith.constant 0 : index
        %get3A_272 = tpu.vector_load %arg7[%get3A_270, %get3A_271] {strides = array<i32>} : memref<800x64xf32, #tpu.memory_space<vmem>>, vector<16xf32>,
        %max3A_273 = arith.maximumf %max3A_267, %get3A_272 : vector<16xf32>
        %add3A_274 = arith.constant 35 : i32
        %add3A_275 = arith.addi %mul3A_65, %add3A_274 : i32
        %get3A_276 = arith.index_cast %add3A_275 : i32 to index
        %get3A_277 = arith.constant 0 : index
        %get3A_278 = tpu.vector_load %arg7[%get3A_276, %get3A_277] {strides = array<i32>} : memref<800x64xf32, #tpu.memory_space<vmem>>, vector<16xf32>,
        %max3A_279 = arith.maximumf %max3A_273, %get3A_278 : vector<16xf32>
        %add3A_280 = arith.constant 36 : i32
        %add3A_281 = arith.addi %mul3A_65, %add3A_280 : i32
        %get3A_282 = arith.index_cast %add3A_281 : i32 to index
        %get3A_283 = arith.constant 0 : index
        %get3A_284 = tpu.vector_load %arg7[%get3A_282, %get3A_283] {strides = array<i32>} : memref<800x64xf32, #tpu.memory_space<vmem>>, vector<16xf32>,
        %max3A_285 = arith.maximumf %max3A_279, %get3A_284 : vector<16xf32>
        %add3A_286 = arith.constant 37 : i32
        %add3A_287 = arith.addi %mul3A_65, %add3A_286 : i32
        %get3A_288 = arith.index_cast %add3A_287 : i32 to index
        %get3A_289 = arith.constant 0 : index
        %get3A_290 = tpu.vector_load %arg7[%get3A_288, %get3A_289] {strides = array<i32>} : memref<800x64xf32, #tpu.memory_space<vmem>>, vector<16xf32>,
        %max3A_291 = arith.maximumf %max3A_285, %get3A_290 : vector<16xf32>
        %add3A_292 = arith.constant 38 : i32
        %add3A_293 = arith.addi %mul3A_65, %add3A_292 : i32
        %get3A_294 = arith.index_cast %add3A_293 : i32 to index
        %get3A_295 = arith.constant 0 : index
        %get3A_296 = tpu.vector_load %arg7[%get3A_294, %get3A_295] {strides = array<i32>} : memref<800x64xf32, #tpu.memory_space<vmem>>, vector<16xf32>,
        %max3A_297 = arith.maximumf %max3A_291, %get3A_296 : vector<16xf32>
        %add3A_298 = arith.constant 39 : i32
        %add3A_299 = arith.addi %mul3A_65, %add3A_298 : i32
        %get3A_300 = arith.index_cast %add3A_299 : i32 to index
        %get3A_301 = arith.constant 0 : index
        %get3A_302 = tpu.vector_load %arg7[%get3A_300, %get3A_301] {strides = array<i32>} : memref<800x64xf32, #tpu.memory_space<vmem>>, vector<16xf32>,
        %max3A_303 = arith.maximumf %max3A_297, %get3A_302 : vector<16xf32>
        %add3A_304 = arith.constant 40 : i32
        %add3A_305 = arith.addi %mul3A_65, %add3A_304 : i32
        %get3A_306 = arith.index_cast %add3A_305 : i32 to index
        %get3A_307 = arith.constant 0 : index
        %get3A_308 = tpu.vector_load %arg7[%get3A_306, %get3A_307] {strides = array<i32>} : memref<800x64xf32, #tpu.memory_space<vmem>>, vector<16xf32>,
        %max3A_309 = arith.maximumf %max3A_303, %get3A_308 : vector<16xf32>
        %add3A_310 = arith.constant 41 : i32
        %add3A_311 = arith.addi %mul3A_65, %add3A_310 : i32
        %get3A_312 = arith.index_cast %add3A_311 : i32 to index
        %get3A_313 = arith.constant 0 : index
        %get3A_314 = tpu.vector_load %arg7[%get3A_312, %get3A_313] {strides = array<i32>} : memref<800x64xf32, #tpu.memory_space<vmem>>, vector<16xf32>,
        %max3A_315 = arith.maximumf %max3A_309, %get3A_314 : vector<16xf32>
        %add3A_316 = arith.constant 42 : i32
        %add3A_317 = arith.addi %mul3A_65, %add3A_316 : i32
        %get3A_318 = arith.index_cast %add3A_317 : i32 to index
        %get3A_319 = arith.constant 0 : index
        %get3A_320 = tpu.vector_load %arg7[%get3A_318, %get3A_319] {strides = array<i32>} : memref<800x64xf32, #tpu.memory_space<vmem>>, vector<16xf32>,
        %max3A_321 = arith.maximumf %max3A_315, %get3A_320 : vector<16xf32>
        %add3A_322 = arith.constant 43 : i32
        %add3A_323 = arith.addi %mul3A_65, %add3A_322 : i32
        %get3A_324 = arith.index_cast %add3A_323 : i32 to index
        %get3A_325 = arith.constant 0 : index
        %get3A_326 = tpu.vector_load %arg7[%get3A_324, %get3A_325] {strides = array<i32>} : memref<800x64xf32, #tpu.memory_space<vmem>>, vector<16xf32>,
        %max3A_327 = arith.maximumf %max3A_321, %get3A_326 : vector<16xf32>
        %add3A_328 = arith.constant 44 : i32
        %add3A_329 = arith.addi %mul3A_65, %add3A_328 : i32
        %get3A_330 = arith.index_cast %add3A_329 : i32 to index
        %get3A_331 = arith.constant 0 : index
        %get3A_332 = tpu.vector_load %arg7[%get3A_330, %get3A_331] {strides = array<i32>} : memref<800x64xf32, #tpu.memory_space<vmem>>, vector<16xf32>,
        %max3A_333 = arith.maximumf %max3A_327, %get3A_332 : vector<16xf32>
        %add3A_334 = arith.constant 45 : i32
        %add3A_335 = arith.addi %mul3A_65, %add3A_334 : i32
        %get3A_336 = arith.index_cast %add3A_335 : i32 to index
        %get3A_337 = arith.constant 0 : index
        %get3A_338 = tpu.vector_load %arg7[%get3A_336, %get3A_337] {strides = array<i32>} : memref<800x64xf32, #tpu.memory_space<vmem>>, vector<16xf32>,
        %max3A_339 = arith.maximumf %max3A_333, %get3A_338 : vector<16xf32>
        %add3A_340 = arith.constant 46 : i32
        %add3A_341 = arith.addi %mul3A_65, %add3A_340 : i32
        %get3A_342 = arith.index_cast %add3A_341 : i32 to index
        %get3A_343 = arith.constant 0 : index
        %get3A_344 = tpu.vector_load %arg7[%get3A_342, %get3A_343] {strides = array<i32>} : memref<800x64xf32, #tpu.memory_space<vmem>>, vector<16xf32>,
        %max3A_345 = arith.maximumf %max3A_339, %get3A_344 : vector<16xf32>
        %add3A_346 = arith.constant 47 : i32
        %add3A_347 = arith.addi %mul3A_65, %add3A_346 : i32
        %get3A_348 = arith.index_cast %add3A_347 : i32 to index
        %get3A_349 = arith.constant 0 : index
        %get3A_350 = tpu.vector_load %arg7[%get3A_348, %get3A_349] {strides = array<i32>} : memref<800x64xf32, #tpu.memory_space<vmem>>, vector<16xf32>,
        %max3A_351 = arith.maximumf %max3A_345, %get3A_350 : vector<16xf32>
        %add3A_352 = arith.constant 48 : i32
        %add3A_353 = arith.addi %mul3A_65, %add3A_352 : i32
        %get3A_354 = arith.index_cast %add3A_353 : i32 to index
        %get3A_355 = arith.constant 0 : index
        %get3A_356 = tpu.vector_load %arg7[%get3A_354, %get3A_355] {strides = array<i32>} : memref<800x64xf32, #tpu.memory_space<vmem>>, vector<16xf32>,
        %max3A_357 = arith.maximumf %max3A_351, %get3A_356 : vector<16xf32>
        %add3A_358 = arith.constant 49 : i32
        %add3A_359 = arith.addi %mul3A_65, %add3A_358 : i32
        %get3A_360 = arith.index_cast %add3A_359 : i32 to index
        %get3A_361 = arith.constant 0 : index
        %get3A_362 = tpu.vector_load %arg7[%get3A_360, %get3A_361] {strides = array<i32>} : memref<800x64xf32, #tpu.memory_space<vmem>>, vector<16xf32>,
        %max3A_363 = arith.maximumf %max3A_357, %get3A_362 : vector<16xf32>
        %add3A_364 = arith.constant 0 : i32
        %add3A_365 = vector.broadcast %add3A_364 : i32 to vector<16xi32>
        %add3A_366 = arith.addi %iota3A, %add3A_365 : vector<16xi32>
        tpu.vector_store_idx %arg8[%add3A_366, %broadcast_in_dim3A], %max3A_363 : memref<64x128xf32, #tpu.memory_space<vmem>>[vector<16xi32>, vector<16xi32>], vector<16xf32>,
        %get3A_367 = arith.index_cast %mul3A_65 : i32 to index
        %get3A_368 = arith.constant 16 : index
        %get3A_369 = tpu.vector_load %arg7[%get3A_367, %get3A_368] {strides = array<i32>} : memref<800x64xf32, #tpu.memory_space<vmem>>, vector<16xf32>,
        %add3A_370 = arith.constant 1 : i32
        %add3A_371 = arith.addi %mul3A_65, %add3A_370 : i32
        %get3A_372 = arith.index_cast %add3A_371 : i32 to index
        %get3A_373 = arith.constant 16 : index
        %get3A_374 = tpu.vector_load %arg7[%get3A_372, %get3A_373] {strides = array<i32>} : memref<800x64xf32, #tpu.memory_space<vmem>>, vector<16xf32>,
        %max3A_375 = arith.maximumf %get3A_369, %get3A_374 : vector<16xf32>
        %add3A_376 = arith.constant 2 : i32
        %add3A_377 = arith.addi %mul3A_65, %add3A_376 : i32
        %get3A_378 = arith.index_cast %add3A_377 : i32 to index
        %get3A_379 = arith.constant 16 : index
        %get3A_380 = tpu.vector_load %arg7[%get3A_378, %get3A_379] {strides = array<i32>} : memref<800x64xf32, #tpu.memory_space<vmem>>, vector<16xf32>,
        %max3A_381 = arith.maximumf %max3A_375, %get3A_380 : vector<16xf32>
        %add3A_382 = arith.constant 3 : i32
        %add3A_383 = arith.addi %mul3A_65, %add3A_382 : i32
        %get3A_384 = arith.index_cast %add3A_383 : i32 to index
        %get3A_385 = arith.constant 16 : index
        %get3A_386 = tpu.vector_load %arg7[%get3A_384, %get3A_385] {strides = array<i32>} : memref<800x64xf32, #tpu.memory_space<vmem>>, vector<16xf32>,
        %max3A_387 = arith.maximumf %max3A_381, %get3A_386 : vector<16xf32>
        %add3A_388 = arith.constant 4 : i32
        %add3A_389 = arith.addi %mul3A_65, %add3A_388 : i32
        %get3A_390 = arith.index_cast %add3A_389 : i32 to index
        %get3A_391 = arith.constant 16 : index
        %get3A_392 = tpu.vector_load %arg7[%get3A_390, %get3A_391] {strides = array<i32>} : memref<800x64xf32, #tpu.memory_space<vmem>>, vector<16xf32>,
        %max3A_393 = arith.maximumf %max3A_387, %get3A_392 : vector<16xf32>
        %add3A_394 = arith.constant 5 : i32
        %add3A_395 = arith.addi %mul3A_65, %add3A_394 : i32
        %get3A_396 = arith.index_cast %add3A_395 : i32 to index
        %get3A_397 = arith.constant 16 : index
        %get3A_398 = tpu.vector_load %arg7[%get3A_396, %get3A_397] {strides = array<i32>} : memref<800x64xf32, #tpu.memory_space<vmem>>, vector<16xf32>,
        %max3A_399 = arith.maximumf %max3A_393, %get3A_398 : vector<16xf32>
        %add3A_400 = arith.constant 6 : i32
        %add3A_401 = arith.addi %mul3A_65, %add3A_400 : i32
        %get3A_402 = arith.index_cast %add3A_401 : i32 to index
        %get3A_403 = arith.constant 16 : index
        %get3A_404 = tpu.vector_load %arg7[%get3A_402, %get3A_403] {strides = array<i32>} : memref<800x64xf32, #tpu.memory_space<vmem>>, vector<16xf32>,
        %max3A_405 = arith.maximumf %max3A_399, %get3A_404 : vector<16xf32>
        %add3A_406 = arith.constant 7 : i32
        %add3A_407 = arith.addi %mul3A_65, %add3A_406 : i32
        %get3A_408 = arith.index_cast %add3A_407 : i32 to index
        %get3A_409 = arith.constant 16 : index
        %get3A_410 = tpu.vector_load %arg7[%get3A_408, %get3A_409] {strides = array<i32>} : memref<800x64xf32, #tpu.memory_space<vmem>>, vector<16xf32>,
        %max3A_411 = arith.maximumf %max3A_405, %get3A_410 : vector<16xf32>
        %add3A_412 = arith.constant 8 : i32
        %add3A_413 = arith.addi %mul3A_65, %add3A_412 : i32
        %get3A_414 = arith.index_cast %add3A_413 : i32 to index
        %get3A_415 = arith.constant 16 : index
        %get3A_416 = tpu.vector_load %arg7[%get3A_414, %get3A_415] {strides = array<i32>} : memref<800x64xf32, #tpu.memory_space<vmem>>, vector<16xf32>,
        %max3A_417 = arith.maximumf %max3A_411, %get3A_416 : vector<16xf32>
        %add3A_418 = arith.constant 9 : i32
        %add3A_419 = arith.addi %mul3A_65, %add3A_418 : i32
        %get3A_420 = arith.index_cast %add3A_419 : i32 to index
        %get3A_421 = arith.constant 16 : index
        %get3A_422 = tpu.vector_load %arg7[%get3A_420, %get3A_421] {strides = array<i32>} : memref<800x64xf32, #tpu.memory_space<vmem>>, vector<16xf32>,
        %max3A_423 = arith.maximumf %max3A_417, %get3A_422 : vector<16xf32>
        %add3A_424 = arith.constant 10 : i32
        %add3A_425 = arith.addi %mul3A_65, %add3A_424 : i32
        %get3A_426 = arith.index_cast %add3A_425 : i32 to index
        %get3A_427 = arith.constant 16 : index
        %get3A_428 = tpu.vector_load %arg7[%get3A_426, %get3A_427] {strides = array<i32>} : memref<800x64xf32, #tpu.memory_space<vmem>>, vector<16xf32>,
        %max3A_429 = arith.maximumf %max3A_423, %get3A_428 : vector<16xf32>
        %add3A_430 = arith.constant 11 : i32
        %add3A_431 = arith.addi %mul3A_65, %add3A_430 : i32
        %get3A_432 = arith.index_cast %add3A_431 : i32 to index
        %get3A_433 = arith.constant 16 : index
        %get3A_434 = tpu.vector_load %arg7[%get3A_432, %get3A_433] {strides = array<i32>} : memref<800x64xf32, #tpu.memory_space<vmem>>, vector<16xf32>,
        %max3A_435 = arith.maximumf %max3A_429, %get3A_434 : vector<16xf32>
        %add3A_436 = arith.constant 12 : i32
        %add3A_437 = arith.addi %mul3A_65, %add3A_436 : i32
        %get3A_438 = arith.index_cast %add3A_437 : i32 to index
        %get3A_439 = arith.constant 16 : index
        %get3A_440 = tpu.vector_load %arg7[%get3A_438, %get3A_439] {strides = array<i32>} : memref<800x64xf32, #tpu.memory_space<vmem>>, vector<16xf32>,
        %max3A_441 = arith.maximumf %max3A_435, %get3A_440 : vector<16xf32>
        %add3A_442 = arith.constant 13 : i32
        %add3A_443 = arith.addi %mul3A_65, %add3A_442 : i32
        %get3A_444 = arith.index_cast %add3A_443 : i32 to index
        %get3A_445 = arith.constant 16 : index
        %get3A_446 = tpu.vector_load %arg7[%get3A_444, %get3A_445] {strides = array<i32>} : memref<800x64xf32, #tpu.memory_space<vmem>>, vector<16xf32>,
        %max3A_447 = arith.maximumf %max3A_441, %get3A_446 : vector<16xf32>
        %add3A_448 = arith.constant 14 : i32
        %add3A_449 = arith.addi %mul3A_65, %add3A_448 : i32
        %get3A_450 = arith.index_cast %add3A_449 : i32 to index
        %get3A_451 = arith.constant 16 : index
        %get3A_452 = tpu.vector_load %arg7[%get3A_450, %get3A_451] {strides = array<i32>} : memref<800x64xf32, #tpu.memory_space<vmem>>, vector<16xf32>,
        %max3A_453 = arith.maximumf %max3A_447, %get3A_452 : vector<16xf32>
        %add3A_454 = arith.constant 15 : i32
        %add3A_455 = arith.addi %mul3A_65, %add3A_454 : i32
        %get3A_456 = arith.index_cast %add3A_455 : i32 to index
        %get3A_457 = arith.constant 16 : index
        %get3A_458 = tpu.vector_load %arg7[%get3A_456, %get3A_457] {strides = array<i32>} : memref<800x64xf32, #tpu.memory_space<vmem>>, vector<16xf32>,
        %max3A_459 = arith.maximumf %max3A_453, %get3A_458 : vector<16xf32>
        %add3A_460 = arith.constant 16 : i32
        %add3A_461 = arith.addi %mul3A_65, %add3A_460 : i32
        %get3A_462 = arith.index_cast %add3A_461 : i32 to index
        %get3A_463 = arith.constant 16 : index
        %get3A_464 = tpu.vector_load %arg7[%get3A_462, %get3A_463] {strides = array<i32>} : memref<800x64xf32, #tpu.memory_space<vmem>>, vector<16xf32>,
        %max3A_465 = arith.maximumf %max3A_459, %get3A_464 : vector<16xf32>
        %add3A_466 = arith.constant 17 : i32
        %add3A_467 = arith.addi %mul3A_65, %add3A_466 : i32
        %get3A_468 = arith.index_cast %add3A_467 : i32 to index
        %get3A_469 = arith.constant 16 : index
        %get3A_470 = tpu.vector_load %arg7[%get3A_468, %get3A_469] {strides = array<i32>} : memref<800x64xf32, #tpu.memory_space<vmem>>, vector<16xf32>,
        %max3A_471 = arith.maximumf %max3A_465, %get3A_470 : vector<16xf32>
        %add3A_472 = arith.constant 18 : i32
        %add3A_473 = arith.addi %mul3A_65, %add3A_472 : i32
        %get3A_474 = arith.index_cast %add3A_473 : i32 to index
        %get3A_475 = arith.constant 16 : index
        %get3A_476 = tpu.vector_load %arg7[%get3A_474, %get3A_475] {strides = array<i32>} : memref<800x64xf32, #tpu.memory_space<vmem>>, vector<16xf32>,
        %max3A_477 = arith.maximumf %max3A_471, %get3A_476 : vector<16xf32>
        %add3A_478 = arith.constant 19 : i32
        %add3A_479 = arith.addi %mul3A_65, %add3A_478 : i32
        %get3A_480 = arith.index_cast %add3A_479 : i32 to index
        %get3A_481 = arith.constant 16 : index
        %get3A_482 = tpu.vector_load %arg7[%get3A_480, %get3A_481] {strides = array<i32>} : memref<800x64xf32, #tpu.memory_space<vmem>>, vector<16xf32>,
        %max3A_483 = arith.maximumf %max3A_477, %get3A_482 : vector<16xf32>
        %add3A_484 = arith.constant 20 : i32
        %add3A_485 = arith.addi %mul3A_65, %add3A_484 : i32
        %get3A_486 = arith.index_cast %add3A_485 : i32 to index
        %get3A_487 = arith.constant 16 : index
        %get3A_488 = tpu.vector_load %arg7[%get3A_486, %get3A_487] {strides = array<i32>} : memref<800x64xf32, #tpu.memory_space<vmem>>, vector<16xf32>,
        %max3A_489 = arith.maximumf %max3A_483, %get3A_488 : vector<16xf32>
        %add3A_490 = arith.constant 21 : i32
        %add3A_491 = arith.addi %mul3A_65, %add3A_490 : i32
        %get3A_492 = arith.index_cast %add3A_491 : i32 to index
        %get3A_493 = arith.constant 16 : index
        %get3A_494 = tpu.vector_load %arg7[%get3A_492, %get3A_493] {strides = array<i32>} : memref<800x64xf32, #tpu.memory_space<vmem>>, vector<16xf32>,
        %max3A_495 = arith.maximumf %max3A_489, %get3A_494 : vector<16xf32>
        %add3A_496 = arith.constant 22 : i32
        %add3A_497 = arith.addi %mul3A_65, %add3A_496 : i32
        %get3A_498 = arith.index_cast %add3A_497 : i32 to index
        %get3A_499 = arith.constant 16 : index
        %get3A_500 = tpu.vector_load %arg7[%get3A_498, %get3A_499] {strides = array<i32>} : memref<800x64xf32, #tpu.memory_space<vmem>>, vector<16xf32>,
        %max3A_501 = arith.maximumf %max3A_495, %get3A_500 : vector<16xf32>
        %add3A_502 = arith.constant 23 : i32
        %add3A_503 = arith.addi %mul3A_65, %add3A_502 : i32
        %get3A_504 = arith.index_cast %add3A_503 : i32 to index
        %get3A_505 = arith.constant 16 : index
        %get3A_506 = tpu.vector_load %arg7[%get3A_504, %get3A_505] {strides = array<i32>} : memref<800x64xf32, #tpu.memory_space<vmem>>, vector<16xf32>,
        %max3A_507 = arith.maximumf %max3A_501, %get3A_506 : vector<16xf32>
        %add3A_508 = arith.constant 24 : i32
        %add3A_509 = arith.addi %mul3A_65, %add3A_508 : i32
        %get3A_510 = arith.index_cast %add3A_509 : i32 to index
        %get3A_511 = arith.constant 16 : index
        %get3A_512 = tpu.vector_load %arg7[%get3A_510, %get3A_511] {strides = array<i32>} : memref<800x64xf32, #tpu.memory_space<vmem>>, vector<16xf32>,
        %max3A_513 = arith.maximumf %max3A_507, %get3A_512 : vector<16xf32>
        %add3A_514 = arith.constant 25 : i32
        %add3A_515 = arith.addi %mul3A_65, %add3A_514 : i32
        %get3A_516 = arith.index_cast %add3A_515 : i32 to index
        %get3A_517 = arith.constant 16 : index
        %get3A_518 = tpu.vector_load %arg7[%get3A_516, %get3A_517] {strides = array<i32>} : memref<800x64xf32, #tpu.memory_space<vmem>>, vector<16xf32>,
        %max3A_519 = arith.maximumf %max3A_513, %get3A_518 : vector<16xf32>
        %add3A_520 = arith.constant 26 : i32
        %add3A_521 = arith.addi %mul3A_65, %add3A_520 : i32
        %get3A_522 = arith.index_cast %add3A_521 : i32 to index
        %get3A_523 = arith.constant 16 : index
        %get3A_524 = tpu.vector_load %arg7[%get3A_522, %get3A_523] {strides = array<i32>} : memref<800x64xf32, #tpu.memory_space<vmem>>, vector<16xf32>,
        %max3A_525 = arith.maximumf %max3A_519, %get3A_524 : vector<16xf32>
        %add3A_526 = arith.constant 27 : i32
        %add3A_527 = arith.addi %mul3A_65, %add3A_526 : i32
        %get3A_528 = arith.index_cast %add3A_527 : i32 to index
        %get3A_529 = arith.constant 16 : index
        %get3A_530 = tpu.vector_load %arg7[%get3A_528, %get3A_529] {strides = array<i32>} : memref<800x64xf32, #tpu.memory_space<vmem>>, vector<16xf32>,
        %max3A_531 = arith.maximumf %max3A_525, %get3A_530 : vector<16xf32>
        %add3A_532 = arith.constant 28 : i32
        %add3A_533 = arith.addi %mul3A_65, %add3A_532 : i32
        %get3A_534 = arith.index_cast %add3A_533 : i32 to index
        %get3A_535 = arith.constant 16 : index
        %get3A_536 = tpu.vector_load %arg7[%get3A_534, %get3A_535] {strides = array<i32>} : memref<800x64xf32, #tpu.memory_space<vmem>>, vector<16xf32>,
        %max3A_537 = arith.maximumf %max3A_531, %get3A_536 : vector<16xf32>
        %add3A_538 = arith.constant 29 : i32
        %add3A_539 = arith.addi %mul3A_65, %add3A_538 : i32
        %get3A_540 = arith.index_cast %add3A_539 : i32 to index
        %get3A_541 = arith.constant 16 : index
        %get3A_542 = tpu.vector_load %arg7[%get3A_540, %get3A_541] {strides = array<i32>} : memref<800x64xf32, #tpu.memory_space<vmem>>, vector<16xf32>,
        %max3A_543 = arith.maximumf %max3A_537, %get3A_542 : vector<16xf32>
        %add3A_544 = arith.constant 30 : i32
        %add3A_545 = arith.addi %mul3A_65, %add3A_544 : i32
        %get3A_546 = arith.index_cast %add3A_545 : i32 to index
        %get3A_547 = arith.constant 16 : index
        %get3A_548 = tpu.vector_load %arg7[%get3A_546, %get3A_547] {strides = array<i32>} : memref<800x64xf32, #tpu.memory_space<vmem>>, vector<16xf32>,
        %max3A_549 = arith.maximumf %max3A_543, %get3A_548 : vector<16xf32>
        %add3A_550 = arith.constant 31 : i32
        %add3A_551 = arith.addi %mul3A_65, %add3A_550 : i32
        %get3A_552 = arith.index_cast %add3A_551 : i32 to index
        %get3A_553 = arith.constant 16 : index
        %get3A_554 = tpu.vector_load %arg7[%get3A_552, %get3A_553] {strides = array<i32>} : memref<800x64xf32, #tpu.memory_space<vmem>>, vector<16xf32>,
        %max3A_555 = arith.maximumf %max3A_549, %get3A_554 : vector<16xf32>
        %add3A_556 = arith.constant 32 : i32
        %add3A_557 = arith.addi %mul3A_65, %add3A_556 : i32
        %get3A_558 = arith.index_cast %add3A_557 : i32 to index
        %get3A_559 = arith.constant 16 : index
        %get3A_560 = tpu.vector_load %arg7[%get3A_558, %get3A_559] {strides = array<i32>} : memref<800x64xf32, #tpu.memory_space<vmem>>, vector<16xf32>,
        %max3A_561 = arith.maximumf %max3A_555, %get3A_560 : vector<16xf32>
        %add3A_562 = arith.constant 33 : i32
        %add3A_563 = arith.addi %mul3A_65, %add3A_562 : i32
        %get3A_564 = arith.index_cast %add3A_563 : i32 to index
        %get3A_565 = arith.constant 16 : index
        %get3A_566 = tpu.vector_load %arg7[%get3A_564, %get3A_565] {strides = array<i32>} : memref<800x64xf32, #tpu.memory_space<vmem>>, vector<16xf32>,
        %max3A_567 = arith.maximumf %max3A_561, %get3A_566 : vector<16xf32>
        %add3A_568 = arith.constant 34 : i32
        %add3A_569 = arith.addi %mul3A_65, %add3A_568 : i32
        %get3A_570 = arith.index_cast %add3A_569 : i32 to index
        %get3A_571 = arith.constant 16 : index
        %get3A_572 = tpu.vector_load %arg7[%get3A_570, %get3A_571] {strides = array<i32>} : memref<800x64xf32, #tpu.memory_space<vmem>>, vector<16xf32>,
        %max3A_573 = arith.maximumf %max3A_567, %get3A_572 : vector<16xf32>
        %add3A_574 = arith.constant 35 : i32
        %add3A_575 = arith.addi %mul3A_65, %add3A_574 : i32
        %get3A_576 = arith.index_cast %add3A_575 : i32 to index
        %get3A_577 = arith.constant 16 : index
        %get3A_578 = tpu.vector_load %arg7[%get3A_576, %get3A_577] {strides = array<i32>} : memref<800x64xf32, #tpu.memory_space<vmem>>, vector<16xf32>,
        %max3A_579 = arith.maximumf %max3A_573, %get3A_578 : vector<16xf32>
        %add3A_580 = arith.constant 36 : i32
        %add3A_581 = arith.addi %mul3A_65, %add3A_580 : i32
        %get3A_582 = arith.index_cast %add3A_581 : i32 to index
        %get3A_583 = arith.constant 16 : index
        %get3A_584 = tpu.vector_load %arg7[%get3A_582, %get3A_583] {strides = array<i32>} : memref<800x64xf32, #tpu.memory_space<vmem>>, vector<16xf32>,
        %max3A_585 = arith.maximumf %max3A_579, %get3A_584 : vector<16xf32>
        %add3A_586 = arith.constant 37 : i32
        %add3A_587 = arith.addi %mul3A_65, %add3A_586 : i32
        %get3A_588 = arith.index_cast %add3A_587 : i32 to index
        %get3A_589 = arith.constant 16 : index
        %get3A_590 = tpu.vector_load %arg7[%get3A_588, %get3A_589] {strides = array<i32>} : memref<800x64xf32, #tpu.memory_space<vmem>>, vector<16xf32>,
        %max3A_591 = arith.maximumf %max3A_585, %get3A_590 : vector<16xf32>
        %add3A_592 = arith.constant 38 : i32
        %add3A_593 = arith.addi %mul3A_65, %add3A_592 : i32
        %get3A_594 = arith.index_cast %add3A_593 : i32 to index
        %get3A_595 = arith.constant 16 : index
        %get3A_596 = tpu.vector_load %arg7[%get3A_594, %get3A_595] {strides = array<i32>} : memref<800x64xf32, #tpu.memory_space<vmem>>, vector<16xf32>,
        %max3A_597 = arith.maximumf %max3A_591, %get3A_596 : vector<16xf32>
        %add3A_598 = arith.constant 39 : i32
        %add3A_599 = arith.addi %mul3A_65, %add3A_598 : i32
        %get3A_600 = arith.index_cast %add3A_599 : i32 to index
        %get3A_601 = arith.constant 16 : index
        %get3A_602 = tpu.vector_load %arg7[%get3A_600, %get3A_601] {strides = array<i32>} : memref<800x64xf32, #tpu.memory_space<vmem>>, vector<16xf32>,
        %max3A_603 = arith.maximumf %max3A_597, %get3A_602 : vector<16xf32>
        %add3A_604 = arith.constant 40 : i32
        %add3A_605 = arith.addi %mul3A_65, %add3A_604 : i32
        %get3A_606 = arith.index_cast %add3A_605 : i32 to index
        %get3A_607 = arith.constant 16 : index
        %get3A_608 = tpu.vector_load %arg7[%get3A_606, %get3A_607] {strides = array<i32>} : memref<800x64xf32, #tpu.memory_space<vmem>>, vector<16xf32>,
        %max3A_609 = arith.maximumf %max3A_603, %get3A_608 : vector<16xf32>
        %add3A_610 = arith.constant 41 : i32
        %add3A_611 = arith.addi %mul3A_65, %add3A_610 : i32
        %get3A_612 = arith.index_cast %add3A_611 : i32 to index
        %get3A_613 = arith.constant 16 : index
        %get3A_614 = tpu.vector_load %arg7[%get3A_612, %get3A_613] {strides = array<i32>} : memref<800x64xf32, #tpu.memory_space<vmem>>, vector<16xf32>,
        %max3A_615 = arith.maximumf %max3A_609, %get3A_614 : vector<16xf32>
        %add3A_616 = arith.constant 42 : i32
        %add3A_617 = arith.addi %mul3A_65, %add3A_616 : i32
        %get3A_618 = arith.index_cast %add3A_617 : i32 to index
        %get3A_619 = arith.constant 16 : index
        %get3A_620 = tpu.vector_load %arg7[%get3A_618, %get3A_619] {strides = array<i32>} : memref<800x64xf32, #tpu.memory_space<vmem>>, vector<16xf32>,
        %max3A_621 = arith.maximumf %max3A_615, %get3A_620 : vector<16xf32>
        %add3A_622 = arith.constant 43 : i32
        %add3A_623 = arith.addi %mul3A_65, %add3A_622 : i32
        %get3A_624 = arith.index_cast %add3A_623 : i32 to index
        %get3A_625 = arith.constant 16 : index
        %get3A_626 = tpu.vector_load %arg7[%get3A_624, %get3A_625] {strides = array<i32>} : memref<800x64xf32, #tpu.memory_space<vmem>>, vector<16xf32>,
        %max3A_627 = arith.maximumf %max3A_621, %get3A_626 : vector<16xf32>
        %add3A_628 = arith.constant 44 : i32
        %add3A_629 = arith.addi %mul3A_65, %add3A_628 : i32
        %get3A_630 = arith.index_cast %add3A_629 : i32 to index
        %get3A_631 = arith.constant 16 : index
        %get3A_632 = tpu.vector_load %arg7[%get3A_630, %get3A_631] {strides = array<i32>} : memref<800x64xf32, #tpu.memory_space<vmem>>, vector<16xf32>,
        %max3A_633 = arith.maximumf %max3A_627, %get3A_632 : vector<16xf32>
        %add3A_634 = arith.constant 45 : i32
        %add3A_635 = arith.addi %mul3A_65, %add3A_634 : i32
        %get3A_636 = arith.index_cast %add3A_635 : i32 to index
        %get3A_637 = arith.constant 16 : index
        %get3A_638 = tpu.vector_load %arg7[%get3A_636, %get3A_637] {strides = array<i32>} : memref<800x64xf32, #tpu.memory_space<vmem>>, vector<16xf32>,
        %max3A_639 = arith.maximumf %max3A_633, %get3A_638 : vector<16xf32>
        %add3A_640 = arith.constant 46 : i32
        %add3A_641 = arith.addi %mul3A_65, %add3A_640 : i32
        %get3A_642 = arith.index_cast %add3A_641 : i32 to index
        %get3A_643 = arith.constant 16 : index
        %get3A_644 = tpu.vector_load %arg7[%get3A_642, %get3A_643] {strides = array<i32>} : memref<800x64xf32, #tpu.memory_space<vmem>>, vector<16xf32>,
        %max3A_645 = arith.maximumf %max3A_639, %get3A_644 : vector<16xf32>
        %add3A_646 = arith.constant 47 : i32
        %add3A_647 = arith.addi %mul3A_65, %add3A_646 : i32
        %get3A_648 = arith.index_cast %add3A_647 : i32 to index
        %get3A_649 = arith.constant 16 : index
        %get3A_650 = tpu.vector_load %arg7[%get3A_648, %get3A_649] {strides = array<i32>} : memref<800x64xf32, #tpu.memory_space<vmem>>, vector<16xf32>,
        %max3A_651 = arith.maximumf %max3A_645, %get3A_650 : vector<16xf32>
        %add3A_652 = arith.constant 48 : i32
        %add3A_653 = arith.addi %mul3A_65, %add3A_652 : i32
        %get3A_654 = arith.index_cast %add3A_653 : i32 to index
        %get3A_655 = arith.constant 16 : index
        %get3A_656 = tpu.vector_load %arg7[%get3A_654, %get3A_655] {strides = array<i32>} : memref<800x64xf32, #tpu.memory_space<vmem>>, vector<16xf32>,
        %max3A_657 = arith.maximumf %max3A_651, %get3A_656 : vector<16xf32>
        %add3A_658 = arith.constant 49 : i32
        %add3A_659 = arith.addi %mul3A_65, %add3A_658 : i32
        %get3A_660 = arith.index_cast %add3A_659 : i32 to index
        %get3A_661 = arith.constant 16 : index
        %get3A_662 = tpu.vector_load %arg7[%get3A_660, %get3A_661] {strides = array<i32>} : memref<800x64xf32, #tpu.memory_space<vmem>>, vector<16xf32>,
        %max3A_663 = arith.maximumf %max3A_657, %get3A_662 : vector<16xf32>
        %add3A_664 = arith.constant 16 : i32
        %add3A_665 = vector.broadcast %add3A_664 : i32 to vector<16xi32>
        %add3A_666 = arith.addi %iota3A, %add3A_665 : vector<16xi32>
        tpu.vector_store_idx %arg8[%add3A_666, %broadcast_in_dim3A], %max3A_663 : memref<64x128xf32, #tpu.memory_space<vmem>>[vector<16xi32>, vector<16xi32>], vector<16xf32>,
        %get3A_667 = arith.index_cast %mul3A_65 : i32 to index
        %get3A_668 = arith.constant 32 : index
        %get3A_669 = tpu.vector_load %arg7[%get3A_667, %get3A_668] {strides = array<i32>} : memref<800x64xf32, #tpu.memory_space<vmem>>, vector<16xf32>,
        %add3A_670 = arith.constant 1 : i32
        %add3A_671 = arith.addi %mul3A_65, %add3A_670 : i32
        %get3A_672 = arith.index_cast %add3A_671 : i32 to index
        %get3A_673 = arith.constant 32 : index
        %get3A_674 = tpu.vector_load %arg7[%get3A_672, %get3A_673] {strides = array<i32>} : memref<800x64xf32, #tpu.memory_space<vmem>>, vector<16xf32>,
        %max3A_675 = arith.maximumf %get3A_669, %get3A_674 : vector<16xf32>
        %add3A_676 = arith.constant 2 : i32
        %add3A_677 = arith.addi %mul3A_65, %add3A_676 : i32
        %get3A_678 = arith.index_cast %add3A_677 : i32 to index
        %get3A_679 = arith.constant 32 : index
        %get3A_680 = tpu.vector_load %arg7[%get3A_678, %get3A_679] {strides = array<i32>} : memref<800x64xf32, #tpu.memory_space<vmem>>, vector<16xf32>,
        %max3A_681 = arith.maximumf %max3A_675, %get3A_680 : vector<16xf32>
        %add3A_682 = arith.constant 3 : i32
        %add3A_683 = arith.addi %mul3A_65, %add3A_682 : i32
        %get3A_684 = arith.index_cast %add3A_683 : i32 to index
        %get3A_685 = arith.constant 32 : index
        %get3A_686 = tpu.vector_load %arg7[%get3A_684, %get3A_685] {strides = array<i32>} : memref<800x64xf32, #tpu.memory_space<vmem>>, vector<16xf32>,
        %max3A_687 = arith.maximumf %max3A_681, %get3A_686 : vector<16xf32>
        %add3A_688 = arith.constant 4 : i32
        %add3A_689 = arith.addi %mul3A_65, %add3A_688 : i32
        %get3A_690 = arith.index_cast %add3A_689 : i32 to index
        %get3A_691 = arith.constant 32 : index
        %get3A_692 = tpu.vector_load %arg7[%get3A_690, %get3A_691] {strides = array<i32>} : memref<800x64xf32, #tpu.memory_space<vmem>>, vector<16xf32>,
        %max3A_693 = arith.maximumf %max3A_687, %get3A_692 : vector<16xf32>
        %add3A_694 = arith.constant 5 : i32
        %add3A_695 = arith.addi %mul3A_65, %add3A_694 : i32
        %get3A_696 = arith.index_cast %add3A_695 : i32 to index
        %get3A_697 = arith.constant 32 : index
        %get3A_698 = tpu.vector_load %arg7[%get3A_696, %get3A_697] {strides = array<i32>} : memref<800x64xf32, #tpu.memory_space<vmem>>, vector<16xf32>,
        %max3A_699 = arith.maximumf %max3A_693, %get3A_698 : vector<16xf32>
        %add3A_700 = arith.constant 6 : i32
        %add3A_701 = arith.addi %mul3A_65, %add3A_700 : i32
        %get3A_702 = arith.index_cast %add3A_701 : i32 to index
        %get3A_703 = arith.constant 32 : index
        %get3A_704 = tpu.vector_load %arg7[%get3A_702, %get3A_703] {strides = array<i32>} : memref<800x64xf32, #tpu.memory_space<vmem>>, vector<16xf32>,
        %max3A_705 = arith.maximumf %max3A_699, %get3A_704 : vector<16xf32>
        %add3A_706 = arith.constant 7 : i32
        %add3A_707 = arith.addi %mul3A_65, %add3A_706 : i32
        %get3A_708 = arith.index_cast %add3A_707 : i32 to index
        %get3A_709 = arith.constant 32 : index
        %get3A_710 = tpu.vector_load %arg7[%get3A_708, %get3A_709] {strides = array<i32>} : memref<800x64xf32, #tpu.memory_space<vmem>>, vector<16xf32>,
        %max3A_711 = arith.maximumf %max3A_705, %get3A_710 : vector<16xf32>
        %add3A_712 = arith.constant 8 : i32
        %add3A_713 = arith.addi %mul3A_65, %add3A_712 : i32
        %get3A_714 = arith.index_cast %add3A_713 : i32 to index
        %get3A_715 = arith.constant 32 : index
        %get3A_716 = tpu.vector_load %arg7[%get3A_714, %get3A_715] {strides = array<i32>} : memref<800x64xf32, #tpu.memory_space<vmem>>, vector<16xf32>,
        %max3A_717 = arith.maximumf %max3A_711, %get3A_716 : vector<16xf32>
        %add3A_718 = arith.constant 9 : i32
        %add3A_719 = arith.addi %mul3A_65, %add3A_718 : i32
        %get3A_720 = arith.index_cast %add3A_719 : i32 to index
        %get3A_721 = arith.constant 32 : index
        %get3A_722 = tpu.vector_load %arg7[%get3A_720, %get3A_721] {strides = array<i32>} : memref<800x64xf32, #tpu.memory_space<vmem>>, vector<16xf32>,
        %max3A_723 = arith.maximumf %max3A_717, %get3A_722 : vector<16xf32>
        %add3A_724 = arith.constant 10 : i32
        %add3A_725 = arith.addi %mul3A_65, %add3A_724 : i32
        %get3A_726 = arith.index_cast %add3A_725 : i32 to index
        %get3A_727 = arith.constant 32 : index
        %get3A_728 = tpu.vector_load %arg7[%get3A_726, %get3A_727] {strides = array<i32>} : memref<800x64xf32, #tpu.memory_space<vmem>>, vector<16xf32>,
        %max3A_729 = arith.maximumf %max3A_723, %get3A_728 : vector<16xf32>
        %add3A_730 = arith.constant 11 : i32
        %add3A_731 = arith.addi %mul3A_65, %add3A_730 : i32
        %get3A_732 = arith.index_cast %add3A_731 : i32 to index
        %get3A_733 = arith.constant 32 : index
        %get3A_734 = tpu.vector_load %arg7[%get3A_732, %get3A_733] {strides = array<i32>} : memref<800x64xf32, #tpu.memory_space<vmem>>, vector<16xf32>,
        %max3A_735 = arith.maximumf %max3A_729, %get3A_734 : vector<16xf32>
        %add3A_736 = arith.constant 12 : i32
        %add3A_737 = arith.addi %mul3A_65, %add3A_736 : i32
        %get3A_738 = arith.index_cast %add3A_737 : i32 to index
        %get3A_739 = arith.constant 32 : index
        %get3A_740 = tpu.vector_load %arg7[%get3A_738, %get3A_739] {strides = array<i32>} : memref<800x64xf32, #tpu.memory_space<vmem>>, vector<16xf32>,
        %max3A_741 = arith.maximumf %max3A_735, %get3A_740 : vector<16xf32>
        %add3A_742 = arith.constant 13 : i32
        %add3A_743 = arith.addi %mul3A_65, %add3A_742 : i32
        %get3A_744 = arith.index_cast %add3A_743 : i32 to index
        %get3A_745 = arith.constant 32 : index
        %get3A_746 = tpu.vector_load %arg7[%get3A_744, %get3A_745] {strides = array<i32>} : memref<800x64xf32, #tpu.memory_space<vmem>>, vector<16xf32>,
        %max3A_747 = arith.maximumf %max3A_741, %get3A_746 : vector<16xf32>
        %add3A_748 = arith.constant 14 : i32
        %add3A_749 = arith.addi %mul3A_65, %add3A_748 : i32
        %get3A_750 = arith.index_cast %add3A_749 : i32 to index
        %get3A_751 = arith.constant 32 : index
        %get3A_752 = tpu.vector_load %arg7[%get3A_750, %get3A_751] {strides = array<i32>} : memref<800x64xf32, #tpu.memory_space<vmem>>, vector<16xf32>,
        %max3A_753 = arith.maximumf %max3A_747, %get3A_752 : vector<16xf32>
        %add3A_754 = arith.constant 15 : i32
        %add3A_755 = arith.addi %mul3A_65, %add3A_754 : i32
        %get3A_756 = arith.index_cast %add3A_755 : i32 to index
        %get3A_757 = arith.constant 32 : index
        %get3A_758 = tpu.vector_load %arg7[%get3A_756, %get3A_757] {strides = array<i32>} : memref<800x64xf32, #tpu.memory_space<vmem>>, vector<16xf32>,
        %max3A_759 = arith.maximumf %max3A_753, %get3A_758 : vector<16xf32>
        %add3A_760 = arith.constant 16 : i32
        %add3A_761 = arith.addi %mul3A_65, %add3A_760 : i32
        %get3A_762 = arith.index_cast %add3A_761 : i32 to index
        %get3A_763 = arith.constant 32 : index
        %get3A_764 = tpu.vector_load %arg7[%get3A_762, %get3A_763] {strides = array<i32>} : memref<800x64xf32, #tpu.memory_space<vmem>>, vector<16xf32>,
        %max3A_765 = arith.maximumf %max3A_759, %get3A_764 : vector<16xf32>
        %add3A_766 = arith.constant 17 : i32
        %add3A_767 = arith.addi %mul3A_65, %add3A_766 : i32
        %get3A_768 = arith.index_cast %add3A_767 : i32 to index
        %get3A_769 = arith.constant 32 : index
        %get3A_770 = tpu.vector_load %arg7[%get3A_768, %get3A_769] {strides = array<i32>} : memref<800x64xf32, #tpu.memory_space<vmem>>, vector<16xf32>,
        %max3A_771 = arith.maximumf %max3A_765, %get3A_770 : vector<16xf32>
        %add3A_772 = arith.constant 18 : i32
        %add3A_773 = arith.addi %mul3A_65, %add3A_772 : i32
        %get3A_774 = arith.index_cast %add3A_773 : i32 to index
        %get3A_775 = arith.constant 32 : index
        %get3A_776 = tpu.vector_load %arg7[%get3A_774, %get3A_775] {strides = array<i32>} : memref<800x64xf32, #tpu.memory_space<vmem>>, vector<16xf32>,
        %max3A_777 = arith.maximumf %max3A_771, %get3A_776 : vector<16xf32>
        %add3A_778 = arith.constant 19 : i32
        %add3A_779 = arith.addi %mul3A_65, %add3A_778 : i32
        %get3A_780 = arith.index_cast %add3A_779 : i32 to index
        %get3A_781 = arith.constant 32 : index
        %get3A_782 = tpu.vector_load %arg7[%get3A_780, %get3A_781] {strides = array<i32>} : memref<800x64xf32, #tpu.memory_space<vmem>>, vector<16xf32>,
        %max3A_783 = arith.maximumf %max3A_777, %get3A_782 : vector<16xf32>
        %add3A_784 = arith.constant 20 : i32
        %add3A_785 = arith.addi %mul3A_65, %add3A_784 : i32
        %get3A_786 = arith.index_cast %add3A_785 : i32 to index
        %get3A_787 = arith.constant 32 : index
        %get3A_788 = tpu.vector_load %arg7[%get3A_786, %get3A_787] {strides = array<i32>} : memref<800x64xf32, #tpu.memory_space<vmem>>, vector<16xf32>,
        %max3A_789 = arith.maximumf %max3A_783, %get3A_788 : vector<16xf32>
        %add3A_790 = arith.constant 21 : i32
        %add3A_791 = arith.addi %mul3A_65, %add3A_790 : i32
        %get3A_792 = arith.index_cast %add3A_791 : i32 to index
        %get3A_793 = arith.constant 32 : index
        %get3A_794 = tpu.vector_load %arg7[%get3A_792, %get3A_793] {strides = array<i32>} : memref<800x64xf32, #tpu.memory_space<vmem>>, vector<16xf32>,
        %max3A_795 = arith.maximumf %max3A_789, %get3A_794 : vector<16xf32>
        %add3A_796 = arith.constant 22 : i32
        %add3A_797 = arith.addi %mul3A_65, %add3A_796 : i32
        %get3A_798 = arith.index_cast %add3A_797 : i32 to index
        %get3A_799 = arith.constant 32 : index
        %get3A_800 = tpu.vector_load %arg7[%get3A_798, %get3A_799] {strides = array<i32>} : memref<800x64xf32, #tpu.memory_space<vmem>>, vector<16xf32>,
        %max3A_801 = arith.maximumf %max3A_795, %get3A_800 : vector<16xf32>
        %add3A_802 = arith.constant 23 : i32
        %add3A_803 = arith.addi %mul3A_65, %add3A_802 : i32
        %get3A_804 = arith.index_cast %add3A_803 : i32 to index
        %get3A_805 = arith.constant 32 : index
        %get3A_806 = tpu.vector_load %arg7[%get3A_804, %get3A_805] {strides = array<i32>} : memref<800x64xf32, #tpu.memory_space<vmem>>, vector<16xf32>,
        %max3A_807 = arith.maximumf %max3A_801, %get3A_806 : vector<16xf32>
        %add3A_808 = arith.constant 24 : i32
        %add3A_809 = arith.addi %mul3A_65, %add3A_808 : i32
        %get3A_810 = arith.index_cast %add3A_809 : i32 to index
        %get3A_811 = arith.constant 32 : index
        %get3A_812 = tpu.vector_load %arg7[%get3A_810, %get3A_811] {strides = array<i32>} : memref<800x64xf32, #tpu.memory_space<vmem>>, vector<16xf32>,
        %max3A_813 = arith.maximumf %max3A_807, %get3A_812 : vector<16xf32>
        %add3A_814 = arith.constant 25 : i32
        %add3A_815 = arith.addi %mul3A_65, %add3A_814 : i32
        %get3A_816 = arith.index_cast %add3A_815 : i32 to index
        %get3A_817 = arith.constant 32 : index
        %get3A_818 = tpu.vector_load %arg7[%get3A_816, %get3A_817] {strides = array<i32>} : memref<800x64xf32, #tpu.memory_space<vmem>>, vector<16xf32>,
        %max3A_819 = arith.maximumf %max3A_813, %get3A_818 : vector<16xf32>
        %add3A_820 = arith.constant 26 : i32
        %add3A_821 = arith.addi %mul3A_65, %add3A_820 : i32
        %get3A_822 = arith.index_cast %add3A_821 : i32 to index
        %get3A_823 = arith.constant 32 : index
        %get3A_824 = tpu.vector_load %arg7[%get3A_822, %get3A_823] {strides = array<i32>} : memref<800x64xf32, #tpu.memory_space<vmem>>, vector<16xf32>,
        %max3A_825 = arith.maximumf %max3A_819, %get3A_824 : vector<16xf32>
        %add3A_826 = arith.constant 27 : i32
        %add3A_827 = arith.addi %mul3A_65, %add3A_826 : i32
        %get3A_828 = arith.index_cast %add3A_827 : i32 to index
        %get3A_829 = arith.constant 32 : index
        %get3A_830 = tpu.vector_load %arg7[%get3A_828, %get3A_829] {strides = array<i32>} : memref<800x64xf32, #tpu.memory_space<vmem>>, vector<16xf32>,
        %max3A_831 = arith.maximumf %max3A_825, %get3A_830 : vector<16xf32>
        %add3A_832 = arith.constant 28 : i32
        %add3A_833 = arith.addi %mul3A_65, %add3A_832 : i32
        %get3A_834 = arith.index_cast %add3A_833 : i32 to index
        %get3A_835 = arith.constant 32 : index
        %get3A_836 = tpu.vector_load %arg7[%get3A_834, %get3A_835] {strides = array<i32>} : memref<800x64xf32, #tpu.memory_space<vmem>>, vector<16xf32>,
        %max3A_837 = arith.maximumf %max3A_831, %get3A_836 : vector<16xf32>
        %add3A_838 = arith.constant 29 : i32
        %add3A_839 = arith.addi %mul3A_65, %add3A_838 : i32
        %get3A_840 = arith.index_cast %add3A_839 : i32 to index
        %get3A_841 = arith.constant 32 : index
        %get3A_842 = tpu.vector_load %arg7[%get3A_840, %get3A_841] {strides = array<i32>} : memref<800x64xf32, #tpu.memory_space<vmem>>, vector<16xf32>,
        %max3A_843 = arith.maximumf %max3A_837, %get3A_842 : vector<16xf32>
        %add3A_844 = arith.constant 30 : i32
        %add3A_845 = arith.addi %mul3A_65, %add3A_844 : i32
        %get3A_846 = arith.index_cast %add3A_845 : i32 to index
        %get3A_847 = arith.constant 32 : index
        %get3A_848 = tpu.vector_load %arg7[%get3A_846, %get3A_847] {strides = array<i32>} : memref<800x64xf32, #tpu.memory_space<vmem>>, vector<16xf32>,
        %max3A_849 = arith.maximumf %max3A_843, %get3A_848 : vector<16xf32>
        %add3A_850 = arith.constant 31 : i32
        %add3A_851 = arith.addi %mul3A_65, %add3A_850 : i32
        %get3A_852 = arith.index_cast %add3A_851 : i32 to index
        %get3A_853 = arith.constant 32 : index
        %get3A_854 = tpu.vector_load %arg7[%get3A_852, %get3A_853] {strides = array<i32>} : memref<800x64xf32, #tpu.memory_space<vmem>>, vector<16xf32>,
        %max3A_855 = arith.maximumf %max3A_849, %get3A_854 : vector<16xf32>
        %add3A_856 = arith.constant 32 : i32
        %add3A_857 = arith.addi %mul3A_65, %add3A_856 : i32
        %get3A_858 = arith.index_cast %add3A_857 : i32 to index
        %get3A_859 = arith.constant 32 : index
        %get3A_860 = tpu.vector_load %arg7[%get3A_858, %get3A_859] {strides = array<i32>} : memref<800x64xf32, #tpu.memory_space<vmem>>, vector<16xf32>,
        %max3A_861 = arith.maximumf %max3A_855, %get3A_860 : vector<16xf32>
        %add3A_862 = arith.constant 33 : i32
        %add3A_863 = arith.addi %mul3A_65, %add3A_862 : i32
        %get3A_864 = arith.index_cast %add3A_863 : i32 to index
        %get3A_865 = arith.constant 32 : index
        %get3A_866 = tpu.vector_load %arg7[%get3A_864, %get3A_865] {strides = array<i32>} : memref<800x64xf32, #tpu.memory_space<vmem>>, vector<16xf32>,
        %max3A_867 = arith.maximumf %max3A_861, %get3A_866 : vector<16xf32>
        %add3A_868 = arith.constant 34 : i32
        %add3A_869 = arith.addi %mul3A_65, %add3A_868 : i32
        %get3A_870 = arith.index_cast %add3A_869 : i32 to index
        %get3A_871 = arith.constant 32 : index
        %get3A_872 = tpu.vector_load %arg7[%get3A_870, %get3A_871] {strides = array<i32>} : memref<800x64xf32, #tpu.memory_space<vmem>>, vector<16xf32>,
        %max3A_873 = arith.maximumf %max3A_867, %get3A_872 : vector<16xf32>
        %add3A_874 = arith.constant 35 : i32
        %add3A_875 = arith.addi %mul3A_65, %add3A_874 : i32
        %get3A_876 = arith.index_cast %add3A_875 : i32 to index
        %get3A_877 = arith.constant 32 : index
        %get3A_878 = tpu.vector_load %arg7[%get3A_876, %get3A_877] {strides = array<i32>} : memref<800x64xf32, #tpu.memory_space<vmem>>, vector<16xf32>,
        %max3A_879 = arith.maximumf %max3A_873, %get3A_878 : vector<16xf32>
        %add3A_880 = arith.constant 36 : i32
        %add3A_881 = arith.addi %mul3A_65, %add3A_880 : i32
        %get3A_882 = arith.index_cast %add3A_881 : i32 to index
        %get3A_883 = arith.constant 32 : index
        %get3A_884 = tpu.vector_load %arg7[%get3A_882, %get3A_883] {strides = array<i32>} : memref<800x64xf32, #tpu.memory_space<vmem>>, vector<16xf32>,
        %max3A_885 = arith.maximumf %max3A_879, %get3A_884 : vector<16xf32>
        %add3A_886 = arith.constant 37 : i32
        %add3A_887 = arith.addi %mul3A_65, %add3A_886 : i32
        %get3A_888 = arith.index_cast %add3A_887 : i32 to index
        %get3A_889 = arith.constant 32 : index
        %get3A_890 = tpu.vector_load %arg7[%get3A_888, %get3A_889] {strides = array<i32>} : memref<800x64xf32, #tpu.memory_space<vmem>>, vector<16xf32>,
        %max3A_891 = arith.maximumf %max3A_885, %get3A_890 : vector<16xf32>
        %add3A_892 = arith.constant 38 : i32
        %add3A_893 = arith.addi %mul3A_65, %add3A_892 : i32
        %get3A_894 = arith.index_cast %add3A_893 : i32 to index
        %get3A_895 = arith.constant 32 : index
        %get3A_896 = tpu.vector_load %arg7[%get3A_894, %get3A_895] {strides = array<i32>} : memref<800x64xf32, #tpu.memory_space<vmem>>, vector<16xf32>,
        %max3A_897 = arith.maximumf %max3A_891, %get3A_896 : vector<16xf32>
        %add3A_898 = arith.constant 39 : i32
        %add3A_899 = arith.addi %mul3A_65, %add3A_898 : i32
        %get3A_900 = arith.index_cast %add3A_899 : i32 to index
        %get3A_901 = arith.constant 32 : index
        %get3A_902 = tpu.vector_load %arg7[%get3A_900, %get3A_901] {strides = array<i32>} : memref<800x64xf32, #tpu.memory_space<vmem>>, vector<16xf32>,
        %max3A_903 = arith.maximumf %max3A_897, %get3A_902 : vector<16xf32>
        %add3A_904 = arith.constant 40 : i32
        %add3A_905 = arith.addi %mul3A_65, %add3A_904 : i32
        %get3A_906 = arith.index_cast %add3A_905 : i32 to index
        %get3A_907 = arith.constant 32 : index
        %get3A_908 = tpu.vector_load %arg7[%get3A_906, %get3A_907] {strides = array<i32>} : memref<800x64xf32, #tpu.memory_space<vmem>>, vector<16xf32>,
        %max3A_909 = arith.maximumf %max3A_903, %get3A_908 : vector<16xf32>
        %add3A_910 = arith.constant 41 : i32
        %add3A_911 = arith.addi %mul3A_65, %add3A_910 : i32
        %get3A_912 = arith.index_cast %add3A_911 : i32 to index
        %get3A_913 = arith.constant 32 : index
        %get3A_914 = tpu.vector_load %arg7[%get3A_912, %get3A_913] {strides = array<i32>} : memref<800x64xf32, #tpu.memory_space<vmem>>, vector<16xf32>,
        %max3A_915 = arith.maximumf %max3A_909, %get3A_914 : vector<16xf32>
        %add3A_916 = arith.constant 42 : i32
        %add3A_917 = arith.addi %mul3A_65, %add3A_916 : i32
        %get3A_918 = arith.index_cast %add3A_917 : i32 to index
        %get3A_919 = arith.constant 32 : index
        %get3A_920 = tpu.vector_load %arg7[%get3A_918, %get3A_919] {strides = array<i32>} : memref<800x64xf32, #tpu.memory_space<vmem>>, vector<16xf32>,
        %max3A_921 = arith.maximumf %max3A_915, %get3A_920 : vector<16xf32>
        %add3A_922 = arith.constant 43 : i32
        %add3A_923 = arith.addi %mul3A_65, %add3A_922 : i32
        %get3A_924 = arith.index_cast %add3A_923 : i32 to index
        %get3A_925 = arith.constant 32 : index
        %get3A_926 = tpu.vector_load %arg7[%get3A_924, %get3A_925] {strides = array<i32>} : memref<800x64xf32, #tpu.memory_space<vmem>>, vector<16xf32>,
        %max3A_927 = arith.maximumf %max3A_921, %get3A_926 : vector<16xf32>
        %add3A_928 = arith.constant 44 : i32
        %add3A_929 = arith.addi %mul3A_65, %add3A_928 : i32
        %get3A_930 = arith.index_cast %add3A_929 : i32 to index
        %get3A_931 = arith.constant 32 : index
        %get3A_932 = tpu.vector_load %arg7[%get3A_930, %get3A_931] {strides = array<i32>} : memref<800x64xf32, #tpu.memory_space<vmem>>, vector<16xf32>,
        %max3A_933 = arith.maximumf %max3A_927, %get3A_932 : vector<16xf32>
        %add3A_934 = arith.constant 45 : i32
        %add3A_935 = arith.addi %mul3A_65, %add3A_934 : i32
        %get3A_936 = arith.index_cast %add3A_935 : i32 to index
        %get3A_937 = arith.constant 32 : index
        %get3A_938 = tpu.vector_load %arg7[%get3A_936, %get3A_937] {strides = array<i32>} : memref<800x64xf32, #tpu.memory_space<vmem>>, vector<16xf32>,
        %max3A_939 = arith.maximumf %max3A_933, %get3A_938 : vector<16xf32>
        %add3A_940 = arith.constant 46 : i32
        %add3A_941 = arith.addi %mul3A_65, %add3A_940 : i32
        %get3A_942 = arith.index_cast %add3A_941 : i32 to index
        %get3A_943 = arith.constant 32 : index
        %get3A_944 = tpu.vector_load %arg7[%get3A_942, %get3A_943] {strides = array<i32>} : memref<800x64xf32, #tpu.memory_space<vmem>>, vector<16xf32>,
        %max3A_945 = arith.maximumf %max3A_939, %get3A_944 : vector<16xf32>
        %add3A_946 = arith.constant 47 : i32
        %add3A_947 = arith.addi %mul3A_65, %add3A_946 : i32
        %get3A_948 = arith.index_cast %add3A_947 : i32 to index
        %get3A_949 = arith.constant 32 : index
        %get3A_950 = tpu.vector_load %arg7[%get3A_948, %get3A_949] {strides = array<i32>} : memref<800x64xf32, #tpu.memory_space<vmem>>, vector<16xf32>,
        %max3A_951 = arith.maximumf %max3A_945, %get3A_950 : vector<16xf32>
        %add3A_952 = arith.constant 48 : i32
        %add3A_953 = arith.addi %mul3A_65, %add3A_952 : i32
        %get3A_954 = arith.index_cast %add3A_953 : i32 to index
        %get3A_955 = arith.constant 32 : index
        %get3A_956 = tpu.vector_load %arg7[%get3A_954, %get3A_955] {strides = array<i32>} : memref<800x64xf32, #tpu.memory_space<vmem>>, vector<16xf32>,
        %max3A_957 = arith.maximumf %max3A_951, %get3A_956 : vector<16xf32>
        %add3A_958 = arith.constant 49 : i32
        %add3A_959 = arith.addi %mul3A_65, %add3A_958 : i32
        %get3A_960 = arith.index_cast %add3A_959 : i32 to index
        %get3A_961 = arith.constant 32 : index
        %get3A_962 = tpu.vector_load %arg7[%get3A_960, %get3A_961] {strides = array<i32>} : memref<800x64xf32, #tpu.memory_space<vmem>>, vector<16xf32>,
        %max3A_963 = arith.maximumf %max3A_957, %get3A_962 : vector<16xf32>
        %add3A_964 = arith.constant 32 : i32
        %add3A_965 = vector.broadcast %add3A_964 : i32 to vector<16xi32>
        %add3A_966 = arith.addi %iota3A, %add3A_965 : vector<16xi32>
        tpu.vector_store_idx %arg8[%add3A_966, %broadcast_in_dim3A], %max3A_963 : memref<64x128xf32, #tpu.memory_space<vmem>>[vector<16xi32>, vector<16xi32>], vector<16xf32>,
        %get3A_967 = arith.index_cast %mul3A_65 : i32 to index
        %get3A_968 = arith.constant 48 : index
        %get3A_969 = tpu.vector_load %arg7[%get3A_967, %get3A_968] {strides = array<i32>} : memref<800x64xf32, #tpu.memory_space<vmem>>, vector<16xf32>,
        %add3A_970 = arith.constant 1 : i32
        %add3A_971 = arith.addi %mul3A_65, %add3A_970 : i32
        %get3A_972 = arith.index_cast %add3A_971 : i32 to index
        %get3A_973 = arith.constant 48 : index
        %get3A_974 = tpu.vector_load %arg7[%get3A_972, %get3A_973] {strides = array<i32>} : memref<800x64xf32, #tpu.memory_space<vmem>>, vector<16xf32>,
        %max3A_975 = arith.maximumf %get3A_969, %get3A_974 : vector<16xf32>
        %add3A_976 = arith.constant 2 : i32
        %add3A_977 = arith.addi %mul3A_65, %add3A_976 : i32
        %get3A_978 = arith.index_cast %add3A_977 : i32 to index
        %get3A_979 = arith.constant 48 : index
        %get3A_980 = tpu.vector_load %arg7[%get3A_978, %get3A_979] {strides = array<i32>} : memref<800x64xf32, #tpu.memory_space<vmem>>, vector<16xf32>,
        %max3A_981 = arith.maximumf %max3A_975, %get3A_980 : vector<16xf32>
        %add3A_982 = arith.constant 3 : i32
        %add3A_983 = arith.addi %mul3A_65, %add3A_982 : i32
        %get3A_984 = arith.index_cast %add3A_983 : i32 to index
        %get3A_985 = arith.constant 48 : index
        %get3A_986 = tpu.vector_load %arg7[%get3A_984, %get3A_985] {strides = array<i32>} : memref<800x64xf32, #tpu.memory_space<vmem>>, vector<16xf32>,
        %max3A_987 = arith.maximumf %max3A_981, %get3A_986 : vector<16xf32>
        %add3A_988 = arith.constant 4 : i32
        %add3A_989 = arith.addi %mul3A_65, %add3A_988 : i32
        %get3A_990 = arith.index_cast %add3A_989 : i32 to index
        %get3A_991 = arith.constant 48 : index
        %get3A_992 = tpu.vector_load %arg7[%get3A_990, %get3A_991] {strides = array<i32>} : memref<800x64xf32, #tpu.memory_space<vmem>>, vector<16xf32>,
        %max3A_993 = arith.maximumf %max3A_987, %get3A_992 : vector<16xf32>
        %add3A_994 = arith.constant 5 : i32
        %add3A_995 = arith.addi %mul3A_65, %add3A_994 : i32
        %get3A_996 = arith.index_cast %add3A_995 : i32 to index
        %get3A_997 = arith.constant 48 : index
        %get3A_998 = tpu.vector_load %arg7[%get3A_996, %get3A_997] {strides = array<i32>} : memref<800x64xf32, #tpu.memory_space<vmem>>, vector<16xf32>,
        %max3A_999 = arith.maximumf %max3A_993, %get3A_998 : vector<16xf32>
        %add3A_1000 = arith.constant 6 : i32
        %add3A_1001 = arith.addi %mul3A_65, %add3A_1000 : i32
        %get3A_1002 = arith.index_cast %add3A_1001 : i32 to index
        %get3A_1003 = arith.constant 48 : index
        %get3A_1004 = tpu.vector_load %arg7[%get3A_1002, %get3A_1003] {strides = array<i32>} : memref<800x64xf32, #tpu.memory_space<vmem>>, vector<16xf32>,
        %max3A_1005 = arith.maximumf %max3A_999, %get3A_1004 : vector<16xf32>
        %add3A_1006 = arith.constant 7 : i32
        %add3A_1007 = arith.addi %mul3A_65, %add3A_1006 : i32
        %get3A_1008 = arith.index_cast %add3A_1007 : i32 to index
        %get3A_1009 = arith.constant 48 : index
        %get3A_1010 = tpu.vector_load %arg7[%get3A_1008, %get3A_1009] {strides = array<i32>} : memref<800x64xf32, #tpu.memory_space<vmem>>, vector<16xf32>,
        %max3A_1011 = arith.maximumf %max3A_1005, %get3A_1010 : vector<16xf32>
        %add3A_1012 = arith.constant 8 : i32
        %add3A_1013 = arith.addi %mul3A_65, %add3A_1012 : i32
        %get3A_1014 = arith.index_cast %add3A_1013 : i32 to index
        %get3A_1015 = arith.constant 48 : index
        %get3A_1016 = tpu.vector_load %arg7[%get3A_1014, %get3A_1015] {strides = array<i32>} : memref<800x64xf32, #tpu.memory_space<vmem>>, vector<16xf32>,
        %max3A_1017 = arith.maximumf %max3A_1011, %get3A_1016 : vector<16xf32>
        %add3A_1018 = arith.constant 9 : i32
        %add3A_1019 = arith.addi %mul3A_65, %add3A_1018 : i32
        %get3A_1020 = arith.index_cast %add3A_1019 : i32 to index
        %get3A_1021 = arith.constant 48 : index
        %get3A_1022 = tpu.vector_load %arg7[%get3A_1020, %get3A_1021] {strides = array<i32>} : memref<800x64xf32, #tpu.memory_space<vmem>>, vector<16xf32>,
        %max3A_1023 = arith.maximumf %max3A_1017, %get3A_1022 : vector<16xf32>
        %add3A_1024 = arith.constant 10 : i32
        %add3A_1025 = arith.addi %mul3A_65, %add3A_1024 : i32
        %get3A_1026 = arith.index_cast %add3A_1025 : i32 to index
        %get3A_1027 = arith.constant 48 : index
        %get3A_1028 = tpu.vector_load %arg7[%get3A_1026, %get3A_1027] {strides = array<i32>} : memref<800x64xf32, #tpu.memory_space<vmem>>, vector<16xf32>,
        %max3A_1029 = arith.maximumf %max3A_1023, %get3A_1028 : vector<16xf32>
        %add3A_1030 = arith.constant 11 : i32
        %add3A_1031 = arith.addi %mul3A_65, %add3A_1030 : i32
        %get3A_1032 = arith.index_cast %add3A_1031 : i32 to index
        %get3A_1033 = arith.constant 48 : index
        %get3A_1034 = tpu.vector_load %arg7[%get3A_1032, %get3A_1033] {strides = array<i32>} : memref<800x64xf32, #tpu.memory_space<vmem>>, vector<16xf32>,
        %max3A_1035 = arith.maximumf %max3A_1029, %get3A_1034 : vector<16xf32>
        %add3A_1036 = arith.constant 12 : i32
        %add3A_1037 = arith.addi %mul3A_65, %add3A_1036 : i32
        %get3A_1038 = arith.index_cast %add3A_1037 : i32 to index
        %get3A_1039 = arith.constant 48 : index
        %get3A_1040 = tpu.vector_load %arg7[%get3A_1038, %get3A_1039] {strides = array<i32>} : memref<800x64xf32, #tpu.memory_space<vmem>>, vector<16xf32>,
        %max3A_1041 = arith.maximumf %max3A_1035, %get3A_1040 : vector<16xf32>
        %add3A_1042 = arith.constant 13 : i32
        %add3A_1043 = arith.addi %mul3A_65, %add3A_1042 : i32
        %get3A_1044 = arith.index_cast %add3A_1043 : i32 to index
        %get3A_1045 = arith.constant 48 : index
        %get3A_1046 = tpu.vector_load %arg7[%get3A_1044, %get3A_1045] {strides = array<i32>} : memref<800x64xf32, #tpu.memory_space<vmem>>, vector<16xf32>,
        %max3A_1047 = arith.maximumf %max3A_1041, %get3A_1046 : vector<16xf32>
        %add3A_1048 = arith.constant 14 : i32
        %add3A_1049 = arith.addi %mul3A_65, %add3A_1048 : i32
        %get3A_1050 = arith.index_cast %add3A_1049 : i32 to index
        %get3A_1051 = arith.constant 48 : index
        %get3A_1052 = tpu.vector_load %arg7[%get3A_1050, %get3A_1051] {strides = array<i32>} : memref<800x64xf32, #tpu.memory_space<vmem>>, vector<16xf32>,
        %max3A_1053 = arith.maximumf %max3A_1047, %get3A_1052 : vector<16xf32>
        %add3A_1054 = arith.constant 15 : i32
        %add3A_1055 = arith.addi %mul3A_65, %add3A_1054 : i32
        %get3A_1056 = arith.index_cast %add3A_1055 : i32 to index
        %get3A_1057 = arith.constant 48 : index
        %get3A_1058 = tpu.vector_load %arg7[%get3A_1056, %get3A_1057] {strides = array<i32>} : memref<800x64xf32, #tpu.memory_space<vmem>>, vector<16xf32>,
        %max3A_1059 = arith.maximumf %max3A_1053, %get3A_1058 : vector<16xf32>
        %add3A_1060 = arith.constant 16 : i32
        %add3A_1061 = arith.addi %mul3A_65, %add3A_1060 : i32
        %get3A_1062 = arith.index_cast %add3A_1061 : i32 to index
        %get3A_1063 = arith.constant 48 : index
        %get3A_1064 = tpu.vector_load %arg7[%get3A_1062, %get3A_1063] {strides = array<i32>} : memref<800x64xf32, #tpu.memory_space<vmem>>, vector<16xf32>,
        %max3A_1065 = arith.maximumf %max3A_1059, %get3A_1064 : vector<16xf32>
        %add3A_1066 = arith.constant 17 : i32
        %add3A_1067 = arith.addi %mul3A_65, %add3A_1066 : i32
        %get3A_1068 = arith.index_cast %add3A_1067 : i32 to index
        %get3A_1069 = arith.constant 48 : index
        %get3A_1070 = tpu.vector_load %arg7[%get3A_1068, %get3A_1069] {strides = array<i32>} : memref<800x64xf32, #tpu.memory_space<vmem>>, vector<16xf32>,
        %max3A_1071 = arith.maximumf %max3A_1065, %get3A_1070 : vector<16xf32>
        %add3A_1072 = arith.constant 18 : i32
        %add3A_1073 = arith.addi %mul3A_65, %add3A_1072 : i32
        %get3A_1074 = arith.index_cast %add3A_1073 : i32 to index
        %get3A_1075 = arith.constant 48 : index
        %get3A_1076 = tpu.vector_load %arg7[%get3A_1074, %get3A_1075] {strides = array<i32>} : memref<800x64xf32, #tpu.memory_space<vmem>>, vector<16xf32>,
        %max3A_1077 = arith.maximumf %max3A_1071, %get3A_1076 : vector<16xf32>
        %add3A_1078 = arith.constant 19 : i32
        %add3A_1079 = arith.addi %mul3A_65, %add3A_1078 : i32
        %get3A_1080 = arith.index_cast %add3A_1079 : i32 to index
        %get3A_1081 = arith.constant 48 : index
        %get3A_1082 = tpu.vector_load %arg7[%get3A_1080, %get3A_1081] {strides = array<i32>} : memref<800x64xf32, #tpu.memory_space<vmem>>, vector<16xf32>,
        %max3A_1083 = arith.maximumf %max3A_1077, %get3A_1082 : vector<16xf32>
        %add3A_1084 = arith.constant 20 : i32
        %add3A_1085 = arith.addi %mul3A_65, %add3A_1084 : i32
        %get3A_1086 = arith.index_cast %add3A_1085 : i32 to index
        %get3A_1087 = arith.constant 48 : index
        %get3A_1088 = tpu.vector_load %arg7[%get3A_1086, %get3A_1087] {strides = array<i32>} : memref<800x64xf32, #tpu.memory_space<vmem>>, vector<16xf32>,
        %max3A_1089 = arith.maximumf %max3A_1083, %get3A_1088 : vector<16xf32>
        %add3A_1090 = arith.constant 21 : i32
        %add3A_1091 = arith.addi %mul3A_65, %add3A_1090 : i32
        %get3A_1092 = arith.index_cast %add3A_1091 : i32 to index
        %get3A_1093 = arith.constant 48 : index
        %get3A_1094 = tpu.vector_load %arg7[%get3A_1092, %get3A_1093] {strides = array<i32>} : memref<800x64xf32, #tpu.memory_space<vmem>>, vector<16xf32>,
        %max3A_1095 = arith.maximumf %max3A_1089, %get3A_1094 : vector<16xf32>
        %add3A_1096 = arith.constant 22 : i32
        %add3A_1097 = arith.addi %mul3A_65, %add3A_1096 : i32
        %get3A_1098 = arith.index_cast %add3A_1097 : i32 to index
        %get3A_1099 = arith.constant 48 : index
        %get3A_1100 = tpu.vector_load %arg7[%get3A_1098, %get3A_1099] {strides = array<i32>} : memref<800x64xf32, #tpu.memory_space<vmem>>, vector<16xf32>,
        %max3A_1101 = arith.maximumf %max3A_1095, %get3A_1100 : vector<16xf32>
        %add3A_1102 = arith.constant 23 : i32
        %add3A_1103 = arith.addi %mul3A_65, %add3A_1102 : i32
        %get3A_1104 = arith.index_cast %add3A_1103 : i32 to index
        %get3A_1105 = arith.constant 48 : index
        %get3A_1106 = tpu.vector_load %arg7[%get3A_1104, %get3A_1105] {strides = array<i32>} : memref<800x64xf32, #tpu.memory_space<vmem>>, vector<16xf32>,
        %max3A_1107 = arith.maximumf %max3A_1101, %get3A_1106 : vector<16xf32>
        %add3A_1108 = arith.constant 24 : i32
        %add3A_1109 = arith.addi %mul3A_65, %add3A_1108 : i32
        %get3A_1110 = arith.index_cast %add3A_1109 : i32 to index
        %get3A_1111 = arith.constant 48 : index
        %get3A_1112 = tpu.vector_load %arg7[%get3A_1110, %get3A_1111] {strides = array<i32>} : memref<800x64xf32, #tpu.memory_space<vmem>>, vector<16xf32>,
        %max3A_1113 = arith.maximumf %max3A_1107, %get3A_1112 : vector<16xf32>
        %add3A_1114 = arith.constant 25 : i32
        %add3A_1115 = arith.addi %mul3A_65, %add3A_1114 : i32
        %get3A_1116 = arith.index_cast %add3A_1115 : i32 to index
        %get3A_1117 = arith.constant 48 : index
        %get3A_1118 = tpu.vector_load %arg7[%get3A_1116, %get3A_1117] {strides = array<i32>} : memref<800x64xf32, #tpu.memory_space<vmem>>, vector<16xf32>,
        %max3A_1119 = arith.maximumf %max3A_1113, %get3A_1118 : vector<16xf32>
        %add3A_1120 = arith.constant 26 : i32
        %add3A_1121 = arith.addi %mul3A_65, %add3A_1120 : i32
        %get3A_1122 = arith.index_cast %add3A_1121 : i32 to index
        %get3A_1123 = arith.constant 48 : index
        %get3A_1124 = tpu.vector_load %arg7[%get3A_1122, %get3A_1123] {strides = array<i32>} : memref<800x64xf32, #tpu.memory_space<vmem>>, vector<16xf32>,
        %max3A_1125 = arith.maximumf %max3A_1119, %get3A_1124 : vector<16xf32>
        %add3A_1126 = arith.constant 27 : i32
        %add3A_1127 = arith.addi %mul3A_65, %add3A_1126 : i32
        %get3A_1128 = arith.index_cast %add3A_1127 : i32 to index
        %get3A_1129 = arith.constant 48 : index
        %get3A_1130 = tpu.vector_load %arg7[%get3A_1128, %get3A_1129] {strides = array<i32>} : memref<800x64xf32, #tpu.memory_space<vmem>>, vector<16xf32>,
        %max3A_1131 = arith.maximumf %max3A_1125, %get3A_1130 : vector<16xf32>
        %add3A_1132 = arith.constant 28 : i32
        %add3A_1133 = arith.addi %mul3A_65, %add3A_1132 : i32
        %get3A_1134 = arith.index_cast %add3A_1133 : i32 to index
        %get3A_1135 = arith.constant 48 : index
        %get3A_1136 = tpu.vector_load %arg7[%get3A_1134, %get3A_1135] {strides = array<i32>} : memref<800x64xf32, #tpu.memory_space<vmem>>, vector<16xf32>,
        %max3A_1137 = arith.maximumf %max3A_1131, %get3A_1136 : vector<16xf32>
        %add3A_1138 = arith.constant 29 : i32
        %add3A_1139 = arith.addi %mul3A_65, %add3A_1138 : i32
        %get3A_1140 = arith.index_cast %add3A_1139 : i32 to index
        %get3A_1141 = arith.constant 48 : index
        %get3A_1142 = tpu.vector_load %arg7[%get3A_1140, %get3A_1141] {strides = array<i32>} : memref<800x64xf32, #tpu.memory_space<vmem>>, vector<16xf32>,
        %max3A_1143 = arith.maximumf %max3A_1137, %get3A_1142 : vector<16xf32>
        %add3A_1144 = arith.constant 30 : i32
        %add3A_1145 = arith.addi %mul3A_65, %add3A_1144 : i32
        %get3A_1146 = arith.index_cast %add3A_1145 : i32 to index
        %get3A_1147 = arith.constant 48 : index
        %get3A_1148 = tpu.vector_load %arg7[%get3A_1146, %get3A_1147] {strides = array<i32>} : memref<800x64xf32, #tpu.memory_space<vmem>>, vector<16xf32>,
        %max3A_1149 = arith.maximumf %max3A_1143, %get3A_1148 : vector<16xf32>
        %add3A_1150 = arith.constant 31 : i32
        %add3A_1151 = arith.addi %mul3A_65, %add3A_1150 : i32
        %get3A_1152 = arith.index_cast %add3A_1151 : i32 to index
        %get3A_1153 = arith.constant 48 : index
        %get3A_1154 = tpu.vector_load %arg7[%get3A_1152, %get3A_1153] {strides = array<i32>} : memref<800x64xf32, #tpu.memory_space<vmem>>, vector<16xf32>,
        %max3A_1155 = arith.maximumf %max3A_1149, %get3A_1154 : vector<16xf32>
        %add3A_1156 = arith.constant 32 : i32
        %add3A_1157 = arith.addi %mul3A_65, %add3A_1156 : i32
        %get3A_1158 = arith.index_cast %add3A_1157 : i32 to index
        %get3A_1159 = arith.constant 48 : index
        %get3A_1160 = tpu.vector_load %arg7[%get3A_1158, %get3A_1159] {strides = array<i32>} : memref<800x64xf32, #tpu.memory_space<vmem>>, vector<16xf32>,
        %max3A_1161 = arith.maximumf %max3A_1155, %get3A_1160 : vector<16xf32>
        %add3A_1162 = arith.constant 33 : i32
        %add3A_1163 = arith.addi %mul3A_65, %add3A_1162 : i32
        %get3A_1164 = arith.index_cast %add3A_1163 : i32 to index
        %get3A_1165 = arith.constant 48 : index
        %get3A_1166 = tpu.vector_load %arg7[%get3A_1164, %get3A_1165] {strides = array<i32>} : memref<800x64xf32, #tpu.memory_space<vmem>>, vector<16xf32>,
        %max3A_1167 = arith.maximumf %max3A_1161, %get3A_1166 : vector<16xf32>
        %add3A_1168 = arith.constant 34 : i32
        %add3A_1169 = arith.addi %mul3A_65, %add3A_1168 : i32
        %get3A_1170 = arith.index_cast %add3A_1169 : i32 to index
        %get3A_1171 = arith.constant 48 : index
        %get3A_1172 = tpu.vector_load %arg7[%get3A_1170, %get3A_1171] {strides = array<i32>} : memref<800x64xf32, #tpu.memory_space<vmem>>, vector<16xf32>,
        %max3A_1173 = arith.maximumf %max3A_1167, %get3A_1172 : vector<16xf32>
        %add3A_1174 = arith.constant 35 : i32
        %add3A_1175 = arith.addi %mul3A_65, %add3A_1174 : i32
        %get3A_1176 = arith.index_cast %add3A_1175 : i32 to index
        %get3A_1177 = arith.constant 48 : index
        %get3A_1178 = tpu.vector_load %arg7[%get3A_1176, %get3A_1177] {strides = array<i32>} : memref<800x64xf32, #tpu.memory_space<vmem>>, vector<16xf32>,
        %max3A_1179 = arith.maximumf %max3A_1173, %get3A_1178 : vector<16xf32>
        %add3A_1180 = arith.constant 36 : i32
        %add3A_1181 = arith.addi %mul3A_65, %add3A_1180 : i32
        %get3A_1182 = arith.index_cast %add3A_1181 : i32 to index
        %get3A_1183 = arith.constant 48 : index
        %get3A_1184 = tpu.vector_load %arg7[%get3A_1182, %get3A_1183] {strides = array<i32>} : memref<800x64xf32, #tpu.memory_space<vmem>>, vector<16xf32>,
        %max3A_1185 = arith.maximumf %max3A_1179, %get3A_1184 : vector<16xf32>
        %add3A_1186 = arith.constant 37 : i32
        %add3A_1187 = arith.addi %mul3A_65, %add3A_1186 : i32
        %get3A_1188 = arith.index_cast %add3A_1187 : i32 to index
        %get3A_1189 = arith.constant 48 : index
        %get3A_1190 = tpu.vector_load %arg7[%get3A_1188, %get3A_1189] {strides = array<i32>} : memref<800x64xf32, #tpu.memory_space<vmem>>, vector<16xf32>,
        %max3A_1191 = arith.maximumf %max3A_1185, %get3A_1190 : vector<16xf32>
        %add3A_1192 = arith.constant 38 : i32
        %add3A_1193 = arith.addi %mul3A_65, %add3A_1192 : i32
        %get3A_1194 = arith.index_cast %add3A_1193 : i32 to index
        %get3A_1195 = arith.constant 48 : index
        %get3A_1196 = tpu.vector_load %arg7[%get3A_1194, %get3A_1195] {strides = array<i32>} : memref<800x64xf32, #tpu.memory_space<vmem>>, vector<16xf32>,
        %max3A_1197 = arith.maximumf %max3A_1191, %get3A_1196 : vector<16xf32>
        %add3A_1198 = arith.constant 39 : i32
        %add3A_1199 = arith.addi %mul3A_65, %add3A_1198 : i32
        %get3A_1200 = arith.index_cast %add3A_1199 : i32 to index
        %get3A_1201 = arith.constant 48 : index
        %get3A_1202 = tpu.vector_load %arg7[%get3A_1200, %get3A_1201] {strides = array<i32>} : memref<800x64xf32, #tpu.memory_space<vmem>>, vector<16xf32>,
        %max3A_1203 = arith.maximumf %max3A_1197, %get3A_1202 : vector<16xf32>
        %add3A_1204 = arith.constant 40 : i32
        %add3A_1205 = arith.addi %mul3A_65, %add3A_1204 : i32
        %get3A_1206 = arith.index_cast %add3A_1205 : i32 to index
        %get3A_1207 = arith.constant 48 : index
        %get3A_1208 = tpu.vector_load %arg7[%get3A_1206, %get3A_1207] {strides = array<i32>} : memref<800x64xf32, #tpu.memory_space<vmem>>, vector<16xf32>,
        %max3A_1209 = arith.maximumf %max3A_1203, %get3A_1208 : vector<16xf32>
        %add3A_1210 = arith.constant 41 : i32
        %add3A_1211 = arith.addi %mul3A_65, %add3A_1210 : i32
        %get3A_1212 = arith.index_cast %add3A_1211 : i32 to index
        %get3A_1213 = arith.constant 48 : index
        %get3A_1214 = tpu.vector_load %arg7[%get3A_1212, %get3A_1213] {strides = array<i32>} : memref<800x64xf32, #tpu.memory_space<vmem>>, vector<16xf32>,
        %max3A_1215 = arith.maximumf %max3A_1209, %get3A_1214 : vector<16xf32>
        %add3A_1216 = arith.constant 42 : i32
        %add3A_1217 = arith.addi %mul3A_65, %add3A_1216 : i32
        %get3A_1218 = arith.index_cast %add3A_1217 : i32 to index
        %get3A_1219 = arith.constant 48 : index
        %get3A_1220 = tpu.vector_load %arg7[%get3A_1218, %get3A_1219] {strides = array<i32>} : memref<800x64xf32, #tpu.memory_space<vmem>>, vector<16xf32>,
        %max3A_1221 = arith.maximumf %max3A_1215, %get3A_1220 : vector<16xf32>
        %add3A_1222 = arith.constant 43 : i32
        %add3A_1223 = arith.addi %mul3A_65, %add3A_1222 : i32
        %get3A_1224 = arith.index_cast %add3A_1223 : i32 to index
        %get3A_1225 = arith.constant 48 : index
        %get3A_1226 = tpu.vector_load %arg7[%get3A_1224, %get3A_1225] {strides = array<i32>} : memref<800x64xf32, #tpu.memory_space<vmem>>, vector<16xf32>,
        %max3A_1227 = arith.maximumf %max3A_1221, %get3A_1226 : vector<16xf32>
        %add3A_1228 = arith.constant 44 : i32
        %add3A_1229 = arith.addi %mul3A_65, %add3A_1228 : i32
        %get3A_1230 = arith.index_cast %add3A_1229 : i32 to index
        %get3A_1231 = arith.constant 48 : index
        %get3A_1232 = tpu.vector_load %arg7[%get3A_1230, %get3A_1231] {strides = array<i32>} : memref<800x64xf32, #tpu.memory_space<vmem>>, vector<16xf32>,
        %max3A_1233 = arith.maximumf %max3A_1227, %get3A_1232 : vector<16xf32>
        %add3A_1234 = arith.constant 45 : i32
        %add3A_1235 = arith.addi %mul3A_65, %add3A_1234 : i32
        %get3A_1236 = arith.index_cast %add3A_1235 : i32 to index
        %get3A_1237 = arith.constant 48 : index
        %get3A_1238 = tpu.vector_load %arg7[%get3A_1236, %get3A_1237] {strides = array<i32>} : memref<800x64xf32, #tpu.memory_space<vmem>>, vector<16xf32>,
        %max3A_1239 = arith.maximumf %max3A_1233, %get3A_1238 : vector<16xf32>
        %add3A_1240 = arith.constant 46 : i32
        %add3A_1241 = arith.addi %mul3A_65, %add3A_1240 : i32
        %get3A_1242 = arith.index_cast %add3A_1241 : i32 to index
        %get3A_1243 = arith.constant 48 : index
        %get3A_1244 = tpu.vector_load %arg7[%get3A_1242, %get3A_1243] {strides = array<i32>} : memref<800x64xf32, #tpu.memory_space<vmem>>, vector<16xf32>,
        %max3A_1245 = arith.maximumf %max3A_1239, %get3A_1244 : vector<16xf32>
        %add3A_1246 = arith.constant 47 : i32
        %add3A_1247 = arith.addi %mul3A_65, %add3A_1246 : i32
        %get3A_1248 = arith.index_cast %add3A_1247 : i32 to index
        %get3A_1249 = arith.constant 48 : index
        %get3A_1250 = tpu.vector_load %arg7[%get3A_1248, %get3A_1249] {strides = array<i32>} : memref<800x64xf32, #tpu.memory_space<vmem>>, vector<16xf32>,
        %max3A_1251 = arith.maximumf %max3A_1245, %get3A_1250 : vector<16xf32>
        %add3A_1252 = arith.constant 48 : i32
        %add3A_1253 = arith.addi %mul3A_65, %add3A_1252 : i32
        %get3A_1254 = arith.index_cast %add3A_1253 : i32 to index
        %get3A_1255 = arith.constant 48 : index
        %get3A_1256 = tpu.vector_load %arg7[%get3A_1254, %get3A_1255] {strides = array<i32>} : memref<800x64xf32, #tpu.memory_space<vmem>>, vector<16xf32>,
        %max3A_1257 = arith.maximumf %max3A_1251, %get3A_1256 : vector<16xf32>
        %add3A_1258 = arith.constant 49 : i32
        %add3A_1259 = arith.addi %mul3A_65, %add3A_1258 : i32
        %get3A_1260 = arith.index_cast %add3A_1259 : i32 to index
        %get3A_1261 = arith.constant 48 : index
        %get3A_1262 = tpu.vector_load %arg7[%get3A_1260, %get3A_1261] {strides = array<i32>} : memref<800x64xf32, #tpu.memory_space<vmem>>, vector<16xf32>,
        %max3A_1263 = arith.maximumf %max3A_1257, %get3A_1262 : vector<16xf32>
        %add3A_1264 = arith.constant 48 : i32
        %add3A_1265 = vector.broadcast %add3A_1264 : i32 to vector<16xi32>
        %add3A_1266 = arith.addi %iota3A, %add3A_1265 : vector<16xi32>
        tpu.vector_store_idx %arg8[%add3A_1266, %broadcast_in_dim3A], %max3A_1263 : memref<64x128xf32, #tpu.memory_space<vmem>>[vector<16xi32>, vector<16xi32>], vector<16xf32>,
      }
      %scan3A_55 = arith.constant 16 : i32
      %add3A_56 = arith.constant 2 : i32
      %add3A_57 = arith.addi %add3A_44, %add3A_56 : i32
      %lt3A_58 = arith.constant 8 : i32
      %lt3A_59 = arith.cmpi slt, %add3A_57, %lt3A_58 : i32
      %convert_element_type3A_60 = arith.extui %lt3A_59 : i1 to i32
      %cond3A_61 = arith.constant 0 : i32
      %cond3A_62 = arith.cmpi ne, %convert_element_type3A_60, %cond3A_61 : i32
      scf.if %cond3A_62 {
        %dma_start3A_63 = arith.constant 0 : i32
        %dma_start3A_64 = tpu.memref_slice %arg5[%add3A_57, %dma_start3A_63] : memref<8x800xi32, #tpu.memory_space<vmem>> -> memref<1x800xi32, #tpu.memory_space<vmem>>
        %dma_start3A_65 = tpu.memref_squeeze %dma_start3A_64 : memref<1x800xi32, #tpu.memory_space<vmem>> -> memref<800xi32, #tpu.memory_space<vmem>>
        %dma_start3A_66 = arith.constant 0 : i32
        %dma_start3A_67 = arith.constant 0 : i32
        %dma_start3A_68 = tpu.memref_slice %arg3[%dma_start3A_66, %dma_start3A_67] : memref<200000x64xf32, #tpu.memory_space<hbm>> -> memref<200000x64xf32, #tpu.memory_space<hbm>>
        tpu.enqueue_indirect_dma source(%dma_start3A_68 : memref<200000x64xf32, #tpu.memory_space<hbm>>) target(%arg7 : memref<800x64xf32, #tpu.memory_space<vmem>>) offsets(%dma_start3A_65 : memref<800xi32, #tpu.memory_space<vmem>>) semaphore(%arg10 : memref<!tpu.dma_semaphore, #tpu.memory_space<semaphore_mem>>)
      } else {
      }
    }
    %scan3A_19 = arith.constant 4 : i32
    %mul3A_20 = arith.constant 128 : i32
    %mul3A_21 = arith.muli %add3A, %mul3A_20 : i32
    "tpu.region"() ({
      %run_scoped3A = tpu.sem_alloc : memref<!tpu.dma_semaphore, #tpu.memory_space<semaphore_mem>>
      %dma_start3A_22 = arith.constant 0 : i32
      %dma_start3A_23 = tpu.memref_slice %arg4[%dma_start3A_22, %mul3A_21] : memref<64x4096xf32, #tpu.memory_space<hbm>> -> memref<64x128xf32, #tpu.memory_space<hbm>>
      %dma_start3A_24 = arith.constant 0 : i32
      %dma_start3A_25 = tpu.memref_slice %arg4[%dma_start3A_24, %mul3A_21] : memref<64x4096xf32, #tpu.memory_space<hbm>> -> memref<64x128xf32, #tpu.memory_space<hbm>>
      tpu.enqueue_dma source(%arg8 : memref<64x128xf32, #tpu.memory_space<vmem>>) target(%dma_start3A_25 : memref<64x128xf32, #tpu.memory_space<hbm>>) target_semaphore(%run_scoped3A : memref<!tpu.dma_semaphore, #tpu.memory_space<semaphore_mem>>)
      %dma_wait3A = arith.constant 0 : i32
      %dma_wait3A_26 = tpu.memref_slice %arg4[%dma_wait3A, %mul3A_21] : memref<64x4096xf32, #tpu.memory_space<hbm>> -> memref<64x128xf32, #tpu.memory_space<hbm>>
      %dma_wait3A_27 = arith.constant 0 : i32
      %dma_wait3A_28 = tpu.memref_slice %arg4[%dma_wait3A_27, %mul3A_21] : memref<64x4096xf32, #tpu.memory_space<hbm>> -> memref<64x128xf32, #tpu.memory_space<hbm>>
      tpu.wait_dma2 semaphore(%run_scoped3A : memref<!tpu.dma_semaphore, #tpu.memory_space<semaphore_mem>>) src(%arg8 : memref<64x128xf32, #tpu.memory_space<vmem>>) dst(%dma_wait3A_28 : memref<64x128xf32, #tpu.memory_space<hbm>>)
      tpu.yield
    }) : () -> ()
    return
  }
}

</mosaic_0001>

<sc_bundles>
// kernel: kernel.3.cloned.1.call-start
scs
__scs_entry_jumppad:
0x0: {  	(pc) =	sbr.rel $0x88, $3  }
0x1: {  	(tag) =	ssettag $0x0;
	lr =	simm.s32 $0x1  }
0x2: {  	[smem:$0x3F9F] =	sst lr;
	_ =	strace $0xD0000000  }
0x3: {  	_ = 	snop  }
0x4: {  	_ = 	snop  }
0x5: {  	_ = 	snop  }
0x6: {  	_ = 	snop  }
0x7: {  	_ = 	snop  }
__scs_overlays_trampoline_lowered:
0x8: {  	[smem:$0x3FAE] =	sst s0  }
0x9: {  	[smem:$0x3FAF] =	sst s1  }
0xa: {  	[smem:$0x3FB0] =	sst s2  }
0xb: {  	[smem:$0x3FB1] =	sst s3  }
0xc: {  	[smem:$0x3FB2] =	sst s4  }
0xd: {  	[smem:$0x3FB3] =	sst s5  }
0xe: {  	[smem:$0x3FB4] =	sst s6  }
0xf: {  	[smem:$0x3FB5] =	sst s7  }
0x10: {  	[smem:$0x3FB6] =	sst s8  }
0x11: {  	[smem:$0x3FB7] =	sst s9;
	s0 =	simm.s32 @!p0 $0x0  }
0x12: {  	s1 =	sld [smem:$0x3F9D];
	s0 =	simm.s32 @p0 $0x1  }
0x13: {  	[smem:$0x3FB8] =	sst s0;
	s0 =	simm.s32 @!p1 $0x0  }
0x14: {  	s2 =	sld [smem:$0x3F9C];
	s0 =	simm.s32 @p1 $0x1  }
0x15: {  	[smem:$0x3FB9] =	sst s0;
	s0 =	simm.s32 @!p2 $0x0  }
0x16: {  	s3 =	sld [smem:$0x3FDB];
	s0 =	simm.s32 @p2 $0x1  }
0x17: {  	s4 =	simm.s32 $0x1BF5;
	[smem:$0x3FBB] =	sst s0  }
0x18: {  	s0 =	sld [smem:$0x3F9E];
	_ =	swait.ge [sflag:s4], $0x0  }
0x19: {  	s7 =	sld [smem:$0x3F9F]  }
0x1a: {  	s8 =	sadd.s32 $0xFFFFE003, lr  }
0x1b: {  	s9 =	sadd.s32 $0xFFFFFEF7, lr;
	s5 =	simm.s32 $0xFFFFFFFF;
	p2 =	slt.u32 s8, $0xFFFFF086  }
0x1c: {  	p1 =	slt.u32 s9, $0xF7A;
	s5 =	simm.s32 @!p2 $0x0  }
0x1d: {  	s5 =	simm.s32 @p1 $0x1;
	p0 =	seq.s32 s7, s2  }
0x1e: {  	s7 =	smul.u32 @!p0 $0xF7A, s2;
	p2 =	seq.s32 @!p0 s5, $0x0  }
0x1f: {  	s9 =	smul.u32 $0xF7A, s1;
	s8 =	simm.s32 @!p0 $0x1BF5;
	p2 =	por !p2, p0  }
0x20: {  	[sflag:s8] =	ssyncset.s32 @!p0 $0xFFFFF086;
	s6 =	sadd.s32 @!p0 s3, s7;
	s7 =	simm.s32 @!p0 $0x108  }
0x21: {  	s3 =	sadd.s32 s3, s9;
	s6 =	sadd.s32 @!p0 $0x88, s6;
	s7 =	simm.s32 @p2 $0x1082  }
0x22: {  	[simem:s7], [sflag:s8] =	dma.local @!p0 [hbm:s6], $0xF7A  }
0x23: {  	s9 =	sor.u32 $0xD0000000, s2;
	s6 =	simm.s32 $0x108;
	_ =	swait.ge @!p0 [sflag:s8], $0x0  }
0x24: {  	s3 =	sadd.s32 $0x88, s3;
	s6 =	simm.s32 @!p1 $0x1082;
	[sflag:s4] =	ssyncset.s32 $0xFFFFF086  }
0x25: {  	[simem:s6], [sflag:s4] =	dma.local [hbm:s3], $0xF7A  }
0x26: {  	[smem:$0x3F9F] =	sst s1;
	(tag) =	ssettag s2;
	_ =	strace s9  }
0x27: {  	s1 =	sld [smem:$0x3FAF]  }
0x28: {  	s2 =	sld [smem:$0x3FB0]  }
0x29: {  	s4 =	sld [smem:$0x3FB2]  }
0x2a: {  	p0 =	seq.s32 s5, $0x0;
	s5 =	sld [smem:$0x3FB3]  }
0x2b: {  	s6 =	sld [smem:$0x3FB4]  }
0x2c: {  	s7 =	sld [smem:$0x3FB5]  }
0x2d: {  	s3 =	simm.s32 $0x108;
	s8 =	sld [smem:$0x3FB6]  }
0x2e: {  	s3 =	simm.s32 @!p0 $0x1082;
	s9 =	sld [smem:$0x3FB7]  }
0x2f: {  	lr =	sadd.s32 s0, s3;
	s0 =	sld [smem:$0x3FAE]  }
0x30: {  	s3 =	sld [smem:$0x3FB1]  }
0x31: {  	[smem:$0x3FBA] =	sst s10  }
0x32: {  	s10 =	sld [smem:$0x3FB8];
	_ =	sdelay $0x3  }
0x33: {  	p0 =	seq.s32 s10, $0x1;
	s10 =	sld [smem:$0x3FBA];
	_ =	sdelay $0x3  }
0x34: {  	[smem:$0x3FBA] =	sst s10  }
0x35: {  	s10 =	sld [smem:$0x3FB9];
	_ =	sdelay $0x3  }
0x36: {  	p1 =	seq.s32 s10, $0x1;
	s10 =	sld [smem:$0x3FBA];
	_ =	sdelay $0x3  }
0x37: {  	[smem:$0x3FBA] =	sst s10  }
0x38: {  	s10 =	sld [smem:$0x3FBB]  }
0x39: {  	_ = 	snop;
	(pc) =	sbr.ind lr, $3  }
0x3a: {  	_ = 	snop  }
0x3b: {  	_ = 	snop  }
0x3c: {  	p2 =	seq.s32 s10, $0x1;
	s10 =	sld [smem:$0x3FBA]  }
0x3d: {  	_ =	shalt  }
0x3e: {  	_ =	shalt  }
0x3f: {  	_ =	shalt  }
0x40: {  	_ =	shalt  }
0x41: {  	_ =	shalt  }
0x42: {  	_ =	shalt  }
0x43: {  	_ =	shalt  }
0x44: {  	_ =	shalt  }
0x45: {  	_ =	shalt  }
0x46: {  	_ =	shalt  }
0x47: {  	_ =	shalt  }
0x48: {  	_ =	shalt  }
0x49: {  	_ =	shalt  }
0x4a: {  	_ =	shalt  }
0x4b: {  	_ =	shalt  }
0x4c: {  	_ =	shalt  }
0x4d: {  	_ =	shalt  }
0x4e: {  	_ =	shalt  }
0x4f: {  	_ =	shalt  }
0x50: {  	_ =	shalt  }
0x51: {  	_ =	shalt  }
0x52: {  	_ =	shalt  }
0x53: {  	_ =	shalt  }
0x54: {  	_ =	shalt  }
0x55: {  	_ =	shalt  }
0x56: {  	_ =	shalt  }
0x57: {  	_ =	shalt  }
0x58: {  	_ =	shalt  }
0x59: {  	_ =	shalt  }
0x5a: {  	_ =	shalt  }
0x5b: {  	_ =	shalt  }
0x5c: {  	_ =	shalt  }
0x5d: {  	_ =	shalt  }
0x5e: {  	_ =	shalt  }
0x5f: {  	_ =	shalt  }
0x60: {  	_ =	shalt  }
0x61: {  	_ =	shalt  }
0x62: {  	_ =	shalt  }
0x63: {  	_ =	shalt  }
0x64: {  	_ =	shalt  }
0x65: {  	_ =	shalt  }
0x66: {  	_ =	shalt  }
0x67: {  	_ =	shalt  }
0x68: {  	_ =	shalt  }
0x69: {  	_ =	shalt  }
0x6a: {  	_ =	shalt  }
0x6b: {  	_ =	shalt  }
0x6c: {  	_ =	shalt  }
0x6d: {  	_ =	shalt  }
0x6e: {  	_ =	shalt  }
0x6f: {  	_ =	shalt  }
0x70: {  	_ =	shalt  }
0x71: {  	_ =	shalt  }
0x72: {  	_ =	shalt  }
0x73: {  	_ =	shalt  }
0x74: {  	_ =	shalt  }
0x75: {  	_ =	shalt  }
0x76: {  	_ =	shalt  }
0x77: {  	_ =	shalt  }
0x78: {  	_ =	shalt  }
0x79: {  	_ =	shalt  }
0x7a: {  	_ =	shalt  }
0x7b: {  	_ =	shalt  }
0x7c: {  	_ =	shalt  }
0x7d: {  	_ =	shalt  }
0x7e: {  	_ =	shalt  }
0x7f: {  	_ =	shalt  }
0x80: {  	_ =	shalt  }
0x81: {  	_ =	shalt  }
0x82: {  	_ =	shalt  }
0x83: {  	_ =	shalt  }
0x84: {  	_ =	shalt  }
0x85: {  	_ =	shalt  }
0x86: {  	_ =	shalt  }
0x87: {  	_ =	shalt  }
.Lfunc_end0:
.L_simem_size_0:
called_computation_lowered:
.L_overlay_start_0:
0x88: {  	s2 =	sld [smem:$0x3FD9]  }
0x89: {  	s3 =	sld [smem:$0x3FFE];
	_ =	sdelay $0x1  }
0x8a: {  	s1 =	srdreg.scid  }
0x8b: {  	s0 =	sand.u32 $0x1, s1  }
0x8c: {  	s17 =	sshll.u32 s0, $0xA;
	s2 =	sadd.s32 s3, s2  }
0x8d: {  	s2 =	sadd.s32 s2, s17  }
0x8e: {  	[smem:$0x3FC6] =	sst s2  }
0x8f: {  	_ = 	snop  }
0x90: {  	s2 =	sld [smem:$0x3FD0];
	(tm) =	ssettm $0x1  }
0x91: {  	s18 =	sld [smem:$0x3FFB];
	_ =	sdelay $0x3  }
0x92: {  	_ =	strace s18  }
0x93: {  	s3 =	sld [smem:$0x3FFC];
	_ =	sdelay $0x3  }
0x94: {  	_ =	strace s3  }
0x95: {  	s3 =	sld [smem:$0x3FFD];
	_ =	sdelay $0x3  }
0x96: {  	_ =	strace s3  }
0x97: {  	_ =	strace $0x8FFFFFFF  }
0x98: {  	s19 =	sld [smem:$0x3FDB];
	_ =	sdelay $0x1  }
0x99: {  	s4 =	simm.s32 $_scs_section_size  }
0x9a: {  	s5 =	simm.s32 $_size__tile_overlayer_lowered;
	s6 =	simm.s32 $_tile_overlayer_lowered  }
0x9b: {  	s22 =	simm.s32 $0x1BFF;
	s21 =	sshll.u32 s6, $0x1;
	s3 =	sadd.s32 s4, s19  }
0x9c: {  	s7 =	simm.s32 $0x0;
	s20 =	sshll.u32 s5, $0x1;
	s5 =	sadd.s32 s21, s3  }
0x9d: {  	[timem:s7], [sflag:s22] =	dma.local [hbm:s5], s20  }
0x9e: {  	_ =	swait.ge [sflag:s22], s20  }
0x9f: {  	s4 =	ssub.s32 $0x0, s20;
	[sflag:s22] =	ssyncset.done $0x0  }
0xa0: {  	[sflag:s22] =	ssyncadd.s32 s4;
	_ =	sdelay $0x1  }
0xa1: {  	s23 =	simm.s32 $0x1B8B  }
0xa2: {  	_ =	swait.ge [sflag:s23], $0x1  }
0xa3: {  	[sflag:s23] =	ssyncset.done $0x0  }
0xa4: {  	s25 =	simm.s32 $0x1B8E;
	s24 =	sld [smem:$0x3FFE];
	[sflag:s23] =	ssyncadd.s32 $0xFFFFFFFF  }
0xa5: {  	s26 =	simm.s32 $execute0_lowered;
	[smem:$0x3FD2] =	sst s25  }
0xa6: {  	s5 =	sshll.u32 s26, $0x1;
	_ =	strace $0x80000046;
	[dreg:$0x1] =	wrdreg $0xFFFFFFFF  }
0xa7: {  	s28 =	simm.s32 $_size_execute0_lowered;
	s3 =	sadd.s32 s3, s5;
	[dreg:$0x0] =	wrdreg $0x0  }
0xa8: {  	s5 =	sshll.u32 s28, $0x1;
	[dreg:$0x2] =	wrdreg s3  }
0xa9: {  	[dreg:$0x3] =	wrdreg s5  }
0xaa: {  	[dreg:$0x4] =	wrdreg $0xC0  }
0xab: {  	_ =	task [dreg:s7], $0x5FFFF  }
0xac: {  	[dreg:$0x1] =	wrdreg $0xFFFFFFFF  }
0xad: {  	[dreg:$0x0] =	wrdreg $0x60  }
0xae: {  	[dreg:$0x2] =	wrdreg s2  }
0xaf: {  	[dreg:$0x3] =	wrdreg s24  }
0xb0: {  	[dreg:$0x4] =	wrdreg $0x9  }
0xb1: {  	_ =	task.clear_ibuf [dreg:s7], $0x5FFFF;
	_ =	strace $0x90000046  }
0xb2: {  	s29 =	simm.s32 $0x9;
	_ =	strace $0x80000048  }
0xb3: {  	_ =	swait.ge [sflag:s29], $0x1  }
0xb4: {  	[sflag:s29] =	ssyncadd.s32 $0xFFFFFFFF  }
0xb5: {  	_ =	strace $0x90000048  }
0xb6: {  	_ =	sfence  }
0xb7: {  	s30 =	sld [smem:$0x0];
	_ =	sdelay $0x2  }
0xb8: {  	s31 =	sshll.u32 s1, $0xD;
	s1 =	sshrl.u32 s1, $0x2  }
0xb9: {  	s3 =	sand.u32 $0x4000, s31;
	s1 =	sadd.s32 s1, s30  }
0xba: {  	s0 =	sor.u32 s3, s0;
	s1 =	sshll.u32 s1, $0x11  }
0xbb: {  	s0 =	sor.u32 s1, s0  }
0xbc: {  	s0 =	sadd.s32 $0x8F2B, s0  }
0xbd: {  	[sflag:s0] =	ssyncadd.remote.s32 $0x1  }
0xbe: {  	_ =	sfence.sel $0xFFFF  }
0xbf: {  	[dreg:$0x0] =	wrdreg $0xFFFFFFFF;
	(pc) =	sbr.abs _section_cstart, $3  }
0xc0: {  	[dreg:$0x1] =	wrdreg $0xFFFFFFFF  }
0xc1: {  	_ =	task.clear_ibuf [dreg:s7], $0x2FFFF;
	_ =	strace $0x9FFFFFFF  }
0xc2: {  	(tm) =	ssettm $0x7FFFFFFF  }
0xc3: {  	_ =	shalt  }
tec
execute0_lowered:
.L_overlay_start_1:
0x0: {  	(tag) =	ssettag $0x1  }
0x1: {  	s4 =	rddreg [dreg:$0x0]  }
0x2: {  	s5 =	rddreg [dreg:$0x1]  }
0x3: {  	s0 =	rddreg [dreg:$0x2]  }
0x4: {  	s3 =	srdreg.scid;
	s1 =	stileid.u32  }
0x5: {  	s2 =	simm.s32 $0x0;
	s10 =	simm.s32 $0xE100;
	s11 =	simm.s32 $0x1  }
0x6: {  	s12 =	simm.s32 $0x1A900;
	s13 =	simm.s32 $0x2;
	s14 =	simm.s32 $0x80  }
0x7: {  	s15 =	simm.s32 $0x1000;
	s3 =	sand.u32 $0x1, s3;
	s6 =	sshll.u32 s1, $0x1  }
0x8: {  	s16 =	simm.s32 $0x0;
	[smem:$0x7FF] =	sst s2;
	s6 =	sor.u32 s3, s6  }
.Ltmp0:
0x9: {  	_ =	strace $0x80000047;
	s7 =	ssub.s32 $0x2, s3;
	(pc) =	sbr.rel .LBB2_1-.Ltmp0, $4  }
0xa: {  	v0 =	vlaneseq.u32;
	s8 =	smul.u32 $0x320, s6;
	s6 =	sshll.u32 s6, $0x4;
	s9 =	sshrl.u32 s7, $0x1  }
0xb: {  	v0 =	vmul.u32 $0x80, v0;
	s3 =	sadd.s32 $0x187000, s5;
	s5 =	sadd.s32 s6, s5;
	s31 =	ssub.s32 s7, s9  }
0xc: {  	s7 =	simm.s32 $0x3;
	s9 =	simm.s32 $0x1900;
	s4 =	sadd.s32 s4, s8  }
0xd: {  	v1 =	vor.u32 $0x800, v0;
	v2 =	vor.u32 $0x1000, v0;
	v3 =	vor.u32 $0x1800, v0;
	s5 =	sadd.s32 $0x600, s5;
	s6 =	smax.u32 s31, $0x1;
	s8 =	simm.s32 $0x320  }
.LBB2_8:
0xe: {  	s16 =	sadd.s32 $0x1, s16  }
0xf: {  	p0 =	sne.s32 s16, s6  }
.Ltmp1:
0x10: {  	_ = 	snop;
	(pc) =	sbr.rel @!p0 .LBB2_9-.Ltmp1, $4  }
0x11: {  	[hbm4b:s5+s14] =	stream.strided.scatter [tilespmem:s12], [sflag:$0x3], $0x2000, s15, s14, $0x38;
	[tilespmem:$0x1C900] =	vst v63  }
0x12: {  	_ =	swait.ge [sflag:s7], $0x2000  }
0x13: {  	[sflag:s7] =	ssyncset.done $0x0  }
0x14: {  	[sflag:s7] =	ssyncadd.s32 $0xFFFFE000  }
.LBB2_1:
0x15: {  	[tilespmem:s2], [sflag:$0x3] =	stream.linear.gather [hbm4b:s4+s2], $0x1900, $0x38;
	[tilespmem:$0x1C900] =	vst v63  }
0x16: {  	_ =	swait.ge [sflag:s7], $0x1900  }
0x17: {  	[sflag:s7] =	ssyncset.done $0x0  }
0x18: {  	[sflag:s7] =	ssyncadd.s32 $0xFFFFE700  }
0x19: {  	[tilespmem:s9], [sflag:$0x1] =	stream.indirect.gather [hbm4b:s3+s8], $0x40, s2, s8, $0xb8;
	[tilespmem:$0x1C900] =	vst v63  }
0x1a: {  	s17 =	simm.s32 $0x0  }
0x1b: {  	[tilespmem:s10], [sflag:$0x2] =	stream.indirect.gather [hbm4b:s3+s8], $0x40, s8, s8, $0xb8;
	[tilespmem:$0x1C900] =	vst v63  }
.LBB2_2:
0x1c: {  	s18 =	simm.s32 $0x0  }
0x1d: {  	_ =	swait.ge [sflag:s11], $0xC800;
	s18 =	smul.u32 $0x3200, s18  }
0x1e: {  	[sflag:s11] =	ssyncset.done $0x0  }
0x1f: {  	[sflag:s11] =	ssyncadd.s32 $0xFFFF3800;
	s19 =	sshra.s32 s18, $0x2  }
0x20: {  	v4 =	vld [tilespmem:s19+$0x1900]  }
0x21: {  	v5 =	vld [tilespmem:s19+$0x1940]  }
0x22: {  	v6 =	vld [tilespmem:s19+$0x1980]  }
0x23: {  	v7 =	vld [tilespmem:s19+$0x19C0]  }
0x24: {  	v8 =	vld [tilespmem:s19+$0x1A00]  }
0x25: {  	v9 =	vld [tilespmem:s19+$0x1A40]  }
0x26: {  	v4 =	vmax.f32 v4, v5;
	v5 =	vld [tilespmem:s19+$0x1A80]  }
0x27: {  	v4 =	vmax.f32 v4, v6;
	v6 =	vld [tilespmem:s19+$0x1AC0]  }
0x28: {  	v4 =	vmax.f32 v4, v7;
	v7 =	vld [tilespmem:s19+$0x1B00]  }
0x29: {  	v4 =	vmax.f32 v4, v8;
	v8 =	vld [tilespmem:s19+$0x1B40]  }
0x2a: {  	v4 =	vmax.f32 v4, v9;
	v9 =	vld [tilespmem:s19+$0x1B80]  }
0x2b: {  	v4 =	vmax.f32 v4, v5;
	v5 =	vld [tilespmem:s19+$0x1BC0]  }
0x2c: {  	v4 =	vmax.f32 v4, v6;
	v6 =	vld [tilespmem:s19+$0x1C00]  }
0x2d: {  	v4 =	vmax.f32 v4, v7;
	v7 =	vld [tilespmem:s19+$0x1C40]  }
0x2e: {  	v4 =	vmax.f32 v4, v8;
	v8 =	vld [tilespmem:s19+$0x1C80]  }
0x2f: {  	v4 =	vmax.f32 v4, v9;
	v9 =	vld [tilespmem:s19+$0x1CC0]  }
0x30: {  	v4 =	vmax.f32 v4, v5;
	v5 =	vld [tilespmem:s19+$0x1D00]  }
0x31: {  	v4 =	vmax.f32 v4, v6;
	v6 =	vld [tilespmem:s19+$0x1D40]  }
0x32: {  	v4 =	vmax.f32 v4, v7;
	v7 =	vld [tilespmem:s19+$0x1D80]  }
0x33: {  	v4 =	vmax.f32 v4, v8;
	v8 =	vld [tilespmem:s19+$0x1DC0]  }
0x34: {  	v4 =	vmax.f32 v4, v9;
	v9 =	vld [tilespmem:s19+$0x1E00]  }
0x35: {  	v4 =	vmax.f32 v4, v5;
	v5 =	vld [tilespmem:s19+$0x1E40]  }
0x36: {  	v4 =	vmax.f32 v4, v6;
	v6 =	vld [tilespmem:s19+$0x1E80]  }
0x37: {  	v4 =	vmax.f32 v4, v7;
	v7 =	vld [tilespmem:s19+$0x1EC0]  }
0x38: {  	v4 =	vmax.f32 v4, v8;
	v8 =	vld [tilespmem:s19+$0x1F00]  }
0x39: {  	v4 =	vmax.f32 v4, v9;
	v9 =	vld [tilespmem:s19+$0x1F40]  }
0x3a: {  	v4 =	vmax.f32 v4, v5;
	v5 =	vld [tilespmem:s19+$0x1F80]  }
0x3b: {  	v4 =	vmax.f32 v4, v6;
	v6 =	vld [tilespmem:s19+$0x1FC0]  }
0x3c: {  	v4 =	vmax.f32 v4, v7;
	v7 =	vld [tilespmem:s19+$0x2000]  }
0x3d: {  	v4 =	vmax.f32 v4, v8;
	v8 =	vld [tilespmem:s19+$0x2040]  }
0x3e: {  	v4 =	vmax.f32 v4, v9;
	v9 =	vld [tilespmem:s19+$0x2080]  }
0x3f: {  	v4 =	vmax.f32 v4, v5;
	v5 =	vld [tilespmem:s19+$0x20C0]  }
0x40: {  	v4 =	vmax.f32 v4, v6;
	v6 =	vld [tilespmem:s19+$0x2100]  }
0x41: {  	v4 =	vmax.f32 v4, v7;
	v7 =	vld [tilespmem:s19+$0x2140]  }
0x42: {  	v4 =	vmax.f32 v4, v8;
	v8 =	vld [tilespmem:s19+$0x2180]  }
0x43: {  	v4 =	vmax.f32 v4, v9;
	v9 =	vld [tilespmem:s19+$0x21C0]  }
0x44: {  	v4 =	vmax.f32 v4, v5;
	v5 =	vld [tilespmem:s19+$0x2200]  }
0x45: {  	v4 =	vmax.f32 v4, v6;
	v6 =	vld [tilespmem:s19+$0x2240]  }
0x46: {  	v4 =	vmax.f32 v4, v7;
	v7 =	vld [tilespmem:s19+$0x2280]  }
0x47: {  	v4 =	vmax.f32 v4, v8;
	v8 =	vld [tilespmem:s19+$0x22C0]  }
0x48: {  	v4 =	vmax.f32 v4, v9;
	v9 =	vld [tilespmem:s19+$0x2300]  }
0x49: {  	v4 =	vmax.f32 v4, v5;
	v5 =	vld [tilespmem:s19+$0x2340]  }
0x4a: {  	v4 =	vmax.f32 v4, v6;
	v6 =	vld [tilespmem:s19+$0x2380]  }
0x4b: {  	v4 =	vmax.f32 v4, v7;
	v7 =	vld [tilespmem:s19+$0x23C0]  }
0x4c: {  	s18 =	sshll.u32 s17, $0x5;
	v4 =	vmax.f32 v4, v8;
	v8 =	vld [tilespmem:s19+$0x2400]  }
0x4d: {  	s20 =	sadd.s32 $0x0, s18;
	v4 =	vmax.f32 v4, v9;
	v9 =	vld [tilespmem:s19+$0x2440]  }
0x4e: {  	v10 =	vmov s20;
	v4 =	vmax.f32 v4, v5;
	v5 =	vld [tilespmem:s19+$0x2480]  }
0x4f: {  	v10 =	vand.u32 $0x6F, v10;
	v4 =	vmax.f32 v4, v6;
	v6 =	vld [tilespmem:s19+$0x24C0]  }
0x50: {  	v11 =	vld [tilespmem:s19+$0x2500];
	v7 =	vmax.f32 v4, v7;
	v4 =	vbroadcast v10, $0x0  }
0x51: {  	v7 =	vmax.f32 v7, v8;
	v8 =	vld [tilespmem:s19+$0x2540]  }
0x52: {  	v7 =	vmax.f32 v7, v9;
	v9 =	vor.u32 v0, v4  }
0x53: {  	v5 =	vmax.f32 v7, v5  }
0x54: {  	v5 =	vmax.f32 v5, v6  }
0x55: {  	v5 =	vmax.f32 v5, v11  }
0x56: {  	v5 =	vmax.f32 v5, v8  }
0x57: {  	[tilespmem:v9+s12+$0x0] =	vst.idx.msk $0xffff, v5  }
0x58: {  	v5 =	vld [tilespmem:s19+$0x1910]  }
0x59: {  	v6 =	vld [tilespmem:s19+$0x1950]  }
0x5a: {  	v7 =	vld [tilespmem:s19+$0x1990]  }
0x5b: {  	v8 =	vld [tilespmem:s19+$0x19D0]  }
0x5c: {  	v9 =	vld [tilespmem:s19+$0x1A10]  }
0x5d: {  	v10 =	vld [tilespmem:s19+$0x1A50]  }
0x5e: {  	v5 =	vmax.f32 v5, v6;
	v6 =	vld [tilespmem:s19+$0x1A90]  }
0x5f: {  	v5 =	vmax.f32 v5, v7;
	v7 =	vld [tilespmem:s19+$0x1AD0]  }
0x60: {  	v5 =	vmax.f32 v5, v8;
	v8 =	vld [tilespmem:s19+$0x1B10]  }
0x61: {  	v5 =	vmax.f32 v5, v9;
	v9 =	vld [tilespmem:s19+$0x1B50]  }
0x62: {  	v5 =	vmax.f32 v5, v10;
	v10 =	vld [tilespmem:s19+$0x1B90]  }
0x63: {  	v5 =	vmax.f32 v5, v6;
	v6 =	vld [tilespmem:s19+$0x1BD0]  }
0x64: {  	v5 =	vmax.f32 v5, v7;
	v7 =	vld [tilespmem:s19+$0x1C10]  }
0x65: {  	v5 =	vmax.f32 v5, v8;
	v8 =	vld [tilespmem:s19+$0x1C50]  }
0x66: {  	v5 =	vmax.f32 v5, v9;
	v9 =	vld [tilespmem:s19+$0x1C90]  }
0x67: {  	v5 =	vmax.f32 v5, v10;
	v10 =	vld [tilespmem:s19+$0x1CD0]  }
0x68: {  	v5 =	vmax.f32 v5, v6;
	v6 =	vld [tilespmem:s19+$0x1D10]  }
0x69: {  	v5 =	vmax.f32 v5, v7;
	v7 =	vld [tilespmem:s19+$0x1D50]  }
0x6a: {  	v5 =	vmax.f32 v5, v8;
	v8 =	vld [tilespmem:s19+$0x1D90]  }
0x6b: {  	v5 =	vmax.f32 v5, v9;
	v9 =	vld [tilespmem:s19+$0x1DD0]  }
0x6c: {  	v5 =	vmax.f32 v5, v10;
	v10 =	vld [tilespmem:s19+$0x1E10]  }
0x6d: {  	v5 =	vmax.f32 v5, v6;
	v6 =	vld [tilespmem:s19+$0x1E50]  }
0x6e: {  	v5 =	vmax.f32 v5, v7;
	v7 =	vld [tilespmem:s19+$0x1E90]  }
0x6f: {  	v5 =	vmax.f32 v5, v8;
	v8 =	vld [tilespmem:s19+$0x1ED0]  }
0x70: {  	v5 =	vmax.f32 v5, v9;
	v9 =	vld [tilespmem:s19+$0x1F10]  }
0x71: {  	v5 =	vmax.f32 v5, v10;
	v10 =	vld [tilespmem:s19+$0x1F50]  }
0x72: {  	v5 =	vmax.f32 v5, v6;
	v6 =	vld [tilespmem:s19+$0x1F90]  }
0x73: {  	v5 =	vmax.f32 v5, v7;
	v7 =	vld [tilespmem:s19+$0x1FD0]  }
0x74: {  	v5 =	vmax.f32 v5, v8;
	v8 =	vld [tilespmem:s19+$0x2010]  }
0x75: {  	v5 =	vmax.f32 v5, v9;
	v9 =	vld [tilespmem:s19+$0x2050]  }
0x76: {  	v5 =	vmax.f32 v5, v10;
	v10 =	vld [tilespmem:s19+$0x2090]  }
0x77: {  	v5 =	vmax.f32 v5, v6;
	v6 =	vld [tilespmem:s19+$0x20D0]  }
0x78: {  	v5 =	vmax.f32 v5, v7;
	v7 =	vld [tilespmem:s19+$0x2110]  }
0x79: {  	v5 =	vmax.f32 v5, v8;
	v8 =	vld [tilespmem:s19+$0x2150]  }
0x7a: {  	v5 =	vmax.f32 v5, v9;
	v9 =	vld [tilespmem:s19+$0x2190]  }
0x7b: {  	v5 =	vmax.f32 v5, v10;
	v10 =	vld [tilespmem:s19+$0x21D0]  }
0x7c: {  	v5 =	vmax.f32 v5, v6;
	v6 =	vld [tilespmem:s19+$0x2210]  }
0x7d: {  	v5 =	vmax.f32 v5, v7;
	v7 =	vld [tilespmem:s19+$0x2250]  }
0x7e: {  	v5 =	vmax.f32 v5, v8;
	v8 =	vld [tilespmem:s19+$0x2290]  }
0x7f: {  	v5 =	vmax.f32 v5, v9;
	v9 =	vld [tilespmem:s19+$0x22D0]  }
0x80: {  	v5 =	vmax.f32 v5, v10;
	v10 =	vld [tilespmem:s19+$0x2310]  }
0x81: {  	v5 =	vmax.f32 v5, v6;
	v6 =	vld [tilespmem:s19+$0x2350]  }
0x82: {  	v5 =	vmax.f32 v5, v7;
	v7 =	vld [tilespmem:s19+$0x2390]  }
0x83: {  	v5 =	vmax.f32 v5, v8;
	v8 =	vld [tilespmem:s19+$0x23D0]  }
0x84: {  	v5 =	vmax.f32 v5, v9;
	v9 =	vld [tilespmem:s19+$0x2410]  }
0x85: {  	v5 =	vmax.f32 v5, v10;
	v10 =	vld [tilespmem:s19+$0x2450]  }
0x86: {  	v5 =	vmax.f32 v5, v6;
	v6 =	vld [tilespmem:s19+$0x2490]  }
0x87: {  	v5 =	vmax.f32 v5, v7;
	v7 =	vld [tilespmem:s19+$0x24D0]  }
0x88: {  	v5 =	vmax.f32 v5, v8;
	v8 =	vld [tilespmem:s19+$0x2510]  }
0x89: {  	v5 =	vmax.f32 v5, v9;
	v9 =	vld [tilespmem:s19+$0x2550]  }
0x8a: {  	v5 =	vmax.f32 v5, v10;
	v10 =	vor.u32 v1, v4  }
0x8b: {  	v5 =	vmax.f32 v5, v6  }
0x8c: {  	v5 =	vmax.f32 v5, v7  }
0x8d: {  	v5 =	vmax.f32 v5, v8  }
0x8e: {  	v5 =	vmax.f32 v5, v9  }
0x8f: {  	[tilespmem:v10+s12+$0x0] =	vst.idx.msk $0xffff, v5  }
0x90: {  	v5 =	vld [tilespmem:s19+$0x1920]  }
0x91: {  	v6 =	vld [tilespmem:s19+$0x1960]  }
0x92: {  	v7 =	vld [tilespmem:s19+$0x19A0]  }
0x93: {  	v8 =	vld [tilespmem:s19+$0x19E0]  }
0x94: {  	v9 =	vld [tilespmem:s19+$0x1A20]  }
0x95: {  	v10 =	vld [tilespmem:s19+$0x1A60]  }
0x96: {  	v5 =	vmax.f32 v5, v6;
	v6 =	vld [tilespmem:s19+$0x1AA0]  }
0x97: {  	v5 =	vmax.f32 v5, v7;
	v7 =	vld [tilespmem:s19+$0x1AE0]  }
0x98: {  	v5 =	vmax.f32 v5, v8;
	v8 =	vld [tilespmem:s19+$0x1B20]  }
0x99: {  	v5 =	vmax.f32 v5, v9;
	v9 =	vld [tilespmem:s19+$0x1B60]  }
0x9a: {  	v5 =	vmax.f32 v5, v10;
	v10 =	vld [tilespmem:s19+$0x1BA0]  }
0x9b: {  	v5 =	vmax.f32 v5, v6;
	v6 =	vld [tilespmem:s19+$0x1BE0]  }
0x9c: {  	v5 =	vmax.f32 v5, v7;
	v7 =	vld [tilespmem:s19+$0x1C20]  }
0x9d: {  	v5 =	vmax.f32 v5, v8;
	v8 =	vld [tilespmem:s19+$0x1C60]  }
0x9e: {  	v5 =	vmax.f32 v5, v9;
	v9 =	vld [tilespmem:s19+$0x1CA0]  }
0x9f: {  	v5 =	vmax.f32 v5, v10;
	v10 =	vld [tilespmem:s19+$0x1CE0]  }
0xa0: {  	v5 =	vmax.f32 v5, v6;
	v6 =	vld [tilespmem:s19+$0x1D20]  }
0xa1: {  	v5 =	vmax.f32 v5, v7;
	v7 =	vld [tilespmem:s19+$0x1D60]  }
0xa2: {  	v5 =	vmax.f32 v5, v8;
	v8 =	vld [tilespmem:s19+$0x1DA0]  }
0xa3: {  	v5 =	vmax.f32 v5, v9;
	v9 =	vld [tilespmem:s19+$0x1DE0]  }
0xa4: {  	v5 =	vmax.f32 v5, v10;
	v10 =	vld [tilespmem:s19+$0x1E20]  }
0xa5: {  	v5 =	vmax.f32 v5, v6;
	v6 =	vld [tilespmem:s19+$0x1E60]  }
0xa6: {  	v5 =	vmax.f32 v5, v7;
	v7 =	vld [tilespmem:s19+$0x1EA0]  }
0xa7: {  	v5 =	vmax.f32 v5, v8;
	v8 =	vld [tilespmem:s19+$0x1EE0]  }
0xa8: {  	v5 =	vmax.f32 v5, v9;
	v9 =	vld [tilespmem:s19+$0x1F20]  }
0xa9: {  	v5 =	vmax.f32 v5, v10;
	v10 =	vld [tilespmem:s19+$0x1F60]  }
0xaa: {  	v5 =	vmax.f32 v5, v6;
	v6 =	vld [tilespmem:s19+$0x1FA0]  }
0xab: {  	v5 =	vmax.f32 v5, v7;
	v7 =	vld [tilespmem:s19+$0x1FE0]  }
0xac: {  	v5 =	vmax.f32 v5, v8;
	v8 =	vld [tilespmem:s19+$0x2020]  }
0xad: {  	v5 =	vmax.f32 v5, v9;
	v9 =	vld [tilespmem:s19+$0x2060]  }
0xae: {  	v5 =	vmax.f32 v5, v10;
	v10 =	vld [tilespmem:s19+$0x20A0]  }
0xaf: {  	v5 =	vmax.f32 v5, v6;
	v6 =	vld [tilespmem:s19+$0x20E0]  }
0xb0: {  	v5 =	vmax.f32 v5, v7;
	v7 =	vld [tilespmem:s19+$0x2120]  }
0xb1: {  	v5 =	vmax.f32 v5, v8;
	v8 =	vld [tilespmem:s19+$0x2160]  }
0xb2: {  	v5 =	vmax.f32 v5, v9;
	v9 =	vld [tilespmem:s19+$0x21A0]  }
0xb3: {  	v5 =	vmax.f32 v5, v10;
	v10 =	vld [tilespmem:s19+$0x21E0]  }
0xb4: {  	v5 =	vmax.f32 v5, v6;
	v6 =	vld [tilespmem:s19+$0x2220]  }
0xb5: {  	v5 =	vmax.f32 v5, v7;
	v7 =	vld [tilespmem:s19+$0x2260]  }
0xb6: {  	v5 =	vmax.f32 v5, v8;
	v8 =	vld [tilespmem:s19+$0x22A0]  }
0xb7: {  	v5 =	vmax.f32 v5, v9;
	v9 =	vld [tilespmem:s19+$0x22E0]  }
0xb8: {  	v5 =	vmax.f32 v5, v10;
	v10 =	vld [tilespmem:s19+$0x2320]  }
0xb9: {  	v5 =	vmax.f32 v5, v6;
	v6 =	vld [tilespmem:s19+$0x2360]  }
0xba: {  	v5 =	vmax.f32 v5, v7;
	v7 =	vld [tilespmem:s19+$0x23A0]  }
0xbb: {  	v5 =	vmax.f32 v5, v8;
	v8 =	vld [tilespmem:s19+$0x23E0]  }
0xbc: {  	v5 =	vmax.f32 v5, v9;
	v9 =	vld [tilespmem:s19+$0x2420]  }
0xbd: {  	v5 =	vmax.f32 v5, v10;
	v10 =	vld [tilespmem:s19+$0x2460]  }
0xbe: {  	v5 =	vmax.f32 v5, v6;
	v6 =	vld [tilespmem:s19+$0x24A0]  }
0xbf: {  	v5 =	vmax.f32 v5, v7;
	v7 =	vld [tilespmem:s19+$0x24E0]  }
0xc0: {  	v5 =	vmax.f32 v5, v8;
	v8 =	vld [tilespmem:s19+$0x2520]  }
0xc1: {  	v5 =	vmax.f32 v5, v9;
	v9 =	vld [tilespmem:s19+$0x2560]  }
0xc2: {  	v5 =	vmax.f32 v5, v10;
	v10 =	vor.u32 v2, v4  }
0xc3: {  	v5 =	vmax.f32 v5, v6  }
0xc4: {  	v5 =	vmax.f32 v5, v7  }
0xc5: {  	v5 =	vmax.f32 v5, v8  }
0xc6: {  	v5 =	vmax.f32 v5, v9  }
0xc7: {  	[tilespmem:v10+s12+$0x0] =	vst.idx.msk $0xffff, v5  }
0xc8: {  	v5 =	vld [tilespmem:s19+$0x1930]  }
0xc9: {  	v6 =	vld [tilespmem:s19+$0x1970]  }
0xca: {  	v7 =	vld [tilespmem:s19+$0x19B0]  }
0xcb: {  	v8 =	vld [tilespmem:s19+$0x19F0]  }
0xcc: {  	v9 =	vld [tilespmem:s19+$0x1A30]  }
0xcd: {  	v10 =	vld [tilespmem:s19+$0x1A70]  }
0xce: {  	v5 =	vmax.f32 v5, v6;
	v6 =	vld [tilespmem:s19+$0x1AB0]  }
0xcf: {  	v5 =	vmax.f32 v5, v7;
	v7 =	vld [tilespmem:s19+$0x1AF0]  }
0xd0: {  	v5 =	vmax.f32 v5, v8;
	v8 =	vld [tilespmem:s19+$0x1B30]  }
0xd1: {  	v5 =	vmax.f32 v5, v9;
	v9 =	vld [tilespmem:s19+$0x1B70]  }
0xd2: {  	v5 =	vmax.f32 v5, v10;
	v10 =	vld [tilespmem:s19+$0x1BB0]  }
0xd3: {  	v5 =	vmax.f32 v5, v6;
	v6 =	vld [tilespmem:s19+$0x1BF0]  }
0xd4: {  	v5 =	vmax.f32 v5, v7;
	v7 =	vld [tilespmem:s19+$0x1C30]  }
0xd5: {  	v5 =	vmax.f32 v5, v8;
	v8 =	vld [tilespmem:s19+$0x1C70]  }
0xd6: {  	v5 =	vmax.f32 v5, v9;
	v9 =	vld [tilespmem:s19+$0x1CB0]  }
0xd7: {  	v5 =	vmax.f32 v5, v10;
	v10 =	vld [tilespmem:s19+$0x1CF0]  }
0xd8: {  	v5 =	vmax.f32 v5, v6;
	v6 =	vld [tilespmem:s19+$0x1D30]  }
0xd9: {  	v5 =	vmax.f32 v5, v7;
	v7 =	vld [tilespmem:s19+$0x1D70]  }
0xda: {  	v5 =	vmax.f32 v5, v8;
	v8 =	vld [tilespmem:s19+$0x1DB0]  }
0xdb: {  	v5 =	vmax.f32 v5, v9;
	v9 =	vld [tilespmem:s19+$0x1DF0]  }
0xdc: {  	v5 =	vmax.f32 v5, v10;
	v10 =	vld [tilespmem:s19+$0x1E30]  }
0xdd: {  	v5 =	vmax.f32 v5, v6;
	v6 =	vld [tilespmem:s19+$0x1E70]  }
0xde: {  	v5 =	vmax.f32 v5, v7;
	v7 =	vld [tilespmem:s19+$0x1EB0]  }
0xdf: {  	v5 =	vmax.f32 v5, v8;
	v8 =	vld [tilespmem:s19+$0x1EF0]  }
0xe0: {  	v5 =	vmax.f32 v5, v9;
	v9 =	vld [tilespmem:s19+$0x1F30]  }
0xe1: {  	v5 =	vmax.f32 v5, v10;
	v10 =	vld [tilespmem:s19+$0x1F70]  }
0xe2: {  	v5 =	vmax.f32 v5, v6;
	v6 =	vld [tilespmem:s19+$0x1FB0]  }
0xe3: {  	v5 =	vmax.f32 v5, v7;
	v7 =	vld [tilespmem:s19+$0x1FF0]  }
0xe4: {  	v5 =	vmax.f32 v5, v8;
	v8 =	vld [tilespmem:s19+$0x2030]  }
0xe5: {  	v5 =	vmax.f32 v5, v9;
	v9 =	vld [tilespmem:s19+$0x2070]  }
0xe6: {  	v5 =	vmax.f32 v5, v10;
	v10 =	vld [tilespmem:s19+$0x20B0]  }
0xe7: {  	v5 =	vmax.f32 v5, v6;
	v6 =	vld [tilespmem:s19+$0x20F0]  }
0xe8: {  	v5 =	vmax.f32 v5, v7;
	v7 =	vld [tilespmem:s19+$0x2130]  }
0xe9: {  	v5 =	vmax.f32 v5, v8;
	v8 =	vld [tilespmem:s19+$0x2170]  }
0xea: {  	v5 =	vmax.f32 v5, v9;
	v9 =	vld [tilespmem:s19+$0x21B0]  }
0xeb: {  	v5 =	vmax.f32 v5, v10;
	v10 =	vld [tilespmem:s19+$0x21F0]  }
0xec: {  	v5 =	vmax.f32 v5, v6;
	v6 =	vld [tilespmem:s19+$0x2230]  }
0xed: {  	v5 =	vmax.f32 v5, v7;
	v7 =	vld [tilespmem:s19+$0x2270]  }
0xee: {  	v5 =	vmax.f32 v5, v8;
	v8 =	vld [tilespmem:s19+$0x22B0]  }
0xef: {  	v5 =	vmax.f32 v5, v9;
	v9 =	vld [tilespmem:s19+$0x22F0]  }
0xf0: {  	v5 =	vmax.f32 v5, v10;
	v10 =	vld [tilespmem:s19+$0x2330]  }
0xf1: {  	v11 =	vld [tilespmem:s19+$0x2370];
	v5 =	vmax.f32 v5, v6  }
0xf2: {  	v12 =	vld [tilespmem:s19+$0x23B0];
	v5 =	vmax.f32 v5, v7  }
0xf3: {  	v13 =	vld [tilespmem:s19+$0x23F0];
	v5 =	vmax.f32 v5, v8  }
0xf4: {  	v6 =	vmax.f32 v5, v9;
	v5 =	vld [tilespmem:s19+$0x2430]  }
0xf5: {  	v7 =	vmax.f32 v6, v10;
	v6 =	vld [tilespmem:s19+$0x2470]  }
0xf6: {  	v8 =	vmax.f32 v7, v11;
	v7 =	vld [tilespmem:s19+$0x24B0]  }
0xf7: {  	v9 =	vmax.f32 v8, v12;
	v8 =	vld [tilespmem:s19+$0x24F0]  }
0xf8: {  	s20 =	simm.s32 $0x1;
	v10 =	vmax.f32 v9, v13;
	v9 =	vld [tilespmem:s19+$0x2530]  }
.LBB2_3:
0xf9: {  	p0 =	sne.s32 s20, $0xF;
	v11 =	vld [tilespmem:s19+$0x2570];
	s21 =	smov.u32 s20;
	s20 =	sadd.s32 $0x1, s20  }
0xfa: {  	v5 =	vmax.f32 v10, v5;
	v4 =	vor.u32 v3, v4  }
0xfb: {  	v5 =	vmax.f32 v5, v6  }
0xfc: {  	s19 =	smul.u32 $0x3200, s21;
	v5 =	vmax.f32 v5, v7  }
0xfd: {  	v5 =	vmax.f32 v5, v8  }
0xfe: {  	s19 =	sshra.s32 s19, $0x2;
	v5 =	vmax.f32 v5, v9  }
0xff: {  	v5 =	vmax.f32 v5, v11  }
0x100: {  	[tilespmem:v4+s12+$0x0] =	vst.idx.msk $0xffff, v5  }
0x101: {  	v4 =	vld [tilespmem:s19+$0x1900]  }
0x102: {  	v5 =	vld [tilespmem:s19+$0x1940]  }
0x103: {  	v6 =	vld [tilespmem:s19+$0x1980]  }
0x104: {  	v7 =	vld [tilespmem:s19+$0x19C0]  }
0x105: {  	v8 =	vld [tilespmem:s19+$0x1A00]  }
0x106: {  	v9 =	vld [tilespmem:s19+$0x1A40]  }
0x107: {  	v4 =	vmax.f32 v4, v5;
	v5 =	vld [tilespmem:s19+$0x1A80]  }
0x108: {  	v4 =	vmax.f32 v4, v6;
	v6 =	vld [tilespmem:s19+$0x1AC0]  }
0x109: {  	v4 =	vmax.f32 v4, v7;
	v7 =	vld [tilespmem:s19+$0x1B00]  }
0x10a: {  	v4 =	vmax.f32 v4, v8;
	v8 =	vld [tilespmem:s19+$0x1B40]  }
0x10b: {  	v4 =	vmax.f32 v4, v9;
	v9 =	vld [tilespmem:s19+$0x1B80]  }
0x10c: {  	v4 =	vmax.f32 v4, v5;
	v5 =	vld [tilespmem:s19+$0x1BC0]  }
0x10d: {  	v4 =	vmax.f32 v4, v6;
	v6 =	vld [tilespmem:s19+$0x1C00]  }
0x10e: {  	v4 =	vmax.f32 v4, v7;
	v7 =	vld [tilespmem:s19+$0x1C40]  }
0x10f: {  	v4 =	vmax.f32 v4, v8;
	v8 =	vld [tilespmem:s19+$0x1C80]  }
0x110: {  	v4 =	vmax.f32 v4, v9;
	v9 =	vld [tilespmem:s19+$0x1CC0]  }
0x111: {  	v4 =	vmax.f32 v4, v5;
	v5 =	vld [tilespmem:s19+$0x1D00]  }
0x112: {  	v4 =	vmax.f32 v4, v6;
	v6 =	vld [tilespmem:s19+$0x1D40]  }
0x113: {  	v4 =	vmax.f32 v4, v7;
	v7 =	vld [tilespmem:s19+$0x1D80]  }
0x114: {  	v4 =	vmax.f32 v4, v8;
	v8 =	vld [tilespmem:s19+$0x1DC0]  }
0x115: {  	v4 =	vmax.f32 v4, v9;
	v9 =	vld [tilespmem:s19+$0x1E00]  }
0x116: {  	v4 =	vmax.f32 v4, v5;
	v5 =	vld [tilespmem:s19+$0x1E40]  }
0x117: {  	v4 =	vmax.f32 v4, v6;
	v6 =	vld [tilespmem:s19+$0x1E80]  }
0x118: {  	v4 =	vmax.f32 v4, v7;
	v7 =	vld [tilespmem:s19+$0x1EC0]  }
0x119: {  	v4 =	vmax.f32 v4, v8;
	v8 =	vld [tilespmem:s19+$0x1F00]  }
0x11a: {  	v4 =	vmax.f32 v4, v9;
	v9 =	vld [tilespmem:s19+$0x1F40]  }
0x11b: {  	v4 =	vmax.f32 v4, v5;
	v5 =	vld [tilespmem:s19+$0x1F80]  }
0x11c: {  	v4 =	vmax.f32 v4, v6;
	v6 =	vld [tilespmem:s19+$0x1FC0]  }
0x11d: {  	v4 =	vmax.f32 v4, v7;
	v7 =	vld [tilespmem:s19+$0x2000]  }
0x11e: {  	v4 =	vmax.f32 v4, v8;
	v8 =	vld [tilespmem:s19+$0x2040]  }
0x11f: {  	v4 =	vmax.f32 v4, v9;
	v9 =	vld [tilespmem:s19+$0x2080]  }
0x120: {  	v4 =	vmax.f32 v4, v5;
	v5 =	vld [tilespmem:s19+$0x20C0]  }
0x121: {  	v4 =	vmax.f32 v4, v6;
	v6 =	vld [tilespmem:s19+$0x2100]  }
0x122: {  	v4 =	vmax.f32 v4, v7;
	v7 =	vld [tilespmem:s19+$0x2140]  }
0x123: {  	v4 =	vmax.f32 v4, v8;
	v8 =	vld [tilespmem:s19+$0x2180]  }
0x124: {  	v4 =	vmax.f32 v4, v9;
	v9 =	vld [tilespmem:s19+$0x21C0]  }
0x125: {  	v4 =	vmax.f32 v4, v5;
	v5 =	vld [tilespmem:s19+$0x2200]  }
0x126: {  	v4 =	vmax.f32 v4, v6;
	v6 =	vld [tilespmem:s19+$0x2240]  }
0x127: {  	v4 =	vmax.f32 v4, v7;
	v7 =	vld [tilespmem:s19+$0x2280]  }
0x128: {  	v4 =	vmax.f32 v4, v8;
	v8 =	vld [tilespmem:s19+$0x22C0]  }
0x129: {  	v4 =	vmax.f32 v4, v9;
	v9 =	vld [tilespmem:s19+$0x2300]  }
0x12a: {  	v4 =	vmax.f32 v4, v5;
	v5 =	vld [tilespmem:s19+$0x2340]  }
0x12b: {  	v4 =	vmax.f32 v4, v6;
	v6 =	vld [tilespmem:s19+$0x2380]  }
0x12c: {  	v4 =	vmax.f32 v4, v7;
	v7 =	vld [tilespmem:s19+$0x23C0]  }
0x12d: {  	v4 =	vmax.f32 v4, v8;
	v8 =	vld [tilespmem:s19+$0x2400]  }
0x12e: {  	s21 =	sadd.s32 s18, s21;
	v4 =	vmax.f32 v4, v9;
	v9 =	vld [tilespmem:s19+$0x2440]  }
0x12f: {  	v10 =	vmov s21;
	v4 =	vmax.f32 v4, v5;
	v5 =	vld [tilespmem:s19+$0x2480]  }
0x130: {  	v10 =	vand.u32 $0x6F, v10;
	v4 =	vmax.f32 v4, v6;
	v6 =	vld [tilespmem:s19+$0x24C0]  }
0x131: {  	v7 =	vmax.f32 v4, v7;
	v11 =	vld [tilespmem:s19+$0x2500];
	v4 =	vbroadcast v10, $0x0  }
0x132: {  	v7 =	vmax.f32 v7, v8;
	v8 =	vld [tilespmem:s19+$0x2540]  }
0x133: {  	v7 =	vmax.f32 v7, v9;
	v9 =	vor.u32 v0, v4  }
0x134: {  	v5 =	vmax.f32 v7, v5  }
0x135: {  	v5 =	vmax.f32 v5, v6  }
0x136: {  	v5 =	vmax.f32 v5, v11  }
0x137: {  	v5 =	vmax.f32 v5, v8  }
0x138: {  	[tilespmem:v9+s12+$0x0] =	vst.idx.msk $0xffff, v5  }
0x139: {  	v5 =	vld [tilespmem:s19+$0x1910]  }
0x13a: {  	v6 =	vld [tilespmem:s19+$0x1950]  }
0x13b: {  	v7 =	vld [tilespmem:s19+$0x1990]  }
0x13c: {  	v8 =	vld [tilespmem:s19+$0x19D0]  }
0x13d: {  	v9 =	vld [tilespmem:s19+$0x1A10]  }
0x13e: {  	v10 =	vld [tilespmem:s19+$0x1A50]  }
0x13f: {  	v5 =	vmax.f32 v5, v6;
	v6 =	vld [tilespmem:s19+$0x1A90]  }
0x140: {  	v5 =	vmax.f32 v5, v7;
	v7 =	vld [tilespmem:s19+$0x1AD0]  }
0x141: {  	v5 =	vmax.f32 v5, v8;
	v8 =	vld [tilespmem:s19+$0x1B10]  }
0x142: {  	v5 =	vmax.f32 v5, v9;
	v9 =	vld [tilespmem:s19+$0x1B50]  }
0x143: {  	v5 =	vmax.f32 v5, v10;
	v10 =	vld [tilespmem:s19+$0x1B90]  }
0x144: {  	v5 =	vmax.f32 v5, v6;
	v6 =	vld [tilespmem:s19+$0x1BD0]  }
0x145: {  	v5 =	vmax.f32 v5, v7;
	v7 =	vld [tilespmem:s19+$0x1C10]  }
0x146: {  	v5 =	vmax.f32 v5, v8;
	v8 =	vld [tilespmem:s19+$0x1C50]  }
0x147: {  	v5 =	vmax.f32 v5, v9;
	v9 =	vld [tilespmem:s19+$0x1C90]  }
0x148: {  	v5 =	vmax.f32 v5, v10;
	v10 =	vld [tilespmem:s19+$0x1CD0]  }
0x149: {  	v5 =	vmax.f32 v5, v6;
	v6 =	vld [tilespmem:s19+$0x1D10]  }
0x14a: {  	v5 =	vmax.f32 v5, v7;
	v7 =	vld [tilespmem:s19+$0x1D50]  }
0x14b: {  	v5 =	vmax.f32 v5, v8;
	v8 =	vld [tilespmem:s19+$0x1D90]  }
0x14c: {  	v5 =	vmax.f32 v5, v9;
	v9 =	vld [tilespmem:s19+$0x1DD0]  }
0x14d: {  	v5 =	vmax.f32 v5, v10;
	v10 =	vld [tilespmem:s19+$0x1E10]  }
0x14e: {  	v5 =	vmax.f32 v5, v6;
	v6 =	vld [tilespmem:s19+$0x1E50]  }
0x14f: {  	v5 =	vmax.f32 v5, v7;
	v7 =	vld [tilespmem:s19+$0x1E90]  }
0x150: {  	v5 =	vmax.f32 v5, v8;
	v8 =	vld [tilespmem:s19+$0x1ED0]  }
0x151: {  	v5 =	vmax.f32 v5, v9;
	v9 =	vld [tilespmem:s19+$0x1F10]  }
0x152: {  	v5 =	vmax.f32 v5, v10;
	v10 =	vld [tilespmem:s19+$0x1F50]  }
0x153: {  	v5 =	vmax.f32 v5, v6;
	v6 =	vld [tilespmem:s19+$0x1F90]  }
0x154: {  	v5 =	vmax.f32 v5, v7;
	v7 =	vld [tilespmem:s19+$0x1FD0]  }
0x155: {  	v5 =	vmax.f32 v5, v8;
	v8 =	vld [tilespmem:s19+$0x2010]  }
0x156: {  	v5 =	vmax.f32 v5, v9;
	v9 =	vld [tilespmem:s19+$0x2050]  }
0x157: {  	v5 =	vmax.f32 v5, v10;
	v10 =	vld [tilespmem:s19+$0x2090]  }
0x158: {  	v5 =	vmax.f32 v5, v6;
	v6 =	vld [tilespmem:s19+$0x20D0]  }
0x159: {  	v5 =	vmax.f32 v5, v7;
	v7 =	vld [tilespmem:s19+$0x2110]  }
0x15a: {  	v5 =	vmax.f32 v5, v8;
	v8 =	vld [tilespmem:s19+$0x2150]  }
0x15b: {  	v5 =	vmax.f32 v5, v9;
	v9 =	vld [tilespmem:s19+$0x2190]  }
0x15c: {  	v5 =	vmax.f32 v5, v10;
	v10 =	vld [tilespmem:s19+$0x21D0]  }
0x15d: {  	v5 =	vmax.f32 v5, v6;
	v6 =	vld [tilespmem:s19+$0x2210]  }
0x15e: {  	v5 =	vmax.f32 v5, v7;
	v7 =	vld [tilespmem:s19+$0x2250]  }
0x15f: {  	v5 =	vmax.f32 v5, v8;
	v8 =	vld [tilespmem:s19+$0x2290]  }
0x160: {  	v5 =	vmax.f32 v5, v9;
	v9 =	vld [tilespmem:s19+$0x22D0]  }
0x161: {  	v5 =	vmax.f32 v5, v10;
	v10 =	vld [tilespmem:s19+$0x2310]  }
0x162: {  	v5 =	vmax.f32 v5, v6;
	v6 =	vld [tilespmem:s19+$0x2350]  }
0x163: {  	v5 =	vmax.f32 v5, v7;
	v7 =	vld [tilespmem:s19+$0x2390]  }
0x164: {  	v5 =	vmax.f32 v5, v8;
	v8 =	vld [tilespmem:s19+$0x23D0]  }
0x165: {  	v5 =	vmax.f32 v5, v9;
	v9 =	vld [tilespmem:s19+$0x2410]  }
0x166: {  	v5 =	vmax.f32 v5, v10;
	v10 =	vld [tilespmem:s19+$0x2450]  }
0x167: {  	v5 =	vmax.f32 v5, v6;
	v6 =	vld [tilespmem:s19+$0x2490]  }
0x168: {  	v5 =	vmax.f32 v5, v7;
	v7 =	vld [tilespmem:s19+$0x24D0]  }
0x169: {  	v5 =	vmax.f32 v5, v8;
	v8 =	vld [tilespmem:s19+$0x2510]  }
0x16a: {  	v5 =	vmax.f32 v5, v9;
	v9 =	vld [tilespmem:s19+$0x2550]  }
0x16b: {  	v5 =	vmax.f32 v5, v10;
	v10 =	vor.u32 v1, v4  }
0x16c: {  	v5 =	vmax.f32 v5, v6  }
0x16d: {  	v5 =	vmax.f32 v5, v7  }
0x16e: {  	v5 =	vmax.f32 v5, v8  }
0x16f: {  	v5 =	vmax.f32 v5, v9  }
0x170: {  	[tilespmem:v10+s12+$0x0] =	vst.idx.msk $0xffff, v5  }
0x171: {  	v5 =	vld [tilespmem:s19+$0x1920]  }
0x172: {  	v6 =	vld [tilespmem:s19+$0x1960]  }
0x173: {  	v7 =	vld [tilespmem:s19+$0x19A0]  }
0x174: {  	v8 =	vld [tilespmem:s19+$0x19E0]  }
0x175: {  	v9 =	vld [tilespmem:s19+$0x1A20]  }
0x176: {  	v10 =	vld [tilespmem:s19+$0x1A60]  }
0x177: {  	v5 =	vmax.f32 v5, v6;
	v6 =	vld [tilespmem:s19+$0x1AA0]  }
0x178: {  	v5 =	vmax.f32 v5, v7;
	v7 =	vld [tilespmem:s19+$0x1AE0]  }
0x179: {  	v5 =	vmax.f32 v5, v8;
	v8 =	vld [tilespmem:s19+$0x1B20]  }
0x17a: {  	v5 =	vmax.f32 v5, v9;
	v9 =	vld [tilespmem:s19+$0x1B60]  }
0x17b: {  	v5 =	vmax.f32 v5, v10;
	v10 =	vld [tilespmem:s19+$0x1BA0]  }
0x17c: {  	v5 =	vmax.f32 v5, v6;
	v6 =	vld [tilespmem:s19+$0x1BE0]  }
0x17d: {  	v5 =	vmax.f32 v5, v7;
	v7 =	vld [tilespmem:s19+$0x1C20]  }
0x17e: {  	v5 =	vmax.f32 v5, v8;
	v8 =	vld [tilespmem:s19+$0x1C60]  }
0x17f: {  	v5 =	vmax.f32 v5, v9;
	v9 =	vld [tilespmem:s19+$0x1CA0]  }
0x180: {  	v5 =	vmax.f32 v5, v10;
	v10 =	vld [tilespmem:s19+$0x1CE0]  }
0x181: {  	v5 =	vmax.f32 v5, v6;
	v6 =	vld [tilespmem:s19+$0x1D20]  }
0x182: {  	v5 =	vmax.f32 v5, v7;
	v7 =	vld [tilespmem:s19+$0x1D60]  }
0x183: {  	v5 =	vmax.f32 v5, v8;
	v8 =	vld [tilespmem:s19+$0x1DA0]  }
0x184: {  	v5 =	vmax.f32 v5, v9;
	v9 =	vld [tilespmem:s19+$0x1DE0]  }
0x185: {  	v5 =	vmax.f32 v5, v10;
	v10 =	vld [tilespmem:s19+$0x1E20]  }
0x186: {  	v5 =	vmax.f32 v5, v6;
	v6 =	vld [tilespmem:s19+$0x1E60]  }
0x187: {  	v5 =	vmax.f32 v5, v7;
	v7 =	vld [tilespmem:s19+$0x1EA0]  }
0x188: {  	v5 =	vmax.f32 v5, v8;
	v8 =	vld [tilespmem:s19+$0x1EE0]  }
0x189: {  	v5 =	vmax.f32 v5, v9;
	v9 =	vld [tilespmem:s19+$0x1F20]  }
0x18a: {  	v5 =	vmax.f32 v5, v10;
	v10 =	vld [tilespmem:s19+$0x1F60]  }
0x18b: {  	v5 =	vmax.f32 v5, v6;
	v6 =	vld [tilespmem:s19+$0x1FA0]  }
0x18c: {  	v5 =	vmax.f32 v5, v7;
	v7 =	vld [tilespmem:s19+$0x1FE0]  }
0x18d: {  	v5 =	vmax.f32 v5, v8;
	v8 =	vld [tilespmem:s19+$0x2020]  }
0x18e: {  	v5 =	vmax.f32 v5, v9;
	v9 =	vld [tilespmem:s19+$0x2060]  }
0x18f: {  	v5 =	vmax.f32 v5, v10;
	v10 =	vld [tilespmem:s19+$0x20A0]  }
0x190: {  	v5 =	vmax.f32 v5, v6;
	v6 =	vld [tilespmem:s19+$0x20E0]  }
0x191: {  	v5 =	vmax.f32 v5, v7;
	v7 =	vld [tilespmem:s19+$0x2120]  }
0x192: {  	v5 =	vmax.f32 v5, v8;
	v8 =	vld [tilespmem:s19+$0x2160]  }
0x193: {  	v5 =	vmax.f32 v5, v9;
	v9 =	vld [tilespmem:s19+$0x21A0]  }
0x194: {  	v5 =	vmax.f32 v5, v10;
	v10 =	vld [tilespmem:s19+$0x21E0]  }
0x195: {  	v5 =	vmax.f32 v5, v6;
	v6 =	vld [tilespmem:s19+$0x2220]  }
0x196: {  	v5 =	vmax.f32 v5, v7;
	v7 =	vld [tilespmem:s19+$0x2260]  }
0x197: {  	v5 =	vmax.f32 v5, v8;
	v8 =	vld [tilespmem:s19+$0x22A0]  }
0x198: {  	v5 =	vmax.f32 v5, v9;
	v9 =	vld [tilespmem:s19+$0x22E0]  }
0x199: {  	v5 =	vmax.f32 v5, v10;
	v10 =	vld [tilespmem:s19+$0x2320]  }
0x19a: {  	v5 =	vmax.f32 v5, v6;
	v6 =	vld [tilespmem:s19+$0x2360]  }
0x19b: {  	v5 =	vmax.f32 v5, v7;
	v7 =	vld [tilespmem:s19+$0x23A0]  }
0x19c: {  	v5 =	vmax.f32 v5, v8;
	v8 =	vld [tilespmem:s19+$0x23E0]  }
0x19d: {  	v5 =	vmax.f32 v5, v9;
	v9 =	vld [tilespmem:s19+$0x2420]  }
0x19e: {  	v5 =	vmax.f32 v5, v10;
	v10 =	vld [tilespmem:s19+$0x2460]  }
0x19f: {  	v5 =	vmax.f32 v5, v6;
	v6 =	vld [tilespmem:s19+$0x24A0]  }
0x1a0: {  	v5 =	vmax.f32 v5, v7;
	v7 =	vld [tilespmem:s19+$0x24E0]  }
0x1a1: {  	v5 =	vmax.f32 v5, v8;
	v8 =	vld [tilespmem:s19+$0x2520]  }
0x1a2: {  	v5 =	vmax.f32 v5, v9;
	v9 =	vld [tilespmem:s19+$0x2560]  }
0x1a3: {  	v5 =	vmax.f32 v5, v10;
	v10 =	vor.u32 v2, v4  }
0x1a4: {  	v5 =	vmax.f32 v5, v6  }
0x1a5: {  	v5 =	vmax.f32 v5, v7  }
0x1a6: {  	v5 =	vmax.f32 v5, v8  }
0x1a7: {  	v5 =	vmax.f32 v5, v9  }
0x1a8: {  	[tilespmem:v10+s12+$0x0] =	vst.idx.msk $0xffff, v5  }
0x1a9: {  	v5 =	vld [tilespmem:s19+$0x1930]  }
0x1aa: {  	v6 =	vld [tilespmem:s19+$0x1970]  }
0x1ab: {  	v7 =	vld [tilespmem:s19+$0x19B0]  }
0x1ac: {  	v8 =	vld [tilespmem:s19+$0x19F0]  }
0x1ad: {  	v9 =	vld [tilespmem:s19+$0x1A30]  }
0x1ae: {  	v10 =	vld [tilespmem:s19+$0x1A70]  }
0x1af: {  	v5 =	vmax.f32 v5, v6;
	v6 =	vld [tilespmem:s19+$0x1AB0]  }
0x1b0: {  	v5 =	vmax.f32 v5, v7;
	v7 =	vld [tilespmem:s19+$0x1AF0]  }
0x1b1: {  	v5 =	vmax.f32 v5, v8;
	v8 =	vld [tilespmem:s19+$0x1B30]  }
0x1b2: {  	v5 =	vmax.f32 v5, v9;
	v9 =	vld [tilespmem:s19+$0x1B70]  }
0x1b3: {  	v5 =	vmax.f32 v5, v10;
	v10 =	vld [tilespmem:s19+$0x1BB0]  }
0x1b4: {  	v5 =	vmax.f32 v5, v6;
	v6 =	vld [tilespmem:s19+$0x1BF0]  }
0x1b5: {  	v5 =	vmax.f32 v5, v7;
	v7 =	vld [tilespmem:s19+$0x1C30]  }
0x1b6: {  	v5 =	vmax.f32 v5, v8;
	v8 =	vld [tilespmem:s19+$0x1C70]  }
0x1b7: {  	v5 =	vmax.f32 v5, v9;
	v9 =	vld [tilespmem:s19+$0x1CB0]  }
0x1b8: {  	v5 =	vmax.f32 v5, v10;
	v10 =	vld [tilespmem:s19+$0x1CF0]  }
0x1b9: {  	v5 =	vmax.f32 v5, v6;
	v6 =	vld [tilespmem:s19+$0x1D30]  }
0x1ba: {  	v5 =	vmax.f32 v5, v7;
	v7 =	vld [tilespmem:s19+$0x1D70]  }
0x1bb: {  	v5 =	vmax.f32 v5, v8;
	v8 =	vld [tilespmem:s19+$0x1DB0]  }
0x1bc: {  	v5 =	vmax.f32 v5, v9;
	v9 =	vld [tilespmem:s19+$0x1DF0]  }
0x1bd: {  	v5 =	vmax.f32 v5, v10;
	v10 =	vld [tilespmem:s19+$0x1E30]  }
0x1be: {  	v5 =	vmax.f32 v5, v6;
	v6 =	vld [tilespmem:s19+$0x1E70]  }
0x1bf: {  	v5 =	vmax.f32 v5, v7;
	v7 =	vld [tilespmem:s19+$0x1EB0]  }
0x1c0: {  	v5 =	vmax.f32 v5, v8;
	v8 =	vld [tilespmem:s19+$0x1EF0]  }
0x1c1: {  	v5 =	vmax.f32 v5, v9;
	v9 =	vld [tilespmem:s19+$0x1F30]  }
0x1c2: {  	v5 =	vmax.f32 v5, v10;
	v10 =	vld [tilespmem:s19+$0x1F70]  }
0x1c3: {  	v5 =	vmax.f32 v5, v6;
	v6 =	vld [tilespmem:s19+$0x1FB0]  }
0x1c4: {  	v5 =	vmax.f32 v5, v7;
	v7 =	vld [tilespmem:s19+$0x1FF0]  }
0x1c5: {  	v5 =	vmax.f32 v5, v8;
	v8 =	vld [tilespmem:s19+$0x2030]  }
0x1c6: {  	v5 =	vmax.f32 v5, v9;
	v9 =	vld [tilespmem:s19+$0x2070]  }
0x1c7: {  	v5 =	vmax.f32 v5, v10;
	v10 =	vld [tilespmem:s19+$0x20B0]  }
0x1c8: {  	v5 =	vmax.f32 v5, v6;
	v6 =	vld [tilespmem:s19+$0x20F0]  }
0x1c9: {  	v5 =	vmax.f32 v5, v7;
	v7 =	vld [tilespmem:s19+$0x2130]  }
0x1ca: {  	v5 =	vmax.f32 v5, v8;
	v8 =	vld [tilespmem:s19+$0x2170]  }
0x1cb: {  	v5 =	vmax.f32 v5, v9;
	v9 =	vld [tilespmem:s19+$0x21B0]  }
0x1cc: {  	v5 =	vmax.f32 v5, v10;
	v10 =	vld [tilespmem:s19+$0x21F0]  }
0x1cd: {  	v5 =	vmax.f32 v5, v6;
	v6 =	vld [tilespmem:s19+$0x2230]  }
0x1ce: {  	v5 =	vmax.f32 v5, v7;
	v7 =	vld [tilespmem:s19+$0x2270]  }
0x1cf: {  	v5 =	vmax.f32 v5, v8;
	v8 =	vld [tilespmem:s19+$0x22B0]  }
0x1d0: {  	v5 =	vmax.f32 v5, v9;
	v9 =	vld [tilespmem:s19+$0x22F0]  }
0x1d1: {  	v5 =	vmax.f32 v5, v10;
	v10 =	vld [tilespmem:s19+$0x2330]  }
0x1d2: {  	v5 =	vmax.f32 v5, v6;
	v11 =	vld [tilespmem:s19+$0x2370]  }
0x1d3: {  	v5 =	vmax.f32 v5, v7;
	v12 =	vld [tilespmem:s19+$0x23B0]  }
0x1d4: {  	v5 =	vmax.f32 v5, v8;
	v13 =	vld [tilespmem:s19+$0x23F0]  }
.Ltmp2:
0x1d5: {  	v6 =	vmax.f32 v5, v9;
	v5 =	vld [tilespmem:s19+$0x2430];
	(pc) =	sbr.rel @p0 .LBB2_3-.Ltmp2, $4  }
0x1d6: {  	v7 =	vmax.f32 v6, v10;
	v6 =	vld [tilespmem:s19+$0x2470]  }
0x1d7: {  	v8 =	vmax.f32 v7, v11;
	v7 =	vld [tilespmem:s19+$0x24B0]  }
0x1d8: {  	v9 =	vmax.f32 v8, v12;
	v8 =	vld [tilespmem:s19+$0x24F0]  }
0x1d9: {  	v10 =	vmax.f32 v9, v13;
	v9 =	vld [tilespmem:s19+$0x2530]  }
0x1da: {  	v11 =	vld [tilespmem:s19+$0x2570];
	v5 =	vmax.f32 v10, v5  }
0x1db: {  	v4 =	vor.u32 v3, v4;
	v5 =	vmax.f32 v5, v6  }
0x1dc: {  	p0 =	seq.s32 s17, $0x3;
	v5 =	vmax.f32 v5, v7  }
0x1dd: {  	s19 =	smul.u32 @!p0 $0x1900, s17;
	v5 =	vmax.f32 v5, v8  }
0x1de: {  	v5 =	vmax.f32 v5, v9  }
0x1df: {  	s30 =	simm.s32 $0x0;
	s19 =	sshra.s32 @!p0 s19, $0x2;
	v5 =	vmax.f32 v5, v11  }
0x1e0: {  	s20 =	simm.s32 @!p0 $0x320;
	s21 =	simm.s32 @!p0 $0x1900;
	s19 =	sadd.s32 @!p0 $0x640, s19;
	[tilespmem:v4+s12+$0x0] =	vst.idx.msk $0xffff, v5  }
0x1e1: {  	[tilespmem:s21], [sflag:$0x1] =	stream.indirect.gather @!p0 [hbm4b:s3+s20], $0x40, s19, s20, $0xb8;
	[tilespmem:$0x1C900] =	vst v63  }
0x1e2: {  	s19 =	smul.u32 $0x3200, s30;
	_ =	swait.ge [sflag:s13], $0xC800  }
0x1e3: {  	[sflag:s13] =	ssyncset.done $0x0  }
0x1e4: {  	s19 =	sshra.s32 s19, $0x2;
	[sflag:s13] =	ssyncadd.s32 $0xFFFF3800  }
0x1e5: {  	v4 =	vld [tilespmem:s19+$0xE100]  }
0x1e6: {  	v5 =	vld [tilespmem:s19+$0xE140]  }
0x1e7: {  	v6 =	vld [tilespmem:s19+$0xE180]  }
0x1e8: {  	v7 =	vld [tilespmem:s19+$0xE1C0]  }
0x1e9: {  	v8 =	vld [tilespmem:s19+$0xE200]  }
0x1ea: {  	v9 =	vld [tilespmem:s19+$0xE240]  }
0x1eb: {  	v4 =	vmax.f32 v4, v5;
	v5 =	vld [tilespmem:s19+$0xE280]  }
0x1ec: {  	v4 =	vmax.f32 v4, v6;
	v6 =	vld [tilespmem:s19+$0xE2C0]  }
0x1ed: {  	v4 =	vmax.f32 v4, v7;
	v7 =	vld [tilespmem:s19+$0xE300]  }
0x1ee: {  	v4 =	vmax.f32 v4, v8;
	v8 =	vld [tilespmem:s19+$0xE340]  }
0x1ef: {  	v4 =	vmax.f32 v4, v9;
	v9 =	vld [tilespmem:s19+$0xE380]  }
0x1f0: {  	v4 =	vmax.f32 v4, v5;
	v5 =	vld [tilespmem:s19+$0xE3C0]  }
0x1f1: {  	v4 =	vmax.f32 v4, v6;
	v6 =	vld [tilespmem:s19+$0xE400]  }
0x1f2: {  	v4 =	vmax.f32 v4, v7;
	v7 =	vld [tilespmem:s19+$0xE440]  }
0x1f3: {  	v4 =	vmax.f32 v4, v8;
	v8 =	vld [tilespmem:s19+$0xE480]  }
0x1f4: {  	v4 =	vmax.f32 v4, v9;
	v9 =	vld [tilespmem:s19+$0xE4C0]  }
0x1f5: {  	v4 =	vmax.f32 v4, v5;
	v5 =	vld [tilespmem:s19+$0xE500]  }
0x1f6: {  	v4 =	vmax.f32 v4, v6;
	v6 =	vld [tilespmem:s19+$0xE540]  }
0x1f7: {  	v4 =	vmax.f32 v4, v7;
	v7 =	vld [tilespmem:s19+$0xE580]  }
0x1f8: {  	v4 =	vmax.f32 v4, v8;
	v8 =	vld [tilespmem:s19+$0xE5C0]  }
0x1f9: {  	v4 =	vmax.f32 v4, v9;
	v9 =	vld [tilespmem:s19+$0xE600]  }
0x1fa: {  	v4 =	vmax.f32 v4, v5;
	v5 =	vld [tilespmem:s19+$0xE640]  }
0x1fb: {  	v4 =	vmax.f32 v4, v6;
	v6 =	vld [tilespmem:s19+$0xE680]  }
0x1fc: {  	v4 =	vmax.f32 v4, v7;
	v7 =	vld [tilespmem:s19+$0xE6C0]  }
0x1fd: {  	v4 =	vmax.f32 v4, v8;
	v8 =	vld [tilespmem:s19+$0xE700]  }
0x1fe: {  	v4 =	vmax.f32 v4, v9;
	v9 =	vld [tilespmem:s19+$0xE740]  }
0x1ff: {  	v4 =	vmax.f32 v4, v5;
	v5 =	vld [tilespmem:s19+$0xE780]  }
0x200: {  	v4 =	vmax.f32 v4, v6;
	v6 =	vld [tilespmem:s19+$0xE7C0]  }
0x201: {  	v4 =	vmax.f32 v4, v7;
	v7 =	vld [tilespmem:s19+$0xE800]  }
0x202: {  	v4 =	vmax.f32 v4, v8;
	v8 =	vld [tilespmem:s19+$0xE840]  }
0x203: {  	v4 =	vmax.f32 v4, v9;
	v9 =	vld [tilespmem:s19+$0xE880]  }
0x204: {  	v4 =	vmax.f32 v4, v5;
	v5 =	vld [tilespmem:s19+$0xE8C0]  }
0x205: {  	v4 =	vmax.f32 v4, v6;
	v6 =	vld [tilespmem:s19+$0xE900]  }
0x206: {  	v4 =	vmax.f32 v4, v7;
	v7 =	vld [tilespmem:s19+$0xE940]  }
0x207: {  	v4 =	vmax.f32 v4, v8;
	v8 =	vld [tilespmem:s19+$0xE980]  }
0x208: {  	v4 =	vmax.f32 v4, v9;
	v9 =	vld [tilespmem:s19+$0xE9C0]  }
0x209: {  	v4 =	vmax.f32 v4, v5;
	v5 =	vld [tilespmem:s19+$0xEA00]  }
0x20a: {  	v4 =	vmax.f32 v4, v6;
	v6 =	vld [tilespmem:s19+$0xEA40]  }
0x20b: {  	v4 =	vmax.f32 v4, v7;
	v7 =	vld [tilespmem:s19+$0xEA80]  }
0x20c: {  	v4 =	vmax.f32 v4, v8;
	v8 =	vld [tilespmem:s19+$0xEAC0]  }
0x20d: {  	v4 =	vmax.f32 v4, v9;
	v9 =	vld [tilespmem:s19+$0xEB00]  }
0x20e: {  	v4 =	vmax.f32 v4, v5;
	v5 =	vld [tilespmem:s19+$0xEB40]  }
0x20f: {  	v4 =	vmax.f32 v4, v6;
	v6 =	vld [tilespmem:s19+$0xEB80]  }
0x210: {  	v4 =	vmax.f32 v4, v7;
	v7 =	vld [tilespmem:s19+$0xEBC0]  }
0x211: {  	s18 =	sor.u32 $0x10, s18;
	v4 =	vmax.f32 v4, v8;
	v8 =	vld [tilespmem:s19+$0xEC00]  }
0x212: {  	s31 =	sadd.s32 $0x0, s18;
	v4 =	vmax.f32 v4, v9;
	v9 =	vld [tilespmem:s19+$0xEC40]  }
0x213: {  	v10 =	vmov s31;
	v4 =	vmax.f32 v4, v5;
	v5 =	vld [tilespmem:s19+$0xEC80]  }
0x214: {  	v10 =	vand.u32 $0x7F, v10;
	v4 =	vmax.f32 v4, v6;
	v6 =	vld [tilespmem:s19+$0xECC0]  }
0x215: {  	v11 =	vld [tilespmem:s19+$0xED00];
	v7 =	vmax.f32 v4, v7;
	v4 =	vbroadcast v10, $0x0  }
0x216: {  	v7 =	vmax.f32 v7, v8;
	v8 =	vld [tilespmem:s19+$0xED40]  }
0x217: {  	v7 =	vmax.f32 v7, v9;
	v9 =	vor.u32 v0, v4  }
0x218: {  	v5 =	vmax.f32 v7, v5  }
0x219: {  	v5 =	vmax.f32 v5, v6  }
0x21a: {  	v5 =	vmax.f32 v5, v11  }
0x21b: {  	v5 =	vmax.f32 v5, v8  }
0x21c: {  	[tilespmem:v9+s12+$0x0] =	vst.idx.msk $0xffff, v5  }
0x21d: {  	v5 =	vld [tilespmem:s19+$0xE110]  }
0x21e: {  	v6 =	vld [tilespmem:s19+$0xE150]  }
0x21f: {  	v7 =	vld [tilespmem:s19+$0xE190]  }
0x220: {  	v8 =	vld [tilespmem:s19+$0xE1D0]  }
0x221: {  	v9 =	vld [tilespmem:s19+$0xE210]  }
0x222: {  	v10 =	vld [tilespmem:s19+$0xE250]  }
0x223: {  	v5 =	vmax.f32 v5, v6;
	v6 =	vld [tilespmem:s19+$0xE290]  }
0x224: {  	v5 =	vmax.f32 v5, v7;
	v7 =	vld [tilespmem:s19+$0xE2D0]  }
0x225: {  	v5 =	vmax.f32 v5, v8;
	v8 =	vld [tilespmem:s19+$0xE310]  }
0x226: {  	v5 =	vmax.f32 v5, v9;
	v9 =	vld [tilespmem:s19+$0xE350]  }
0x227: {  	v5 =	vmax.f32 v5, v10;
	v10 =	vld [tilespmem:s19+$0xE390]  }
0x228: {  	v5 =	vmax.f32 v5, v6;
	v6 =	vld [tilespmem:s19+$0xE3D0]  }
0x229: {  	v5 =	vmax.f32 v5, v7;
	v7 =	vld [tilespmem:s19+$0xE410]  }
0x22a: {  	v5 =	vmax.f32 v5, v8;
	v8 =	vld [tilespmem:s19+$0xE450]  }
0x22b: {  	v5 =	vmax.f32 v5, v9;
	v9 =	vld [tilespmem:s19+$0xE490]  }
0x22c: {  	v5 =	vmax.f32 v5, v10;
	v10 =	vld [tilespmem:s19+$0xE4D0]  }
0x22d: {  	v5 =	vmax.f32 v5, v6;
	v6 =	vld [tilespmem:s19+$0xE510]  }
0x22e: {  	v5 =	vmax.f32 v5, v7;
	v7 =	vld [tilespmem:s19+$0xE550]  }
0x22f: {  	v5 =	vmax.f32 v5, v8;
	v8 =	vld [tilespmem:s19+$0xE590]  }
0x230: {  	v5 =	vmax.f32 v5, v9;
	v9 =	vld [tilespmem:s19+$0xE5D0]  }
0x231: {  	v5 =	vmax.f32 v5, v10;
	v10 =	vld [tilespmem:s19+$0xE610]  }
0x232: {  	v5 =	vmax.f32 v5, v6;
	v6 =	vld [tilespmem:s19+$0xE650]  }
0x233: {  	v5 =	vmax.f32 v5, v7;
	v7 =	vld [tilespmem:s19+$0xE690]  }
0x234: {  	v5 =	vmax.f32 v5, v8;
	v8 =	vld [tilespmem:s19+$0xE6D0]  }
0x235: {  	v5 =	vmax.f32 v5, v9;
	v9 =	vld [tilespmem:s19+$0xE710]  }
0x236: {  	v5 =	vmax.f32 v5, v10;
	v10 =	vld [tilespmem:s19+$0xE750]  }
0x237: {  	v5 =	vmax.f32 v5, v6;
	v6 =	vld [tilespmem:s19+$0xE790]  }
0x238: {  	v5 =	vmax.f32 v5, v7;
	v7 =	vld [tilespmem:s19+$0xE7D0]  }
0x239: {  	v5 =	vmax.f32 v5, v8;
	v8 =	vld [tilespmem:s19+$0xE810]  }
0x23a: {  	v5 =	vmax.f32 v5, v9;
	v9 =	vld [tilespmem:s19+$0xE850]  }
0x23b: {  	v5 =	vmax.f32 v5, v10;
	v10 =	vld [tilespmem:s19+$0xE890]  }
0x23c: {  	v5 =	vmax.f32 v5, v6;
	v6 =	vld [tilespmem:s19+$0xE8D0]  }
0x23d: {  	v5 =	vmax.f32 v5, v7;
	v7 =	vld [tilespmem:s19+$0xE910]  }
0x23e: {  	v5 =	vmax.f32 v5, v8;
	v8 =	vld [tilespmem:s19+$0xE950]  }
0x23f: {  	v5 =	vmax.f32 v5, v9;
	v9 =	vld [tilespmem:s19+$0xE990]  }
0x240: {  	v5 =	vmax.f32 v5, v10;
	v10 =	vld [tilespmem:s19+$0xE9D0]  }
0x241: {  	v5 =	vmax.f32 v5, v6;
	v6 =	vld [tilespmem:s19+$0xEA10]  }
0x242: {  	v5 =	vmax.f32 v5, v7;
	v7 =	vld [tilespmem:s19+$0xEA50]  }
0x243: {  	v5 =	vmax.f32 v5, v8;
	v8 =	vld [tilespmem:s19+$0xEA90]  }
0x244: {  	v5 =	vmax.f32 v5, v9;
	v9 =	vld [tilespmem:s19+$0xEAD0]  }
0x245: {  	v5 =	vmax.f32 v5, v10;
	v10 =	vld [tilespmem:s19+$0xEB10]  }
0x246: {  	v5 =	vmax.f32 v5, v6;
	v6 =	vld [tilespmem:s19+$0xEB50]  }
0x247: {  	v5 =	vmax.f32 v5, v7;
	v7 =	vld [tilespmem:s19+$0xEB90]  }
0x248: {  	v5 =	vmax.f32 v5, v8;
	v8 =	vld [tilespmem:s19+$0xEBD0]  }
0x249: {  	v5 =	vmax.f32 v5, v9;
	v9 =	vld [tilespmem:s19+$0xEC10]  }
0x24a: {  	v5 =	vmax.f32 v5, v10;
	v10 =	vld [tilespmem:s19+$0xEC50]  }
0x24b: {  	v5 =	vmax.f32 v5, v6;
	v6 =	vld [tilespmem:s19+$0xEC90]  }
0x24c: {  	v5 =	vmax.f32 v5, v7;
	v7 =	vld [tilespmem:s19+$0xECD0]  }
0x24d: {  	v5 =	vmax.f32 v5, v8;
	v8 =	vld [tilespmem:s19+$0xED10]  }
0x24e: {  	v5 =	vmax.f32 v5, v9;
	v9 =	vld [tilespmem:s19+$0xED50]  }
0x24f: {  	v5 =	vmax.f32 v5, v10;
	v10 =	vor.u32 v1, v4  }
0x250: {  	v5 =	vmax.f32 v5, v6  }
0x251: {  	v5 =	vmax.f32 v5, v7  }
0x252: {  	v5 =	vmax.f32 v5, v8  }
0x253: {  	v5 =	vmax.f32 v5, v9  }
0x254: {  	[tilespmem:v10+s12+$0x0] =	vst.idx.msk $0xffff, v5  }
0x255: {  	v5 =	vld [tilespmem:s19+$0xE120]  }
0x256: {  	v6 =	vld [tilespmem:s19+$0xE160]  }
0x257: {  	v7 =	vld [tilespmem:s19+$0xE1A0]  }
0x258: {  	v8 =	vld [tilespmem:s19+$0xE1E0]  }
0x259: {  	v9 =	vld [tilespmem:s19+$0xE220]  }
0x25a: {  	v10 =	vld [tilespmem:s19+$0xE260]  }
0x25b: {  	v5 =	vmax.f32 v5, v6;
	v6 =	vld [tilespmem:s19+$0xE2A0]  }
0x25c: {  	v5 =	vmax.f32 v5, v7;
	v7 =	vld [tilespmem:s19+$0xE2E0]  }
0x25d: {  	v5 =	vmax.f32 v5, v8;
	v8 =	vld [tilespmem:s19+$0xE320]  }
0x25e: {  	v5 =	vmax.f32 v5, v9;
	v9 =	vld [tilespmem:s19+$0xE360]  }
0x25f: {  	v5 =	vmax.f32 v5, v10;
	v10 =	vld [tilespmem:s19+$0xE3A0]  }
0x260: {  	v5 =	vmax.f32 v5, v6;
	v6 =	vld [tilespmem:s19+$0xE3E0]  }
0x261: {  	v5 =	vmax.f32 v5, v7;
	v7 =	vld [tilespmem:s19+$0xE420]  }
0x262: {  	v5 =	vmax.f32 v5, v8;
	v8 =	vld [tilespmem:s19+$0xE460]  }
0x263: {  	v5 =	vmax.f32 v5, v9;
	v9 =	vld [tilespmem:s19+$0xE4A0]  }
0x264: {  	v5 =	vmax.f32 v5, v10;
	v10 =	vld [tilespmem:s19+$0xE4E0]  }
0x265: {  	v5 =	vmax.f32 v5, v6;
	v6 =	vld [tilespmem:s19+$0xE520]  }
0x266: {  	v5 =	vmax.f32 v5, v7;
	v7 =	vld [tilespmem:s19+$0xE560]  }
0x267: {  	v5 =	vmax.f32 v5, v8;
	v8 =	vld [tilespmem:s19+$0xE5A0]  }
0x268: {  	v5 =	vmax.f32 v5, v9;
	v9 =	vld [tilespmem:s19+$0xE5E0]  }
0x269: {  	v5 =	vmax.f32 v5, v10;
	v10 =	vld [tilespmem:s19+$0xE620]  }
0x26a: {  	v5 =	vmax.f32 v5, v6;
	v6 =	vld [tilespmem:s19+$0xE660]  }
0x26b: {  	v5 =	vmax.f32 v5, v7;
	v7 =	vld [tilespmem:s19+$0xE6A0]  }
0x26c: {  	v5 =	vmax.f32 v5, v8;
	v8 =	vld [tilespmem:s19+$0xE6E0]  }
0x26d: {  	v5 =	vmax.f32 v5, v9;
	v9 =	vld [tilespmem:s19+$0xE720]  }
0x26e: {  	v5 =	vmax.f32 v5, v10;
	v10 =	vld [tilespmem:s19+$0xE760]  }
0x26f: {  	v5 =	vmax.f32 v5, v6;
	v6 =	vld [tilespmem:s19+$0xE7A0]  }
0x270: {  	v5 =	vmax.f32 v5, v7;
	v7 =	vld [tilespmem:s19+$0xE7E0]  }
0x271: {  	v5 =	vmax.f32 v5, v8;
	v8 =	vld [tilespmem:s19+$0xE820]  }
0x272: {  	v5 =	vmax.f32 v5, v9;
	v9 =	vld [tilespmem:s19+$0xE860]  }
0x273: {  	v5 =	vmax.f32 v5, v10;
	v10 =	vld [tilespmem:s19+$0xE8A0]  }
0x274: {  	v5 =	vmax.f32 v5, v6;
	v6 =	vld [tilespmem:s19+$0xE8E0]  }
0x275: {  	v5 =	vmax.f32 v5, v7;
	v7 =	vld [tilespmem:s19+$0xE920]  }
0x276: {  	v5 =	vmax.f32 v5, v8;
	v8 =	vld [tilespmem:s19+$0xE960]  }
0x277: {  	v5 =	vmax.f32 v5, v9;
	v9 =	vld [tilespmem:s19+$0xE9A0]  }
0x278: {  	v5 =	vmax.f32 v5, v10;
	v10 =	vld [tilespmem:s19+$0xE9E0]  }
0x279: {  	v5 =	vmax.f32 v5, v6;
	v6 =	vld [tilespmem:s19+$0xEA20]  }
0x27a: {  	v5 =	vmax.f32 v5, v7;
	v7 =	vld [tilespmem:s19+$0xEA60]  }
0x27b: {  	v5 =	vmax.f32 v5, v8;
	v8 =	vld [tilespmem:s19+$0xEAA0]  }
0x27c: {  	v5 =	vmax.f32 v5, v9;
	v9 =	vld [tilespmem:s19+$0xEAE0]  }
0x27d: {  	v5 =	vmax.f32 v5, v10;
	v10 =	vld [tilespmem:s19+$0xEB20]  }
0x27e: {  	v5 =	vmax.f32 v5, v6;
	v6 =	vld [tilespmem:s19+$0xEB60]  }
0x27f: {  	v5 =	vmax.f32 v5, v7;
	v7 =	vld [tilespmem:s19+$0xEBA0]  }
0x280: {  	v5 =	vmax.f32 v5, v8;
	v8 =	vld [tilespmem:s19+$0xEBE0]  }
0x281: {  	v5 =	vmax.f32 v5, v9;
	v9 =	vld [tilespmem:s19+$0xEC20]  }
0x282: {  	v5 =	vmax.f32 v5, v10;
	v10 =	vld [tilespmem:s19+$0xEC60]  }
0x283: {  	v5 =	vmax.f32 v5, v6;
	v6 =	vld [tilespmem:s19+$0xECA0]  }
0x284: {  	v5 =	vmax.f32 v5, v7;
	v7 =	vld [tilespmem:s19+$0xECE0]  }
0x285: {  	v5 =	vmax.f32 v5, v8;
	v8 =	vld [tilespmem:s19+$0xED20]  }
0x286: {  	v5 =	vmax.f32 v5, v9;
	v9 =	vld [tilespmem:s19+$0xED60]  }
0x287: {  	v5 =	vmax.f32 v5, v10;
	v10 =	vor.u32 v2, v4  }
0x288: {  	v5 =	vmax.f32 v5, v6  }
0x289: {  	v5 =	vmax.f32 v5, v7  }
0x28a: {  	v5 =	vmax.f32 v5, v8  }
0x28b: {  	v5 =	vmax.f32 v5, v9  }
0x28c: {  	[tilespmem:v10+s12+$0x0] =	vst.idx.msk $0xffff, v5  }
0x28d: {  	v5 =	vld [tilespmem:s19+$0xE130]  }
0x28e: {  	v6 =	vld [tilespmem:s19+$0xE170]  }
0x28f: {  	v7 =	vld [tilespmem:s19+$0xE1B0]  }
0x290: {  	v8 =	vld [tilespmem:s19+$0xE1F0]  }
0x291: {  	v9 =	vld [tilespmem:s19+$0xE230]  }
0x292: {  	v10 =	vld [tilespmem:s19+$0xE270]  }
0x293: {  	v5 =	vmax.f32 v5, v6;
	v6 =	vld [tilespmem:s19+$0xE2B0]  }
0x294: {  	v5 =	vmax.f32 v5, v7;
	v7 =	vld [tilespmem:s19+$0xE2F0]  }
0x295: {  	v5 =	vmax.f32 v5, v8;
	v8 =	vld [tilespmem:s19+$0xE330]  }
0x296: {  	v5 =	vmax.f32 v5, v9;
	v9 =	vld [tilespmem:s19+$0xE370]  }
0x297: {  	v5 =	vmax.f32 v5, v10;
	v10 =	vld [tilespmem:s19+$0xE3B0]  }
0x298: {  	v5 =	vmax.f32 v5, v6;
	v6 =	vld [tilespmem:s19+$0xE3F0]  }
0x299: {  	v5 =	vmax.f32 v5, v7;
	v7 =	vld [tilespmem:s19+$0xE430]  }
0x29a: {  	v5 =	vmax.f32 v5, v8;
	v8 =	vld [tilespmem:s19+$0xE470]  }
0x29b: {  	v5 =	vmax.f32 v5, v9;
	v9 =	vld [tilespmem:s19+$0xE4B0]  }
0x29c: {  	v5 =	vmax.f32 v5, v10;
	v10 =	vld [tilespmem:s19+$0xE4F0]  }
0x29d: {  	v5 =	vmax.f32 v5, v6;
	v6 =	vld [tilespmem:s19+$0xE530]  }
0x29e: {  	v5 =	vmax.f32 v5, v7;
	v7 =	vld [tilespmem:s19+$0xE570]  }
0x29f: {  	v5 =	vmax.f32 v5, v8;
	v8 =	vld [tilespmem:s19+$0xE5B0]  }
0x2a0: {  	v5 =	vmax.f32 v5, v9;
	v9 =	vld [tilespmem:s19+$0xE5F0]  }
0x2a1: {  	v5 =	vmax.f32 v5, v10;
	v10 =	vld [tilespmem:s19+$0xE630]  }
0x2a2: {  	v5 =	vmax.f32 v5, v6;
	v6 =	vld [tilespmem:s19+$0xE670]  }
0x2a3: {  	v5 =	vmax.f32 v5, v7;
	v7 =	vld [tilespmem:s19+$0xE6B0]  }
0x2a4: {  	v5 =	vmax.f32 v5, v8;
	v8 =	vld [tilespmem:s19+$0xE6F0]  }
0x2a5: {  	v5 =	vmax.f32 v5, v9;
	v9 =	vld [tilespmem:s19+$0xE730]  }
0x2a6: {  	v5 =	vmax.f32 v5, v10;
	v10 =	vld [tilespmem:s19+$0xE770]  }
0x2a7: {  	v5 =	vmax.f32 v5, v6;
	v6 =	vld [tilespmem:s19+$0xE7B0]  }
0x2a8: {  	v5 =	vmax.f32 v5, v7;
	v7 =	vld [tilespmem:s19+$0xE7F0]  }
0x2a9: {  	v5 =	vmax.f32 v5, v8;
	v8 =	vld [tilespmem:s19+$0xE830]  }
0x2aa: {  	v5 =	vmax.f32 v5, v9;
	v9 =	vld [tilespmem:s19+$0xE870]  }
0x2ab: {  	v5 =	vmax.f32 v5, v10;
	v10 =	vld [tilespmem:s19+$0xE8B0]  }
0x2ac: {  	v5 =	vmax.f32 v5, v6;
	v6 =	vld [tilespmem:s19+$0xE8F0]  }
0x2ad: {  	v5 =	vmax.f32 v5, v7;
	v7 =	vld [tilespmem:s19+$0xE930]  }
0x2ae: {  	v5 =	vmax.f32 v5, v8;
	v8 =	vld [tilespmem:s19+$0xE970]  }
0x2af: {  	v5 =	vmax.f32 v5, v9;
	v9 =	vld [tilespmem:s19+$0xE9B0]  }
0x2b0: {  	v5 =	vmax.f32 v5, v10;
	v10 =	vld [tilespmem:s19+$0xE9F0]  }
0x2b1: {  	v5 =	vmax.f32 v5, v6;
	v6 =	vld [tilespmem:s19+$0xEA30]  }
0x2b2: {  	v5 =	vmax.f32 v5, v7;
	v7 =	vld [tilespmem:s19+$0xEA70]  }
0x2b3: {  	v5 =	vmax.f32 v5, v8;
	v8 =	vld [tilespmem:s19+$0xEAB0]  }
0x2b4: {  	v5 =	vmax.f32 v5, v9;
	v9 =	vld [tilespmem:s19+$0xEAF0]  }
0x2b5: {  	v5 =	vmax.f32 v5, v10;
	v10 =	vld [tilespmem:s19+$0xEB30]  }
0x2b6: {  	v11 =	vld [tilespmem:s19+$0xEB70];
	v5 =	vmax.f32 v5, v6  }
0x2b7: {  	v12 =	vld [tilespmem:s19+$0xEBB0];
	v5 =	vmax.f32 v5, v7  }
0x2b8: {  	v13 =	vld [tilespmem:s19+$0xEBF0];
	v5 =	vmax.f32 v5, v8  }
0x2b9: {  	v6 =	vmax.f32 v5, v9;
	v5 =	vld [tilespmem:s19+$0xEC30]  }
0x2ba: {  	v7 =	vmax.f32 v6, v10;
	v6 =	vld [tilespmem:s19+$0xEC70]  }
0x2bb: {  	v8 =	vmax.f32 v7, v11;
	v7 =	vld [tilespmem:s19+$0xECB0]  }
0x2bc: {  	v9 =	vmax.f32 v8, v12;
	v8 =	vld [tilespmem:s19+$0xECF0]  }
0x2bd: {  	s20 =	simm.s32 $0x1;
	v10 =	vmax.f32 v9, v13;
	v9 =	vld [tilespmem:s19+$0xED30]  }
.LBB2_5:
0x2be: {  	p1 =	sne.s32 s20, $0xF;
	v11 =	vld [tilespmem:s19+$0xED70];
	s21 =	smov.u32 s20;
	s20 =	sadd.s32 $0x1, s20  }
0x2bf: {  	v5 =	vmax.f32 v10, v5;
	v4 =	vor.u32 v3, v4  }
0x2c0: {  	v5 =	vmax.f32 v5, v6  }
0x2c1: {  	s19 =	smul.u32 $0x3200, s21;
	v5 =	vmax.f32 v5, v7  }
0x2c2: {  	v5 =	vmax.f32 v5, v8  }
0x2c3: {  	s19 =	sshra.s32 s19, $0x2;
	v5 =	vmax.f32 v5, v9  }
0x2c4: {  	v5 =	vmax.f32 v5, v11  }
0x2c5: {  	[tilespmem:v4+s12+$0x0] =	vst.idx.msk $0xffff, v5  }
0x2c6: {  	v4 =	vld [tilespmem:s19+$0xE100]  }
0x2c7: {  	v5 =	vld [tilespmem:s19+$0xE140]  }
0x2c8: {  	v6 =	vld [tilespmem:s19+$0xE180]  }
0x2c9: {  	v7 =	vld [tilespmem:s19+$0xE1C0]  }
0x2ca: {  	v8 =	vld [tilespmem:s19+$0xE200]  }
0x2cb: {  	v9 =	vld [tilespmem:s19+$0xE240]  }
0x2cc: {  	v4 =	vmax.f32 v4, v5;
	v5 =	vld [tilespmem:s19+$0xE280]  }
0x2cd: {  	v4 =	vmax.f32 v4, v6;
	v6 =	vld [tilespmem:s19+$0xE2C0]  }
0x2ce: {  	v4 =	vmax.f32 v4, v7;
	v7 =	vld [tilespmem:s19+$0xE300]  }
0x2cf: {  	v4 =	vmax.f32 v4, v8;
	v8 =	vld [tilespmem:s19+$0xE340]  }
0x2d0: {  	v4 =	vmax.f32 v4, v9;
	v9 =	vld [tilespmem:s19+$0xE380]  }
0x2d1: {  	v4 =	vmax.f32 v4, v5;
	v5 =	vld [tilespmem:s19+$0xE3C0]  }
0x2d2: {  	v4 =	vmax.f32 v4, v6;
	v6 =	vld [tilespmem:s19+$0xE400]  }
0x2d3: {  	v4 =	vmax.f32 v4, v7;
	v7 =	vld [tilespmem:s19+$0xE440]  }
0x2d4: {  	v4 =	vmax.f32 v4, v8;
	v8 =	vld [tilespmem:s19+$0xE480]  }
0x2d5: {  	v4 =	vmax.f32 v4, v9;
	v9 =	vld [tilespmem:s19+$0xE4C0]  }
0x2d6: {  	v4 =	vmax.f32 v4, v5;
	v5 =	vld [tilespmem:s19+$0xE500]  }
0x2d7: {  	v4 =	vmax.f32 v4, v6;
	v6 =	vld [tilespmem:s19+$0xE540]  }
0x2d8: {  	v4 =	vmax.f32 v4, v7;
	v7 =	vld [tilespmem:s19+$0xE580]  }
0x2d9: {  	v4 =	vmax.f32 v4, v8;
	v8 =	vld [tilespmem:s19+$0xE5C0]  }
0x2da: {  	v4 =	vmax.f32 v4, v9;
	v9 =	vld [tilespmem:s19+$0xE600]  }
0x2db: {  	v4 =	vmax.f32 v4, v5;
	v5 =	vld [tilespmem:s19+$0xE640]  }
0x2dc: {  	v4 =	vmax.f32 v4, v6;
	v6 =	vld [tilespmem:s19+$0xE680]  }
0x2dd: {  	v4 =	vmax.f32 v4, v7;
	v7 =	vld [tilespmem:s19+$0xE6C0]  }
0x2de: {  	v4 =	vmax.f32 v4, v8;
	v8 =	vld [tilespmem:s19+$0xE700]  }
0x2df: {  	v4 =	vmax.f32 v4, v9;
	v9 =	vld [tilespmem:s19+$0xE740]  }
0x2e0: {  	v4 =	vmax.f32 v4, v5;
	v5 =	vld [tilespmem:s19+$0xE780]  }
0x2e1: {  	v4 =	vmax.f32 v4, v6;
	v6 =	vld [tilespmem:s19+$0xE7C0]  }
0x2e2: {  	v4 =	vmax.f32 v4, v7;
	v7 =	vld [tilespmem:s19+$0xE800]  }
0x2e3: {  	v4 =	vmax.f32 v4, v8;
	v8 =	vld [tilespmem:s19+$0xE840]  }
0x2e4: {  	v4 =	vmax.f32 v4, v9;
	v9 =	vld [tilespmem:s19+$0xE880]  }
0x2e5: {  	v4 =	vmax.f32 v4, v5;
	v5 =	vld [tilespmem:s19+$0xE8C0]  }
0x2e6: {  	v4 =	vmax.f32 v4, v6;
	v6 =	vld [tilespmem:s19+$0xE900]  }
0x2e7: {  	v4 =	vmax.f32 v4, v7;
	v7 =	vld [tilespmem:s19+$0xE940]  }
0x2e8: {  	v4 =	vmax.f32 v4, v8;
	v8 =	vld [tilespmem:s19+$0xE980]  }
0x2e9: {  	v4 =	vmax.f32 v4, v9;
	v9 =	vld [tilespmem:s19+$0xE9C0]  }
0x2ea: {  	v4 =	vmax.f32 v4, v5;
	v5 =	vld [tilespmem:s19+$0xEA00]  }
0x2eb: {  	v4 =	vmax.f32 v4, v6;
	v6 =	vld [tilespmem:s19+$0xEA40]  }
0x2ec: {  	v4 =	vmax.f32 v4, v7;
	v7 =	vld [tilespmem:s19+$0xEA80]  }
0x2ed: {  	v4 =	vmax.f32 v4, v8;
	v8 =	vld [tilespmem:s19+$0xEAC0]  }
0x2ee: {  	v4 =	vmax.f32 v4, v9;
	v9 =	vld [tilespmem:s19+$0xEB00]  }
0x2ef: {  	v4 =	vmax.f32 v4, v5;
	v5 =	vld [tilespmem:s19+$0xEB40]  }
0x2f0: {  	v4 =	vmax.f32 v4, v6;
	v6 =	vld [tilespmem:s19+$0xEB80]  }
0x2f1: {  	v4 =	vmax.f32 v4, v7;
	v7 =	vld [tilespmem:s19+$0xEBC0]  }
0x2f2: {  	v4 =	vmax.f32 v4, v8;
	v8 =	vld [tilespmem:s19+$0xEC00]  }
0x2f3: {  	s21 =	sadd.s32 s18, s21;
	v4 =	vmax.f32 v4, v9;
	v9 =	vld [tilespmem:s19+$0xEC40]  }
0x2f4: {  	v10 =	vmov s21;
	v4 =	vmax.f32 v4, v5;
	v5 =	vld [tilespmem:s19+$0xEC80]  }
0x2f5: {  	v10 =	vand.u32 $0x7F, v10;
	v4 =	vmax.f32 v4, v6;
	v6 =	vld [tilespmem:s19+$0xECC0]  }
0x2f6: {  	v7 =	vmax.f32 v4, v7;
	v11 =	vld [tilespmem:s19+$0xED00];
	v4 =	vbroadcast v10, $0x0  }
0x2f7: {  	v7 =	vmax.f32 v7, v8;
	v8 =	vld [tilespmem:s19+$0xED40]  }
0x2f8: {  	v7 =	vmax.f32 v7, v9;
	v9 =	vor.u32 v0, v4  }
0x2f9: {  	v5 =	vmax.f32 v7, v5  }
0x2fa: {  	v5 =	vmax.f32 v5, v6  }
0x2fb: {  	v5 =	vmax.f32 v5, v11  }
0x2fc: {  	v5 =	vmax.f32 v5, v8  }
0x2fd: {  	[tilespmem:v9+s12+$0x0] =	vst.idx.msk $0xffff, v5  }
0x2fe: {  	v5 =	vld [tilespmem:s19+$0xE110]  }
0x2ff: {  	v6 =	vld [tilespmem:s19+$0xE150]  }
0x300: {  	v7 =	vld [tilespmem:s19+$0xE190]  }
0x301: {  	v8 =	vld [tilespmem:s19+$0xE1D0]  }
0x302: {  	v9 =	vld [tilespmem:s19+$0xE210]  }
0x303: {  	v10 =	vld [tilespmem:s19+$0xE250]  }
0x304: {  	v5 =	vmax.f32 v5, v6;
	v6 =	vld [tilespmem:s19+$0xE290]  }
0x305: {  	v5 =	vmax.f32 v5, v7;
	v7 =	vld [tilespmem:s19+$0xE2D0]  }
0x306: {  	v5 =	vmax.f32 v5, v8;
	v8 =	vld [tilespmem:s19+$0xE310]  }
0x307: {  	v5 =	vmax.f32 v5, v9;
	v9 =	vld [tilespmem:s19+$0xE350]  }
0x308: {  	v5 =	vmax.f32 v5, v10;
	v10 =	vld [tilespmem:s19+$0xE390]  }
0x309: {  	v5 =	vmax.f32 v5, v6;
	v6 =	vld [tilespmem:s19+$0xE3D0]  }
0x30a: {  	v5 =	vmax.f32 v5, v7;
	v7 =	vld [tilespmem:s19+$0xE410]  }
0x30b: {  	v5 =	vmax.f32 v5, v8;
	v8 =	vld [tilespmem:s19+$0xE450]  }
0x30c: {  	v5 =	vmax.f32 v5, v9;
	v9 =	vld [tilespmem:s19+$0xE490]  }
0x30d: {  	v5 =	vmax.f32 v5, v10;
	v10 =	vld [tilespmem:s19+$0xE4D0]  }
0x30e: {  	v5 =	vmax.f32 v5, v6;
	v6 =	vld [tilespmem:s19+$0xE510]  }
0x30f: {  	v5 =	vmax.f32 v5, v7;
	v7 =	vld [tilespmem:s19+$0xE550]  }
0x310: {  	v5 =	vmax.f32 v5, v8;
	v8 =	vld [tilespmem:s19+$0xE590]  }
0x311: {  	v5 =	vmax.f32 v5, v9;
	v9 =	vld [tilespmem:s19+$0xE5D0]  }
0x312: {  	v5 =	vmax.f32 v5, v10;
	v10 =	vld [tilespmem:s19+$0xE610]  }
0x313: {  	v5 =	vmax.f32 v5, v6;
	v6 =	vld [tilespmem:s19+$0xE650]  }
0x314: {  	v5 =	vmax.f32 v5, v7;
	v7 =	vld [tilespmem:s19+$0xE690]  }
0x315: {  	v5 =	vmax.f32 v5, v8;
	v8 =	vld [tilespmem:s19+$0xE6D0]  }
0x316: {  	v5 =	vmax.f32 v5, v9;
	v9 =	vld [tilespmem:s19+$0xE710]  }
0x317: {  	v5 =	vmax.f32 v5, v10;
	v10 =	vld [tilespmem:s19+$0xE750]  }
0x318: {  	v5 =	vmax.f32 v5, v6;
	v6 =	vld [tilespmem:s19+$0xE790]  }
0x319: {  	v5 =	vmax.f32 v5, v7;
	v7 =	vld [tilespmem:s19+$0xE7D0]  }
0x31a: {  	v5 =	vmax.f32 v5, v8;
	v8 =	vld [tilespmem:s19+$0xE810]  }
0x31b: {  	v5 =	vmax.f32 v5, v9;
	v9 =	vld [tilespmem:s19+$0xE850]  }
0x31c: {  	v5 =	vmax.f32 v5, v10;
	v10 =	vld [tilespmem:s19+$0xE890]  }
0x31d: {  	v5 =	vmax.f32 v5, v6;
	v6 =	vld [tilespmem:s19+$0xE8D0]  }
0x31e: {  	v5 =	vmax.f32 v5, v7;
	v7 =	vld [tilespmem:s19+$0xE910]  }
0x31f: {  	v5 =	vmax.f32 v5, v8;
	v8 =	vld [tilespmem:s19+$0xE950]  }
0x320: {  	v5 =	vmax.f32 v5, v9;
	v9 =	vld [tilespmem:s19+$0xE990]  }
0x321: {  	v5 =	vmax.f32 v5, v10;
	v10 =	vld [tilespmem:s19+$0xE9D0]  }
0x322: {  	v5 =	vmax.f32 v5, v6;
	v6 =	vld [tilespmem:s19+$0xEA10]  }
0x323: {  	v5 =	vmax.f32 v5, v7;
	v7 =	vld [tilespmem:s19+$0xEA50]  }
0x324: {  	v5 =	vmax.f32 v5, v8;
	v8 =	vld [tilespmem:s19+$0xEA90]  }
0x325: {  	v5 =	vmax.f32 v5, v9;
	v9 =	vld [tilespmem:s19+$0xEAD0]  }
0x326: {  	v5 =	vmax.f32 v5, v10;
	v10 =	vld [tilespmem:s19+$0xEB10]  }
0x327: {  	v5 =	vmax.f32 v5, v6;
	v6 =	vld [tilespmem:s19+$0xEB50]  }
0x328: {  	v5 =	vmax.f32 v5, v7;
	v7 =	vld [tilespmem:s19+$0xEB90]  }
0x329: {  	v5 =	vmax.f32 v5, v8;
	v8 =	vld [tilespmem:s19+$0xEBD0]  }
0x32a: {  	v5 =	vmax.f32 v5, v9;
	v9 =	vld [tilespmem:s19+$0xEC10]  }
0x32b: {  	v5 =	vmax.f32 v5, v10;
	v10 =	vld [tilespmem:s19+$0xEC50]  }
0x32c: {  	v5 =	vmax.f32 v5, v6;
	v6 =	vld [tilespmem:s19+$0xEC90]  }
0x32d: {  	v5 =	vmax.f32 v5, v7;
	v7 =	vld [tilespmem:s19+$0xECD0]  }
0x32e: {  	v5 =	vmax.f32 v5, v8;
	v8 =	vld [tilespmem:s19+$0xED10]  }
0x32f: {  	v5 =	vmax.f32 v5, v9;
	v9 =	vld [tilespmem:s19+$0xED50]  }
0x330: {  	v5 =	vmax.f32 v5, v10;
	v10 =	vor.u32 v1, v4  }
0x331: {  	v5 =	vmax.f32 v5, v6  }
0x332: {  	v5 =	vmax.f32 v5, v7  }
0x333: {  	v5 =	vmax.f32 v5, v8  }
0x334: {  	v5 =	vmax.f32 v5, v9  }
0x335: {  	[tilespmem:v10+s12+$0x0] =	vst.idx.msk $0xffff, v5  }
0x336: {  	v5 =	vld [tilespmem:s19+$0xE120]  }
0x337: {  	v6 =	vld [tilespmem:s19+$0xE160]  }
0x338: {  	v7 =	vld [tilespmem:s19+$0xE1A0]  }
0x339: {  	v8 =	vld [tilespmem:s19+$0xE1E0]  }
0x33a: {  	v9 =	vld [tilespmem:s19+$0xE220]  }
0x33b: {  	v10 =	vld [tilespmem:s19+$0xE260]  }
0x33c: {  	v5 =	vmax.f32 v5, v6;
	v6 =	vld [tilespmem:s19+$0xE2A0]  }
0x33d: {  	v5 =	vmax.f32 v5, v7;
	v7 =	vld [tilespmem:s19+$0xE2E0]  }
0x33e: {  	v5 =	vmax.f32 v5, v8;
	v8 =	vld [tilespmem:s19+$0xE320]  }
0x33f: {  	v5 =	vmax.f32 v5, v9;
	v9 =	vld [tilespmem:s19+$0xE360]  }
0x340: {  	v5 =	vmax.f32 v5, v10;
	v10 =	vld [tilespmem:s19+$0xE3A0]  }
0x341: {  	v5 =	vmax.f32 v5, v6;
	v6 =	vld [tilespmem:s19+$0xE3E0]  }
0x342: {  	v5 =	vmax.f32 v5, v7;
	v7 =	vld [tilespmem:s19+$0xE420]  }
0x343: {  	v5 =	vmax.f32 v5, v8;
	v8 =	vld [tilespmem:s19+$0xE460]  }
0x344: {  	v5 =	vmax.f32 v5, v9;
	v9 =	vld [tilespmem:s19+$0xE4A0]  }
0x345: {  	v5 =	vmax.f32 v5, v10;
	v10 =	vld [tilespmem:s19+$0xE4E0]  }
0x346: {  	v5 =	vmax.f32 v5, v6;
	v6 =	vld [tilespmem:s19+$0xE520]  }
0x347: {  	v5 =	vmax.f32 v5, v7;
	v7 =	vld [tilespmem:s19+$0xE560]  }
0x348: {  	v5 =	vmax.f32 v5, v8;
	v8 =	vld [tilespmem:s19+$0xE5A0]  }
0x349: {  	v5 =	vmax.f32 v5, v9;
	v9 =	vld [tilespmem:s19+$0xE5E0]  }
0x34a: {  	v5 =	vmax.f32 v5, v10;
	v10 =	vld [tilespmem:s19+$0xE620]  }
0x34b: {  	v5 =	vmax.f32 v5, v6;
	v6 =	vld [tilespmem:s19+$0xE660]  }
0x34c: {  	v5 =	vmax.f32 v5, v7;
	v7 =	vld [tilespmem:s19+$0xE6A0]  }
0x34d: {  	v5 =	vmax.f32 v5, v8;
	v8 =	vld [tilespmem:s19+$0xE6E0]  }
0x34e: {  	v5 =	vmax.f32 v5, v9;
	v9 =	vld [tilespmem:s19+$0xE720]  }
0x34f: {  	v5 =	vmax.f32 v5, v10;
	v10 =	vld [tilespmem:s19+$0xE760]  }
0x350: {  	v5 =	vmax.f32 v5, v6;
	v6 =	vld [tilespmem:s19+$0xE7A0]  }
0x351: {  	v5 =	vmax.f32 v5, v7;
	v7 =	vld [tilespmem:s19+$0xE7E0]  }
0x352: {  	v5 =	vmax.f32 v5, v8;
	v8 =	vld [tilespmem:s19+$0xE820]  }
0x353: {  	v5 =	vmax.f32 v5, v9;
	v9 =	vld [tilespmem:s19+$0xE860]  }
0x354: {  	v5 =	vmax.f32 v5, v10;
	v10 =	vld [tilespmem:s19+$0xE8A0]  }
0x355: {  	v5 =	vmax.f32 v5, v6;
	v6 =	vld [tilespmem:s19+$0xE8E0]  }
0x356: {  	v5 =	vmax.f32 v5, v7;
	v7 =	vld [tilespmem:s19+$0xE920]  }
0x357: {  	v5 =	vmax.f32 v5, v8;
	v8 =	vld [tilespmem:s19+$0xE960]  }
0x358: {  	v5 =	vmax.f32 v5, v9;
	v9 =	vld [tilespmem:s19+$0xE9A0]  }
0x359: {  	v5 =	vmax.f32 v5, v10;
	v10 =	vld [tilespmem:s19+$0xE9E0]  }
0x35a: {  	v5 =	vmax.f32 v5, v6;
	v6 =	vld [tilespmem:s19+$0xEA20]  }
0x35b: {  	v5 =	vmax.f32 v5, v7;
	v7 =	vld [tilespmem:s19+$0xEA60]  }
0x35c: {  	v5 =	vmax.f32 v5, v8;
	v8 =	vld [tilespmem:s19+$0xEAA0]  }
0x35d: {  	v5 =	vmax.f32 v5, v9;
	v9 =	vld [tilespmem:s19+$0xEAE0]  }
0x35e: {  	v5 =	vmax.f32 v5, v10;
	v10 =	vld [tilespmem:s19+$0xEB20]  }
0x35f: {  	v5 =	vmax.f32 v5, v6;
	v6 =	vld [tilespmem:s19+$0xEB60]  }
0x360: {  	v5 =	vmax.f32 v5, v7;
	v7 =	vld [tilespmem:s19+$0xEBA0]  }
0x361: {  	v5 =	vmax.f32 v5, v8;
	v8 =	vld [tilespmem:s19+$0xEBE0]  }
0x362: {  	v5 =	vmax.f32 v5, v9;
	v9 =	vld [tilespmem:s19+$0xEC20]  }
0x363: {  	v5 =	vmax.f32 v5, v10;
	v10 =	vld [tilespmem:s19+$0xEC60]  }
0x364: {  	v5 =	vmax.f32 v5, v6;
	v6 =	vld [tilespmem:s19+$0xECA0]  }
0x365: {  	v5 =	vmax.f32 v5, v7;
	v7 =	vld [tilespmem:s19+$0xECE0]  }
0x366: {  	v5 =	vmax.f32 v5, v8;
	v8 =	vld [tilespmem:s19+$0xED20]  }
0x367: {  	v5 =	vmax.f32 v5, v9;
	v9 =	vld [tilespmem:s19+$0xED60]  }
0x368: {  	v5 =	vmax.f32 v5, v10;
	v10 =	vor.u32 v2, v4  }
0x369: {  	v5 =	vmax.f32 v5, v6  }
0x36a: {  	v5 =	vmax.f32 v5, v7  }
0x36b: {  	v5 =	vmax.f32 v5, v8  }
0x36c: {  	v5 =	vmax.f32 v5, v9  }
0x36d: {  	[tilespmem:v10+s12+$0x0] =	vst.idx.msk $0xffff, v5  }
0x36e: {  	v5 =	vld [tilespmem:s19+$0xE130]  }
0x36f: {  	v6 =	vld [tilespmem:s19+$0xE170]  }
0x370: {  	v7 =	vld [tilespmem:s19+$0xE1B0]  }
0x371: {  	v8 =	vld [tilespmem:s19+$0xE1F0]  }
0x372: {  	v9 =	vld [tilespmem:s19+$0xE230]  }
0x373: {  	v10 =	vld [tilespmem:s19+$0xE270]  }
0x374: {  	v5 =	vmax.f32 v5, v6;
	v6 =	vld [tilespmem:s19+$0xE2B0]  }
0x375: {  	v5 =	vmax.f32 v5, v7;
	v7 =	vld [tilespmem:s19+$0xE2F0]  }
0x376: {  	v5 =	vmax.f32 v5, v8;
	v8 =	vld [tilespmem:s19+$0xE330]  }
0x377: {  	v5 =	vmax.f32 v5, v9;
	v9 =	vld [tilespmem:s19+$0xE370]  }
0x378: {  	v5 =	vmax.f32 v5, v10;
	v10 =	vld [tilespmem:s19+$0xE3B0]  }
0x379: {  	v5 =	vmax.f32 v5, v6;
	v6 =	vld [tilespmem:s19+$0xE3F0]  }
0x37a: {  	v5 =	vmax.f32 v5, v7;
	v7 =	vld [tilespmem:s19+$0xE430]  }
0x37b: {  	v5 =	vmax.f32 v5, v8;
	v8 =	vld [tilespmem:s19+$0xE470]  }
0x37c: {  	v5 =	vmax.f32 v5, v9;
	v9 =	vld [tilespmem:s19+$0xE4B0]  }
0x37d: {  	v5 =	vmax.f32 v5, v10;
	v10 =	vld [tilespmem:s19+$0xE4F0]  }
0x37e: {  	v5 =	vmax.f32 v5, v6;
	v6 =	vld [tilespmem:s19+$0xE530]  }
0x37f: {  	v5 =	vmax.f32 v5, v7;
	v7 =	vld [tilespmem:s19+$0xE570]  }
0x380: {  	v5 =	vmax.f32 v5, v8;
	v8 =	vld [tilespmem:s19+$0xE5B0]  }
0x381: {  	v5 =	vmax.f32 v5, v9;
	v9 =	vld [tilespmem:s19+$0xE5F0]  }
0x382: {  	v5 =	vmax.f32 v5, v10;
	v10 =	vld [tilespmem:s19+$0xE630]  }
0x383: {  	v5 =	vmax.f32 v5, v6;
	v6 =	vld [tilespmem:s19+$0xE670]  }
0x384: {  	v5 =	vmax.f32 v5, v7;
	v7 =	vld [tilespmem:s19+$0xE6B0]  }
0x385: {  	v5 =	vmax.f32 v5, v8;
	v8 =	vld [tilespmem:s19+$0xE6F0]  }
0x386: {  	v5 =	vmax.f32 v5, v9;
	v9 =	vld [tilespmem:s19+$0xE730]  }
0x387: {  	v5 =	vmax.f32 v5, v10;
	v10 =	vld [tilespmem:s19+$0xE770]  }
0x388: {  	v5 =	vmax.f32 v5, v6;
	v6 =	vld [tilespmem:s19+$0xE7B0]  }
0x389: {  	v5 =	vmax.f32 v5, v7;
	v7 =	vld [tilespmem:s19+$0xE7F0]  }
0x38a: {  	v5 =	vmax.f32 v5, v8;
	v8 =	vld [tilespmem:s19+$0xE830]  }
0x38b: {  	v5 =	vmax.f32 v5, v9;
	v9 =	vld [tilespmem:s19+$0xE870]  }
0x38c: {  	v5 =	vmax.f32 v5, v10;
	v10 =	vld [tilespmem:s19+$0xE8B0]  }
0x38d: {  	v5 =	vmax.f32 v5, v6;
	v6 =	vld [tilespmem:s19+$0xE8F0]  }
0x38e: {  	v5 =	vmax.f32 v5, v7;
	v7 =	vld [tilespmem:s19+$0xE930]  }
0x38f: {  	v5 =	vmax.f32 v5, v8;
	v8 =	vld [tilespmem:s19+$0xE970]  }
0x390: {  	v5 =	vmax.f32 v5, v9;
	v9 =	vld [tilespmem:s19+$0xE9B0]  }
0x391: {  	v5 =	vmax.f32 v5, v10;
	v10 =	vld [tilespmem:s19+$0xE9F0]  }
0x392: {  	v5 =	vmax.f32 v5, v6;
	v6 =	vld [tilespmem:s19+$0xEA30]  }
0x393: {  	v5 =	vmax.f32 v5, v7;
	v7 =	vld [tilespmem:s19+$0xEA70]  }
0x394: {  	v5 =	vmax.f32 v5, v8;
	v8 =	vld [tilespmem:s19+$0xEAB0]  }
0x395: {  	v5 =	vmax.f32 v5, v9;
	v9 =	vld [tilespmem:s19+$0xEAF0]  }
0x396: {  	v5 =	vmax.f32 v5, v10;
	v10 =	vld [tilespmem:s19+$0xEB30]  }
0x397: {  	v5 =	vmax.f32 v5, v6;
	v11 =	vld [tilespmem:s19+$0xEB70]  }
0x398: {  	v5 =	vmax.f32 v5, v7;
	v12 =	vld [tilespmem:s19+$0xEBB0]  }
0x399: {  	v5 =	vmax.f32 v5, v8;
	v13 =	vld [tilespmem:s19+$0xEBF0]  }
.Ltmp3:
0x39a: {  	v6 =	vmax.f32 v5, v9;
	v5 =	vld [tilespmem:s19+$0xEC30];
	(pc) =	sbr.rel @p1 .LBB2_5-.Ltmp3, $4  }
0x39b: {  	v7 =	vmax.f32 v6, v10;
	v6 =	vld [tilespmem:s19+$0xEC70]  }
0x39c: {  	v8 =	vmax.f32 v7, v11;
	v7 =	vld [tilespmem:s19+$0xECB0]  }
0x39d: {  	v9 =	vmax.f32 v8, v12;
	v8 =	vld [tilespmem:s19+$0xECF0]  }
0x39e: {  	v10 =	vmax.f32 v9, v13;
	v9 =	vld [tilespmem:s19+$0xED30]  }
0x39f: {  	v11 =	vld [tilespmem:s19+$0xED70];
	v5 =	vmax.f32 v10, v5  }
0x3a0: {  	v4 =	vor.u32 v3, v4;
	v5 =	vmax.f32 v5, v6  }
.Ltmp4:
0x3a1: {  	v5 =	vmax.f32 v5, v7;
	(pc) =	sbr.rel @p0 .LBB2_8-.Ltmp4, $4  }
0x3a2: {  	v5 =	vmax.f32 v5, v8  }
0x3a3: {  	v5 =	vmax.f32 v5, v9  }
0x3a4: {  	v5 =	vmax.f32 v5, v11  }
0x3a5: {  	[tilespmem:v4+s12+$0x0] =	vst.idx.msk $0xffff, v5  }
0x3a6: {  	s18 =	smul.u32 $0x1900, s17  }
.Ltmp5:
0x3a7: {  	_ = 	snop;
	(pc) =	sbr.rel .LBB2_2-.Ltmp5, $4  }
0x3a8: {  	_ = 	snop  }
0x3a9: {  	s18 =	sshra.s32 s18, $0x2  }
0x3aa: {  	s17 =	sadd.s32 $0x1, s17;
	s18 =	sadd.s32 $0x960, s18  }
0x3ab: {  	[tilespmem:s10], [sflag:$0x2] =	stream.indirect.gather [hbm4b:s3+s8], $0x40, s18, s8, $0xb8;
	[tilespmem:$0x1C900] =	vst v63  }
.LBB2_9:
0x3ac: {  	_ =	sfence.sel $0x180000  }
0x3ad: {  	[bflag:$0x0] =	sbarrier.arrive $0xFFFF  }
0x3ae: {  	p0 =	sne.s32 s1, $0x0;
	_ =	strace $0x90000047  }
0x3af: {  	s0 =	sadd.s32 @!p0 $0x100000, s0;
	[bflag:$0x2] =	sbarrier.arrive $0xFFFF  }
0x3b0: {  	[sflag:s0] =	ssyncadd.tile.s32 @!p0 $0x1;
	_ =	shalt  }
.Lfunc_end2:
_tile_overlayer_lowered:
.L_overlay_start_2:
0x3b1: {  	(tag) =	ssettag $0x2  }
0x3b2: {  	s0 =	rddreg [dreg:$0x0];
	s2 =	stileid.u32  }
0x3b3: {  	s1 =	rddreg [dreg:$0x1];
	p0 =	sne.s32 s2, $0x0  }
0x3b4: {  	s3 =	rddreg [dreg:$0x2];
	[bflag:$0x3] =	sbarrier.arrive $0xFFFF;
	s2 =	simm.s32 @!p0 $0x1C03  }
0x3b5: {  	[timem:s3], [sflag:s2] =	dma.local @!p0 [hbm:s0], s1  }
0x3b6: {  	s0 =	simm.s32 @!p0 $0x3  }
0x3b7: {  	_ =	swait.ge @!p0 [sflag:s0], s1  }
0x3b8: {  	s1 =	ssub.s32 @!p0 $0x0, s1;
	[sflag:s0] =	ssyncset.done @!p0 $0x0  }
0x3b9: {  	[sflag:s0] =	ssyncadd.s32 @!p0 s1  }
0x3ba: {  	[bflag:$0x3] =	sbarrier.arrive $0xFFFF  }
0x3bb: {  	_ =	shalt  }

</sc_bundles>
